<compile_context>
chip_gen: v7x
topology: tpu7x:2x2x1
jax: 0.10.2.dev20260603
libtpu: 0.0.44.dev20260713+nightly
codegen_flags: <defaults>
</compile_context>

<pallas_src>
import jax
import jax.numpy as jnp
from jax import lax
from jax.experimental import pallas as pl
from jax.experimental.pallas import tpu as pltpu
from jax.experimental.pallas import tpu_sc as plsc

N, E, FEAT, HID = 4096, 32768, 256, 128
NS = 16
NW = 2 * NS
SCAN = E // NS
AGG = E // NW
CHUNK = 128


def _f32(*shape):
    return jax.ShapeDtypeStruct(shape, jnp.float32)


def _ln(t, g, b, eps=1e-5):
    mu = jnp.mean(t, axis=-1, keepdims=True)
    var = jnp.mean((t - mu) ** 2, axis=-1, keepdims=True)
    return (t - mu) / jnp.sqrt(var + eps) * g + b


def _gelu(t):
    return 0.5 * t * (1.0 + lax.erf(t * 0.7071067811865476))


def _elu(t):
    return jnp.where(t > 0, t, jnp.exp(t) - 1.0)



def _tc1_body(x_ref, w1_ref, b1_ref, g0_ref, bb0_ref, gw_ref, att_ref,
              h_ref, hw_ref, sc_ref):
    t = jnp.dot(x_ref[...], w1_ref[...], preferred_element_type=jnp.float32)
    h = _gelu(_ln(t + b1_ref[...], g0_ref[...], bb0_ref[...]))
    h_ref[...] = h
    hw = jnp.dot(h, gw_ref[...], preferred_element_type=jnp.float32)
    hw_ref[...] = hw
    sc_ref[...] = jnp.dot(hw, att_ref[...], preferred_element_type=jnp.float32)


_tc1 = pl.pallas_call(
    _tc1_body,
    out_shape=(_f32(N, HID), _f32(N, HID), _f32(N, 2)),
)


def _tc2_body(h_ref, parts_ref, g_ref, b_ref, gw_ref, att_ref,
              h1_ref, hw_ref, sc_ref):
    agg = parts_ref[0] + parts_ref[1]
    h1 = _ln(h_ref[...] + _elu(agg), g_ref[...], b_ref[...])
    h1_ref[...] = h1
    hw = jnp.dot(h1, gw_ref[...], preferred_element_type=jnp.float32)
    hw_ref[...] = hw
    sc_ref[...] = jnp.dot(hw, att_ref[...], preferred_element_type=jnp.float32)


_tc2 = pl.pallas_call(
    _tc2_body,
    out_shape=(_f32(N, HID), _f32(N, HID), _f32(N, 2)),
)


def _tc3_body(h1_ref, parts_ref, g_ref, b_ref, w1_ref, b1_ref, w2_ref,
              b2_ref, out_ref):
    agg = parts_ref[0] + parts_ref[1]
    h2 = _ln(h1_ref[...] + _elu(agg), g_ref[...], b_ref[...])
    gm = jnp.mean(h2, axis=0, keepdims=True)
    s1 = _gelu(jnp.dot(gm, w1_ref[...], preferred_element_type=jnp.float32)
               + b1_ref[...])
    out_ref[...] = (jnp.dot(s1, w2_ref[...], preferred_element_type=jnp.float32)
                    + b2_ref[...])


_tc3 = pl.pallas_call(_tc3_body, out_shape=_f32(1, 1))



def _sc_gat_body(ei_hbm, sc_hbm, hw_hbm, out_hbm,
                 sc_loc, den_loc, src_scan, dst_scan, ex_scan,
                 sidx, didx, exch, alpha, rows,
                 den_sh, ex_sh, agg_sh, sem):
    c = lax.axis_index("c")
    s = lax.axis_index("s")
    zeros16 = jnp.zeros((16,), jnp.float32)
    iones16 = jnp.ones((16,), jnp.int32)

    pltpu.sync_copy(sc_hbm, sc_loc)
    base_scan = s * SCAN
    pltpu.sync_copy(ei_hbm.at[0, pl.ds(base_scan, SCAN)], src_scan)
    pltpu.sync_copy(ei_hbm.at[1, pl.ds(base_scan, SCAN)], dst_scan)

    def zrow(r, _):
        for cc in range(HID // 16):
            rows[r, pl.ds(cc * 16, 16)] = zeros16
        return 0
    lax.fori_loop(0, CHUNK, zrow, 0)

    def zden(i, _):
        den_loc[pl.ds(i * 16, 16)] = zeros16
        return 0
    lax.fori_loop(0, N // 16, zden, 0)

    rows_per_sub = N // NS
    for j in range(rows_per_sub // CHUNK):
        pltpu.sync_copy(rows, agg_sh.at[pl.ds(s * rows_per_sub + j * CHUNK,
                                              CHUNK)])

    @pl.when(s == 0)
    def _():
        pltpu.sync_copy(den_loc, den_sh)

    plsc.subcore_barrier()

    def scal(i, _):
        o = i * 16
        sv = src_scan[pl.ds(o, 16)]
        dv = dst_scan[pl.ds(o, 16)]
        a = plsc.load_gather(sc_loc, [sv * 2])
        b = plsc.load_gather(sc_loc, [dv * 2 + iones16])
        e = a + b
        ex_scan[pl.ds(o, 16)] = jnp.exp(jnp.maximum(e, 0.2 * e))
        return 0
    lax.fori_loop(0, SCAN // 16, scal, 0)

    pltpu.sync_copy(ex_scan, ex_sh.at[pl.ds(base_scan, SCAN)])

    def dscat(k, _):
        for j in range(CHUNK // 16):
            didx[pl.ds(j * 16, 16)] = dst_scan[pl.ds(k * CHUNK + j * 16, 16)]
            exch[pl.ds(j * 16, 16)] = ex_scan[pl.ds(k * CHUNK + j * 16, 16)]
        pltpu.sync_copy(exch, den_sh.at[didx], add=True)
        return 0
    lax.fori_loop(0, SCAN // CHUNK, dscat, 0)

    plsc.subcore_barrier()

    pltpu.sync_copy(den_sh, den_loc)

    base_agg = (c * NS + s) * AGG

    def chunkfn(k, _):
        off = base_agg + k * CHUNK
        pltpu.sync_copy(ei_hbm.at[0, pl.ds(off, CHUNK)], sidx)
        pltpu.sync_copy(ei_hbm.at[1, pl.ds(off, CHUNK)], didx)
        pltpu.sync_copy(ex_sh.at[pl.ds(off, CHUNK)], exch)
        pltpu.async_copy(hw_hbm.at[sidx], rows, sem).wait()

        def av(i, _):
            o = i * 16
            dv = didx[pl.ds(o, 16)]
            den_g = plsc.load_gather(den_loc, [dv])
            alpha[pl.ds(o, 16)] = exch[pl.ds(o, 16)] / den_g
            return 0
        lax.fori_loop(0, CHUNK // 16, av, 0)

        def rv(r, _):
            asp = plsc.load_gather(alpha, [jnp.full((16,), r, jnp.int32)])
            for cc in range(HID // 16):
                rows[r, pl.ds(cc * 16, 16)] = rows[r, pl.ds(cc * 16, 16)] * asp
            return 0
        lax.fori_loop(0, CHUNK, rv, 0)

        pltpu.sync_copy(rows, agg_sh.at[didx], add=True)
        return 0
    lax.fori_loop(0, AGG // CHUNK, chunkfn, 0)

    plsc.subcore_barrier()

    for j in range(rows_per_sub // CHUNK):
        o = s * rows_per_sub + j * CHUNK
        pltpu.sync_copy(agg_sh.at[pl.ds(o, CHUNK)],
                        out_hbm.at[c, pl.ds(o, CHUNK)])


_sc_gat = pl.kernel(
    _sc_gat_body,
    out_type=_f32(2, N, HID),
    mesh=plsc.VectorSubcoreMesh(core_axis_name="c", subcore_axis_name="s"),
    compiler_params=pltpu.CompilerParams(needs_layout_passes=False),
    scratch_types=[
        pltpu.VMEM((2 * N,), jnp.float32),
        pltpu.VMEM((N,), jnp.float32),
        pltpu.VMEM((SCAN,), jnp.int32),
        pltpu.VMEM((SCAN,), jnp.int32),
        pltpu.VMEM((SCAN,), jnp.float32),
        pltpu.VMEM((CHUNK,), jnp.int32),
        pltpu.VMEM((CHUNK,), jnp.int32),
        pltpu.VMEM((CHUNK,), jnp.float32),
        pltpu.VMEM((CHUNK,), jnp.float32),
        pltpu.VMEM((CHUNK, HID), jnp.float32),
        pltpu.VMEM_SHARED((N,), jnp.float32),
        pltpu.VMEM_SHARED((E,), jnp.float32),
        pltpu.VMEM_SHARED((N, HID), jnp.float32),
        pltpu.SemaphoreType.DMA,
    ],
)



@jax.jit
def kernel(x, edge_index, edge_attr, W1, b1, ln0_g, ln0_b, edge_table,
           g1_W, g1_att, ln1_g, ln1_b, g2_W, g2_att, ln2_g, ln2_b,
           sh_W1, sh_b1, sh_W2, sh_b2):
    att1 = jnp.concatenate([g1_att[:HID], g1_att[HID:]], axis=1)
    att2 = jnp.concatenate([g2_att[:HID], g2_att[HID:]], axis=1)
    row = lambda v: v.reshape(1, -1)

    h, hw1, sc1 = _tc1(x, W1, row(b1), row(ln0_g), row(ln0_b), g1_W, att1)
    parts1 = _sc_gat(edge_index, sc1.reshape(-1), hw1)
    h1, hw2, sc2 = _tc2(h, parts1, row(ln1_g), row(ln1_b), g2_W, att2)
    parts2 = _sc_gat(edge_index, sc2.reshape(-1), hw2)
    out = _tc3(h1, parts2, row(ln2_g), row(ln2_b), sh_W1, row(sh_b1),
               sh_W2, row(sh_b2))
    return out.reshape(-1)

# --- scband reference (transcript-rebuilt; emitter-appended) ---
"""Pipeline reference for scband-path-reranker-gnn-1606317769045 (READ-ONLY COPY).

The authoritative reference and input builder live on the scoring server;
editing this copy changes nothing except your own understanding.
"""

import jax, jax.numpy as jnp
import numpy as np

N, E, FEAT, HID, NET = 4096, 32768, 256, 128, 16


def _ln(x, g, b, eps=1e-5):
    mu = jnp.mean(x, axis=-1, keepdims=True)
    var = jnp.mean((x - mu) ** 2, axis=-1, keepdims=True)
    return (x - mu) / jnp.sqrt(var + eps) * g + b


def _gat(h, src, dst, W, att_w):
    # _HandwrittenGATConv: h = x @ W; e = leaky_relu(att([h_src || h_dst]), 0.2)
    hW = h @ W
    e = jax.nn.leaky_relu(jnp.concatenate([hW[src], hW[dst]], axis=-1) @ att_w, negative_slope=0.2)[:, 0]
    n = h.shape[0]
    # dense (N, E) -inf matrix + row softmax == per-dst-node segment softmax over incoming edges
    m = jax.lax.stop_gradient(jax.ops.segment_max(e, dst, num_segments=n))
    ex = jnp.exp(e - m[dst])
    den = jax.ops.segment_sum(ex, dst, num_segments=n)
    alpha = ex / den[dst]
    agg = jax.ops.segment_sum(alpha[:, None] * hW[src], dst, num_segments=n)
    # nodes with no incoming edges stay 0, matching torch (their alpha row is never read)
    return jax.nn.elu(agg)


def setup_inputs(seed: int = 0):
    key = jax.random.key(seed)
    ks = jax.random.split(key, 16)
    s = lambda i, shape, scale=0.05: jax.random.normal(ks[i], shape, dtype=jnp.float32) * scale
    inp = {
        'x': jax.random.normal(ks[0], (N, FEAT), dtype=jnp.float32),
        'edge_index': jax.random.randint(ks[1], (2, E), 0, N, dtype=jnp.int32),
        'edge_attr': jax.random.randint(ks[2], (E,), 0, NET + 1, dtype=jnp.int32),
        'W1': s(3, (FEAT, HID)), 'b1': s(4, (HID,)),
        'ln0_g': jnp.ones((HID,), jnp.float32), 'ln0_b': jnp.zeros((HID,), jnp.float32),
        'edge_table': s(5, (NET + 1, HID)).at[0].set(0.0),
        'g1_W': s(6, (HID, HID)), 'g1_att': s(7, (2 * HID, 1)),
        'ln1_g': jnp.ones((HID,), jnp.float32), 'ln1_b': jnp.zeros((HID,), jnp.float32),
        'g2_W': s(8, (HID, HID)), 'g2_att': s(9, (2 * HID, 1)),
        'ln2_g': jnp.ones((HID,), jnp.float32), 'ln2_b': jnp.zeros((HID,), jnp.float32),
        'sh_W1': s(10, (HID, HID // 2)), 'sh_b1': s(11, (HID // 2,)),
        'sh_W2': s(12, (HID // 2, 1)), 'sh_b2': s(13, (1,)),
    }
    return inp


def reference(x, edge_index, edge_attr, W1, b1, ln0_g, ln0_b, edge_table, g1_W, g1_att, ln1_g, ln1_b, g2_W, g2_att, ln2_g, ln2_b, sh_W1, sh_b1, sh_W2, sh_b2):
    src, dst = edge_index[0], edge_index[1]
    # input_proj: Linear -> LayerNorm -> GELU (dropout = identity in eval)
    h = jax.nn.gelu(_ln(x @ W1 + b1, ln0_g, ln0_b), approximate=False)
    # edge embedding is computed but unused in the non-PyG branch (kept for faithfulness)
    ee = edge_table[jnp.minimum(edge_attr, edge_table.shape[0] - 1)]
    h1 = _ln(h + _gat(h, src, dst, g1_W, g1_att), ln1_g, ln1_b)
    h2 = _ln(h1 + _gat(h1, src, dst, g2_W, g2_att), ln2_g, ln2_b)
    g = jnp.mean(h2, axis=0, keepdims=True)  # global mean pool over single graph -> (1, HID)
    s1 = jax.nn.gelu(g @ sh_W1 + sh_b1, approximate=False)
    return (s1 @ sh_W2 + sh_b2)[:, 0]  # (B,) with B=1

if __name__ == "__main__":
    import jax
    _d = setup_inputs()
    print(jax.jit(kernel)(*tuple(_d.values())))

</pallas_src>

<mosaic_0001>
#map = affine_map<(d0, d1) -> (0, 0)>
#map1 = affine_map<(d0, d1) -> (0)>
#map2 = affine_map<(d0, d1) -> (0, 0, 0)>
module attributes {stable_mosaic.version = 14 : i64} {
  func.func @_sc_gat_body(%arg0: i32, %arg1: i32, %arg2: memref<2x32768xi32, #tpu.memory_space<hbm>>, %arg3: memref<8192xf32, #tpu.memory_space<hbm>>, %arg4: memref<4096x128xf32, #tpu.memory_space<hbm>>, %arg5: memref<2x4096x128xf32, #tpu.memory_space<hbm>>, %arg6: memref<8192xf32, #tpu.memory_space<vmem>>, %arg7: memref<4096xf32, #tpu.memory_space<vmem>>, %arg8: memref<2048xi32, #tpu.memory_space<vmem>>, %arg9: memref<2048xi32, #tpu.memory_space<vmem>>, %arg10: memref<2048xf32, #tpu.memory_space<vmem>>, %arg11: memref<128xi32, #tpu.memory_space<vmem>>, %arg12: memref<128xi32, #tpu.memory_space<vmem>>, %arg13: memref<128xf32, #tpu.memory_space<vmem>>, %arg14: memref<128xf32, #tpu.memory_space<vmem>>, %arg15: memref<128x128xf32, #tpu.memory_space<vmem>>, %arg16: memref<4096xf32, #tpu.memory_space<vmem_shared>>, %arg17: memref<32768xf32, #tpu.memory_space<vmem_shared>>, %arg18: memref<4096x128xf32, #tpu.memory_space<vmem_shared>>, %arg19: memref<!tpu.dma_semaphore, #tpu.memory_space<semaphore_mem>>) attributes {dimension_semantics = [#tpu.dimension_semantics<core_parallel>, #tpu.dimension_semantics<subcore_parallel>], iteration_bounds = array<i64: 2, 16>, scalar_prefetch = 0 : i64, scratch_operands = 14 : i64, tpu.core_type = #tpu.core_type<sc_vector_subcore>, window_params = [{transform_indices = #map}, {transform_indices = #map1}, {transform_indices = #map}, {transform_indices = #map2}]} {
    %broadcast_in_dim3A = arith.constant 0.000000e+00 : f32
    %broadcast_in_dim3A_0 = vector.broadcast %broadcast_in_dim3A : f32 to vector<16xf32>
    %broadcast_in_dim3A_1 = arith.constant 1 : i32
    %broadcast_in_dim3A_2 = vector.broadcast %broadcast_in_dim3A_1 : i32 to vector<16xi32>
    "tpu.region"() ({
      %run_scoped3A_63 = tpu.sem_alloc : memref<!tpu.dma_semaphore, #tpu.memory_space<semaphore_mem>>
      tpu.enqueue_dma source(%arg3 : memref<8192xf32, #tpu.memory_space<hbm>>) target(%arg6 : memref<8192xf32, #tpu.memory_space<vmem>>) target_semaphore(%run_scoped3A_63 : memref<!tpu.dma_semaphore, #tpu.memory_space<semaphore_mem>>)
      tpu.wait_dma2 semaphore(%run_scoped3A_63 : memref<!tpu.dma_semaphore, #tpu.memory_space<semaphore_mem>>) src(%arg3 : memref<8192xf32, #tpu.memory_space<hbm>>) dst(%arg6 : memref<8192xf32, #tpu.memory_space<vmem>>)
      tpu.yield
    }) : () -> ()
    %mul3A = arith.constant 2048 : i32
    %mul3A_3 = arith.muli %arg1, %mul3A : i32
    %run_scoped3A = arith.constant 0 : i32
    "tpu.region"() ({
      %run_scoped3A_63 = tpu.sem_alloc : memref<!tpu.dma_semaphore, #tpu.memory_space<semaphore_mem>>
      %dma_start3A = tpu.memref_slice %arg2[%run_scoped3A, %mul3A_3] : memref<2x32768xi32, #tpu.memory_space<hbm>> -> memref<1x2048xi32, #tpu.memory_space<hbm>>
      %dma_start3A_64 = tpu.memref_squeeze %dma_start3A : memref<1x2048xi32, #tpu.memory_space<hbm>> -> memref<2048xi32, #tpu.memory_space<hbm>>
      %dma_start3A_65 = tpu.memref_slice %arg2[%run_scoped3A, %mul3A_3] : memref<2x32768xi32, #tpu.memory_space<hbm>> -> memref<1x2048xi32, #tpu.memory_space<hbm>>
      %dma_start3A_66 = tpu.memref_squeeze %dma_start3A_65 : memref<1x2048xi32, #tpu.memory_space<hbm>> -> memref<2048xi32, #tpu.memory_space<hbm>>
      tpu.enqueue_dma source(%dma_start3A_66 : memref<2048xi32, #tpu.memory_space<hbm>>) target(%arg8 : memref<2048xi32, #tpu.memory_space<vmem>>) target_semaphore(%run_scoped3A_63 : memref<!tpu.dma_semaphore, #tpu.memory_space<semaphore_mem>>)
      %dma_wait3A = tpu.memref_slice %arg2[%run_scoped3A, %mul3A_3] : memref<2x32768xi32, #tpu.memory_space<hbm>> -> memref<1x2048xi32, #tpu.memory_space<hbm>>
      %dma_wait3A_67 = tpu.memref_squeeze %dma_wait3A : memref<1x2048xi32, #tpu.memory_space<hbm>> -> memref<2048xi32, #tpu.memory_space<hbm>>
      %dma_wait3A_68 = tpu.memref_slice %arg2[%run_scoped3A, %mul3A_3] : memref<2x32768xi32, #tpu.memory_space<hbm>> -> memref<1x2048xi32, #tpu.memory_space<hbm>>
      %dma_wait3A_69 = tpu.memref_squeeze %dma_wait3A_68 : memref<1x2048xi32, #tpu.memory_space<hbm>> -> memref<2048xi32, #tpu.memory_space<hbm>>
      tpu.wait_dma2 semaphore(%run_scoped3A_63 : memref<!tpu.dma_semaphore, #tpu.memory_space<semaphore_mem>>) src(%dma_wait3A_69 : memref<2048xi32, #tpu.memory_space<hbm>>) dst(%arg8 : memref<2048xi32, #tpu.memory_space<vmem>>)
      tpu.yield
    }) : () -> ()
    %run_scoped3A_4 = arith.constant 1 : i32
    "tpu.region"() ({
      %run_scoped3A_63 = tpu.sem_alloc : memref<!tpu.dma_semaphore, #tpu.memory_space<semaphore_mem>>
      %dma_start3A = tpu.memref_slice %arg2[%run_scoped3A_4, %mul3A_3] : memref<2x32768xi32, #tpu.memory_space<hbm>> -> memref<1x2048xi32, #tpu.memory_space<hbm>>
      %dma_start3A_64 = tpu.memref_squeeze %dma_start3A : memref<1x2048xi32, #tpu.memory_space<hbm>> -> memref<2048xi32, #tpu.memory_space<hbm>>
      %dma_start3A_65 = tpu.memref_slice %arg2[%run_scoped3A_4, %mul3A_3] : memref<2x32768xi32, #tpu.memory_space<hbm>> -> memref<1x2048xi32, #tpu.memory_space<hbm>>
      %dma_start3A_66 = tpu.memref_squeeze %dma_start3A_65 : memref<1x2048xi32, #tpu.memory_space<hbm>> -> memref<2048xi32, #tpu.memory_space<hbm>>
      tpu.enqueue_dma source(%dma_start3A_66 : memref<2048xi32, #tpu.memory_space<hbm>>) target(%arg9 : memref<2048xi32, #tpu.memory_space<vmem>>) target_semaphore(%run_scoped3A_63 : memref<!tpu.dma_semaphore, #tpu.memory_space<semaphore_mem>>)
      %dma_wait3A = tpu.memref_slice %arg2[%run_scoped3A_4, %mul3A_3] : memref<2x32768xi32, #tpu.memory_space<hbm>> -> memref<1x2048xi32, #tpu.memory_space<hbm>>
      %dma_wait3A_67 = tpu.memref_squeeze %dma_wait3A : memref<1x2048xi32, #tpu.memory_space<hbm>> -> memref<2048xi32, #tpu.memory_space<hbm>>
      %dma_wait3A_68 = tpu.memref_slice %arg2[%run_scoped3A_4, %mul3A_3] : memref<2x32768xi32, #tpu.memory_space<hbm>> -> memref<1x2048xi32, #tpu.memory_space<hbm>>
      %dma_wait3A_69 = tpu.memref_squeeze %dma_wait3A_68 : memref<1x2048xi32, #tpu.memory_space<hbm>> -> memref<2048xi32, #tpu.memory_space<hbm>>
      tpu.wait_dma2 semaphore(%run_scoped3A_63 : memref<!tpu.dma_semaphore, #tpu.memory_space<semaphore_mem>>) src(%dma_wait3A_69 : memref<2048xi32, #tpu.memory_space<hbm>>) dst(%arg9 : memref<2048xi32, #tpu.memory_space<vmem>>)
      tpu.yield
    }) : () -> ()
    %scan3A = arith.constant 0 : i32
    %scan3A_5 = arith.constant 0 : i32
    %scan3A_6 = arith.constant 128 : i32
    %scan3A_7 = arith.addi %scan3A_5, %scan3A_6 : i32
    %scan3A_8 = arith.constant 1 : i32
    %scan3A_9 = scf.for %scan3A_63 = %scan3A_5 to %scan3A_7 step %scan3A_8 iter_args(%scan3A_64 = %scan3A) -> (i32)  : i32 {
      %swap3A = arith.index_cast %scan3A_63 : i32 to index
      %swap3A_65 = arith.constant 0 : index
      %swap3A_66 = tpu.vector_load %arg15[%swap3A, %swap3A_65] {strides = array<i32>} : memref<128x128xf32, #tpu.memory_space<vmem>>, vector<16xf32>,
      tpu.vector_store %arg15[%swap3A, %swap3A_65], %broadcast_in_dim3A_0 {strides = array<i32>} : memref<128x128xf32, #tpu.memory_space<vmem>>, vector<16xf32>,
      %swap3A_67 = arith.index_cast %scan3A_63 : i32 to index
      %swap3A_68 = arith.constant 16 : index
      %swap3A_69 = tpu.vector_load %arg15[%swap3A_67, %swap3A_68] {strides = array<i32>} : memref<128x128xf32, #tpu.memory_space<vmem>>, vector<16xf32>,
      tpu.vector_store %arg15[%swap3A_67, %swap3A_68], %broadcast_in_dim3A_0 {strides = array<i32>} : memref<128x128xf32, #tpu.memory_space<vmem>>, vector<16xf32>,
      %swap3A_70 = arith.index_cast %scan3A_63 : i32 to index
      %swap3A_71 = arith.constant 32 : index
      %swap3A_72 = tpu.vector_load %arg15[%swap3A_70, %swap3A_71] {strides = array<i32>} : memref<128x128xf32, #tpu.memory_space<vmem>>, vector<16xf32>,
      tpu.vector_store %arg15[%swap3A_70, %swap3A_71], %broadcast_in_dim3A_0 {strides = array<i32>} : memref<128x128xf32, #tpu.memory_space<vmem>>, vector<16xf32>,
      %swap3A_73 = arith.index_cast %scan3A_63 : i32 to index
      %swap3A_74 = arith.constant 48 : index
      %swap3A_75 = tpu.vector_load %arg15[%swap3A_73, %swap3A_74] {strides = array<i32>} : memref<128x128xf32, #tpu.memory_space<vmem>>, vector<16xf32>,
      tpu.vector_store %arg15[%swap3A_73, %swap3A_74], %broadcast_in_dim3A_0 {strides = array<i32>} : memref<128x128xf32, #tpu.memory_space<vmem>>, vector<16xf32>,
      %swap3A_76 = arith.index_cast %scan3A_63 : i32 to index
      %swap3A_77 = arith.constant 64 : index
      %swap3A_78 = tpu.vector_load %arg15[%swap3A_76, %swap3A_77] {strides = array<i32>} : memref<128x128xf32, #tpu.memory_space<vmem>>, vector<16xf32>,
      tpu.vector_store %arg15[%swap3A_76, %swap3A_77], %broadcast_in_dim3A_0 {strides = array<i32>} : memref<128x128xf32, #tpu.memory_space<vmem>>, vector<16xf32>,
      %swap3A_79 = arith.index_cast %scan3A_63 : i32 to index
      %swap3A_80 = arith.constant 80 : index
      %swap3A_81 = tpu.vector_load %arg15[%swap3A_79, %swap3A_80] {strides = array<i32>} : memref<128x128xf32, #tpu.memory_space<vmem>>, vector<16xf32>,
      tpu.vector_store %arg15[%swap3A_79, %swap3A_80], %broadcast_in_dim3A_0 {strides = array<i32>} : memref<128x128xf32, #tpu.memory_space<vmem>>, vector<16xf32>,
      %swap3A_82 = arith.index_cast %scan3A_63 : i32 to index
      %swap3A_83 = arith.constant 96 : index
      %swap3A_84 = tpu.vector_load %arg15[%swap3A_82, %swap3A_83] {strides = array<i32>} : memref<128x128xf32, #tpu.memory_space<vmem>>, vector<16xf32>,
      tpu.vector_store %arg15[%swap3A_82, %swap3A_83], %broadcast_in_dim3A_0 {strides = array<i32>} : memref<128x128xf32, #tpu.memory_space<vmem>>, vector<16xf32>,
      %swap3A_85 = arith.index_cast %scan3A_63 : i32 to index
      %swap3A_86 = arith.constant 112 : index
      %swap3A_87 = tpu.vector_load %arg15[%swap3A_85, %swap3A_86] {strides = array<i32>} : memref<128x128xf32, #tpu.memory_space<vmem>>, vector<16xf32>,
      tpu.vector_store %arg15[%swap3A_85, %swap3A_86], %broadcast_in_dim3A_0 {strides = array<i32>} : memref<128x128xf32, #tpu.memory_space<vmem>>, vector<16xf32>,
      %scan3A_88 = arith.constant 0 : i32
      scf.yield %scan3A_88 : i32
    }
    %scan3A_10 = arith.constant 128 : i32
    %scan3A_11 = arith.constant 0 : i32
    %scan3A_12 = arith.constant 0 : i32
    %scan3A_13 = arith.constant 256 : i32
    %scan3A_14 = arith.addi %scan3A_12, %scan3A_13 : i32
    %scan3A_15 = arith.constant 1 : i32
    %scan3A_16 = scf.for %scan3A_63 = %scan3A_12 to %scan3A_14 step %scan3A_15 iter_args(%scan3A_64 = %scan3A_11) -> (i32)  : i32 {
      %mul3A_65 = arith.constant 16 : i32
      %mul3A_66 = arith.muli %scan3A_63, %mul3A_65 : i32
      %swap3A = arith.index_cast %mul3A_66 : i32 to index
      %swap3A_67 = tpu.vector_load %arg7[%swap3A] {strides = array<i32>} : memref<4096xf32, #tpu.memory_space<vmem>>, vector<16xf32>,
      tpu.vector_store %arg7[%swap3A], %broadcast_in_dim3A_0 {strides = array<i32>} : memref<4096xf32, #tpu.memory_space<vmem>>, vector<16xf32>,
      %scan3A_68 = arith.constant 0 : i32
      scf.yield %scan3A_68 : i32
    }
    %scan3A_17 = arith.constant 256 : i32
    %mul3A_18 = arith.constant 256 : i32
    %mul3A_19 = arith.muli %arg1, %mul3A_18 : i32
    %add3A = arith.constant 0 : i32
    %add3A_20 = arith.addi %mul3A_19, %add3A : i32
    "tpu.region"() ({
      %run_scoped3A_63 = tpu.sem_alloc : memref<!tpu.dma_semaphore, #tpu.memory_space<semaphore_mem>>
      %dma_start3A = arith.constant 0 : i32
      %dma_start3A_64 = tpu.memref_slice %arg18[%add3A_20, %dma_start3A] : memref<4096x128xf32, #tpu.memory_space<vmem_shared>> -> memref<128x128xf32, #tpu.memory_space<vmem_shared>>
      %dma_start3A_65 = arith.constant 0 : i32
      %dma_start3A_66 = tpu.memref_slice %arg18[%add3A_20, %dma_start3A_65] : memref<4096x128xf32, #tpu.memory_space<vmem_shared>> -> memref<128x128xf32, #tpu.memory_space<vmem_shared>>
      tpu.enqueue_dma source(%arg15 : memref<128x128xf32, #tpu.memory_space<vmem>>) target(%dma_start3A_66 : memref<128x128xf32, #tpu.memory_space<vmem_shared>>) target_semaphore(%run_scoped3A_63 : memref<!tpu.dma_semaphore, #tpu.memory_space<semaphore_mem>>)
      %dma_wait3A = arith.constant 0 : i32
      %dma_wait3A_67 = tpu.memref_slice %arg18[%add3A_20, %dma_wait3A] : memref<4096x128xf32, #tpu.memory_space<vmem_shared>> -> memref<128x128xf32, #tpu.memory_space<vmem_shared>>
      %dma_wait3A_68 = arith.constant 0 : i32
      %dma_wait3A_69 = tpu.memref_slice %arg18[%add3A_20, %dma_wait3A_68] : memref<4096x128xf32, #tpu.memory_space<vmem_shared>> -> memref<128x128xf32, #tpu.memory_space<vmem_shared>>
      tpu.wait_dma2 semaphore(%run_scoped3A_63 : memref<!tpu.dma_semaphore, #tpu.memory_space<semaphore_mem>>) src(%arg15 : memref<128x128xf32, #tpu.memory_space<vmem>>) dst(%dma_wait3A_69 : memref<128x128xf32, #tpu.memory_space<vmem_shared>>)
      tpu.yield
    }) : () -> ()
    %mul3A_21 = arith.constant 256 : i32
    %mul3A_22 = arith.muli %arg1, %mul3A_21 : i32
    %add3A_23 = arith.constant 128 : i32
    %add3A_24 = arith.addi %mul3A_22, %add3A_23 : i32
    "tpu.region"() ({
      %run_scoped3A_63 = tpu.sem_alloc : memref<!tpu.dma_semaphore, #tpu.memory_space<semaphore_mem>>
      %dma_start3A = arith.constant 0 : i32
      %dma_start3A_64 = tpu.memref_slice %arg18[%add3A_24, %dma_start3A] : memref<4096x128xf32, #tpu.memory_space<vmem_shared>> -> memref<128x128xf32, #tpu.memory_space<vmem_shared>>
      %dma_start3A_65 = arith.constant 0 : i32
      %dma_start3A_66 = tpu.memref_slice %arg18[%add3A_24, %dma_start3A_65] : memref<4096x128xf32, #tpu.memory_space<vmem_shared>> -> memref<128x128xf32, #tpu.memory_space<vmem_shared>>
      tpu.enqueue_dma source(%arg15 : memref<128x128xf32, #tpu.memory_space<vmem>>) target(%dma_start3A_66 : memref<128x128xf32, #tpu.memory_space<vmem_shared>>) target_semaphore(%run_scoped3A_63 : memref<!tpu.dma_semaphore, #tpu.memory_space<semaphore_mem>>)
      %dma_wait3A = arith.constant 0 : i32
      %dma_wait3A_67 = tpu.memref_slice %arg18[%add3A_24, %dma_wait3A] : memref<4096x128xf32, #tpu.memory_space<vmem_shared>> -> memref<128x128xf32, #tpu.memory_space<vmem_shared>>
      %dma_wait3A_68 = arith.constant 0 : i32
      %dma_wait3A_69 = tpu.memref_slice %arg18[%add3A_24, %dma_wait3A_68] : memref<4096x128xf32, #tpu.memory_space<vmem_shared>> -> memref<128x128xf32, #tpu.memory_space<vmem_shared>>
      tpu.wait_dma2 semaphore(%run_scoped3A_63 : memref<!tpu.dma_semaphore, #tpu.memory_space<semaphore_mem>>) src(%arg15 : memref<128x128xf32, #tpu.memory_space<vmem>>) dst(%dma_wait3A_69 : memref<128x128xf32, #tpu.memory_space<vmem_shared>>)
      tpu.yield
    }) : () -> ()
    %eq3A = arith.constant 0 : i32
    %eq3A_25 = arith.cmpi eq, %arg1, %eq3A : i32
    %convert_element_type3A = arith.extui %eq3A_25 : i1 to i32
    %cond3A = arith.constant 0 : i32
    %cond3A_26 = arith.cmpi ne, %convert_element_type3A, %cond3A : i32
    scf.if %cond3A_26 {
      "tpu.region"() ({
        %run_scoped3A_63 = tpu.sem_alloc : memref<!tpu.dma_semaphore, #tpu.memory_space<semaphore_mem>>
        tpu.enqueue_dma source(%arg7 : memref<4096xf32, #tpu.memory_space<vmem>>) target(%arg16 : memref<4096xf32, #tpu.memory_space<vmem_shared>>) target_semaphore(%run_scoped3A_63 : memref<!tpu.dma_semaphore, #tpu.memory_space<semaphore_mem>>)
        tpu.wait_dma2 semaphore(%run_scoped3A_63 : memref<!tpu.dma_semaphore, #tpu.memory_space<semaphore_mem>>) src(%arg7 : memref<4096xf32, #tpu.memory_space<vmem>>) dst(%arg16 : memref<4096xf32, #tpu.memory_space<vmem_shared>>)
        tpu.yield
      }) : () -> ()
    } else {
    }
    %barrier3A = arith.constant 0 : index
    tpu.barrier barrier_id(%barrier3A)
    %scan3A_27 = arith.constant 0 : i32
    %scan3A_28 = arith.constant 0 : i32
    %scan3A_29 = arith.constant 128 : i32
    %scan3A_30 = arith.addi %scan3A_28, %scan3A_29 : i32
    %scan3A_31 = arith.constant 1 : i32
    %scan3A_32 = scf.for %scan3A_63 = %scan3A_28 to %scan3A_30 step %scan3A_31 iter_args(%scan3A_64 = %scan3A_27) -> (i32)  : i32 {
      %mul3A_65 = arith.constant 16 : i32
      %mul3A_66 = arith.muli %scan3A_63, %mul3A_65 : i32
      %get3A = arith.index_cast %mul3A_66 : i32 to index
      %get3A_67 = tpu.vector_load %arg8[%get3A] {strides = array<i32>} : memref<2048xi32, #tpu.memory_space<vmem>>, vector<16xi32>,
      %get3A_68 = arith.index_cast %mul3A_66 : i32 to index
      %get3A_69 = tpu.vector_load %arg9[%get3A_68] {strides = array<i32>} : memref<2048xi32, #tpu.memory_space<vmem>>, vector<16xi32>,
      %mul3A_70 = arith.constant 2 : i32
      %mul3A_71 = vector.broadcast %mul3A_70 : i32 to vector<16xi32>
      %mul3A_72 = arith.muli %get3A_67, %mul3A_71 : vector<16xi32>
      %gather3A = tpu.vector_load_idx %arg6[%mul3A_72] : memref<8192xf32, #tpu.memory_space<vmem>>[vector<16xi32>], vector<16xf32>,
      %mul3A_73 = arith.constant 2 : i32
      %mul3A_74 = vector.broadcast %mul3A_73 : i32 to vector<16xi32>
      %mul3A_75 = arith.muli %get3A_69, %mul3A_74 : vector<16xi32>
      %add3A_76 = arith.addi %mul3A_75, %broadcast_in_dim3A_2 : vector<16xi32>
      %gather3A_77 = tpu.vector_load_idx %arg6[%add3A_76] : memref<8192xf32, #tpu.memory_space<vmem>>[vector<16xi32>], vector<16xf32>,
      %add3A_78 = arith.addf %gather3A, %gather3A_77 : vector<16xf32>
      %mul3A_79 = arith.constant 2.000000e-01 : f32
      %mul3A_80 = vector.broadcast %mul3A_79 : f32 to vector<16xf32>
      %mul3A_81 = arith.mulf %mul3A_80, %add3A_78 : vector<16xf32>
      %max3A = arith.maximumf %add3A_78, %mul3A_81 : vector<16xf32>
      %exp3A = math.exp %max3A : vector<16xf32>
      %swap3A = arith.index_cast %mul3A_66 : i32 to index
      %swap3A_82 = tpu.vector_load %arg10[%swap3A] {strides = array<i32>} : memref<2048xf32, #tpu.memory_space<vmem>>, vector<16xf32>,
      tpu.vector_store %arg10[%swap3A], %exp3A {strides = array<i32>} : memref<2048xf32, #tpu.memory_space<vmem>>, vector<16xf32>,
      %scan3A_83 = arith.constant 0 : i32
      scf.yield %scan3A_83 : i32
    }
    %scan3A_33 = arith.constant 128 : i32
    "tpu.region"() ({
      %run_scoped3A_63 = tpu.sem_alloc : memref<!tpu.dma_semaphore, #tpu.memory_space<semaphore_mem>>
      %dma_start3A = tpu.memref_slice %arg17[%mul3A_3] : memref<32768xf32, #tpu.memory_space<vmem_shared>> -> memref<2048xf32, #tpu.memory_space<vmem_shared>>
      %dma_start3A_64 = tpu.memref_slice %arg17[%mul3A_3] : memref<32768xf32, #tpu.memory_space<vmem_shared>> -> memref<2048xf32, #tpu.memory_space<vmem_shared>>
      tpu.enqueue_dma source(%arg10 : memref<2048xf32, #tpu.memory_space<vmem>>) target(%dma_start3A_64 : memref<2048xf32, #tpu.memory_space<vmem_shared>>) target_semaphore(%run_scoped3A_63 : memref<!tpu.dma_semaphore, #tpu.memory_space<semaphore_mem>>)
      %dma_wait3A = tpu.memref_slice %arg17[%mul3A_3] : memref<32768xf32, #tpu.memory_space<vmem_shared>> -> memref<2048xf32, #tpu.memory_space<vmem_shared>>
      %dma_wait3A_65 = tpu.memref_slice %arg17[%mul3A_3] : memref<32768xf32, #tpu.memory_space<vmem_shared>> -> memref<2048xf32, #tpu.memory_space<vmem_shared>>
      tpu.wait_dma2 semaphore(%run_scoped3A_63 : memref<!tpu.dma_semaphore, #tpu.memory_space<semaphore_mem>>) src(%arg10 : memref<2048xf32, #tpu.memory_space<vmem>>) dst(%dma_wait3A_65 : memref<2048xf32, #tpu.memory_space<vmem_shared>>)
      tpu.yield
    }) : () -> ()
    %scan3A_34 = arith.constant 0 : i32
    %scan3A_35 = arith.constant 0 : i32
    %scan3A_36 = arith.constant 16 : i32
    %scan3A_37 = arith.addi %scan3A_35, %scan3A_36 : i32
    %scan3A_38 = arith.constant 1 : i32
    %scan3A_39 = scf.for %scan3A_63 = %scan3A_35 to %scan3A_37 step %scan3A_38 iter_args(%scan3A_64 = %scan3A_34) -> (i32)  : i32 {
      %mul3A_65 = arith.constant 128 : i32
      %mul3A_66 = arith.muli %scan3A_63, %mul3A_65 : i32
      %add3A_67 = arith.constant 0 : i32
      %add3A_68 = arith.addi %mul3A_66, %add3A_67 : i32
      %get3A = arith.index_cast %add3A_68 : i32 to index
      %get3A_69 = tpu.vector_load %arg9[%get3A] {strides = array<i32>} : memref<2048xi32, #tpu.memory_space<vmem>>, vector<16xi32>,
      %swap3A = arith.constant 0 : index
      %swap3A_70 = tpu.vector_load %arg12[%swap3A] {strides = array<i32>} : memref<128xi32, #tpu.memory_space<vmem>>, vector<16xi32>,
      tpu.vector_store %arg12[%swap3A], %get3A_69 {strides = array<i32>} : memref<128xi32, #tpu.memory_space<vmem>>, vector<16xi32>,
      %mul3A_71 = arith.constant 128 : i32
      %mul3A_72 = arith.muli %scan3A_63, %mul3A_71 : i32
      %add3A_73 = arith.constant 0 : i32
      %add3A_74 = arith.addi %mul3A_72, %add3A_73 : i32
      %get3A_75 = arith.index_cast %add3A_74 : i32 to index
      %get3A_76 = tpu.vector_load %arg10[%get3A_75] {strides = array<i32>} : memref<2048xf32, #tpu.memory_space<vmem>>, vector<16xf32>,
      %swap3A_77 = arith.constant 0 : index
      %swap3A_78 = tpu.vector_load %arg13[%swap3A_77] {strides = array<i32>} : memref<128xf32, #tpu.memory_space<vmem>>, vector<16xf32>,
      tpu.vector_store %arg13[%swap3A_77], %get3A_76 {strides = array<i32>} : memref<128xf32, #tpu.memory_space<vmem>>, vector<16xf32>,
      %mul3A_79 = arith.constant 128 : i32
      %mul3A_80 = arith.muli %scan3A_63, %mul3A_79 : i32
      %add3A_81 = arith.constant 16 : i32
      %add3A_82 = arith.addi %mul3A_80, %add3A_81 : i32
      %get3A_83 = arith.index_cast %add3A_82 : i32 to index
      %get3A_84 = tpu.vector_load %arg9[%get3A_83] {strides = array<i32>} : memref<2048xi32, #tpu.memory_space<vmem>>, vector<16xi32>,
      %swap3A_85 = arith.constant 16 : index
      %swap3A_86 = tpu.vector_load %arg12[%swap3A_85] {strides = array<i32>} : memref<128xi32, #tpu.memory_space<vmem>>, vector<16xi32>,
      tpu.vector_store %arg12[%swap3A_85], %get3A_84 {strides = array<i32>} : memref<128xi32, #tpu.memory_space<vmem>>, vector<16xi32>,
      %mul3A_87 = arith.constant 128 : i32
      %mul3A_88 = arith.muli %scan3A_63, %mul3A_87 : i32
      %add3A_89 = arith.constant 16 : i32
      %add3A_90 = arith.addi %mul3A_88, %add3A_89 : i32
      %get3A_91 = arith.index_cast %add3A_90 : i32 to index
      %get3A_92 = tpu.vector_load %arg10[%get3A_91] {strides = array<i32>} : memref<2048xf32, #tpu.memory_space<vmem>>, vector<16xf32>,
      %swap3A_93 = arith.constant 16 : index
      %swap3A_94 = tpu.vector_load %arg13[%swap3A_93] {strides = array<i32>} : memref<128xf32, #tpu.memory_space<vmem>>, vector<16xf32>,
      tpu.vector_store %arg13[%swap3A_93], %get3A_92 {strides = array<i32>} : memref<128xf32, #tpu.memory_space<vmem>>, vector<16xf32>,
      %mul3A_95 = arith.constant 128 : i32
      %mul3A_96 = arith.muli %scan3A_63, %mul3A_95 : i32
      %add3A_97 = arith.constant 32 : i32
      %add3A_98 = arith.addi %mul3A_96, %add3A_97 : i32
      %get3A_99 = arith.index_cast %add3A_98 : i32 to index
      %get3A_100 = tpu.vector_load %arg9[%get3A_99] {strides = array<i32>} : memref<2048xi32, #tpu.memory_space<vmem>>, vector<16xi32>,
      %swap3A_101 = arith.constant 32 : index
      %swap3A_102 = tpu.vector_load %arg12[%swap3A_101] {strides = array<i32>} : memref<128xi32, #tpu.memory_space<vmem>>, vector<16xi32>,
      tpu.vector_store %arg12[%swap3A_101], %get3A_100 {strides = array<i32>} : memref<128xi32, #tpu.memory_space<vmem>>, vector<16xi32>,
      %mul3A_103 = arith.constant 128 : i32
      %mul3A_104 = arith.muli %scan3A_63, %mul3A_103 : i32
      %add3A_105 = arith.constant 32 : i32
      %add3A_106 = arith.addi %mul3A_104, %add3A_105 : i32
      %get3A_107 = arith.index_cast %add3A_106 : i32 to index
      %get3A_108 = tpu.vector_load %arg10[%get3A_107] {strides = array<i32>} : memref<2048xf32, #tpu.memory_space<vmem>>, vector<16xf32>,
      %swap3A_109 = arith.constant 32 : index
      %swap3A_110 = tpu.vector_load %arg13[%swap3A_109] {strides = array<i32>} : memref<128xf32, #tpu.memory_space<vmem>>, vector<16xf32>,
      tpu.vector_store %arg13[%swap3A_109], %get3A_108 {strides = array<i32>} : memref<128xf32, #tpu.memory_space<vmem>>, vector<16xf32>,
      %mul3A_111 = arith.constant 128 : i32
      %mul3A_112 = arith.muli %scan3A_63, %mul3A_111 : i32
      %add3A_113 = arith.constant 48 : i32
      %add3A_114 = arith.addi %mul3A_112, %add3A_113 : i32
      %get3A_115 = arith.index_cast %add3A_114 : i32 to index
      %get3A_116 = tpu.vector_load %arg9[%get3A_115] {strides = array<i32>} : memref<2048xi32, #tpu.memory_space<vmem>>, vector<16xi32>,
      %swap3A_117 = arith.constant 48 : index
      %swap3A_118 = tpu.vector_load %arg12[%swap3A_117] {strides = array<i32>} : memref<128xi32, #tpu.memory_space<vmem>>, vector<16xi32>,
      tpu.vector_store %arg12[%swap3A_117], %get3A_116 {strides = array<i32>} : memref<128xi32, #tpu.memory_space<vmem>>, vector<16xi32>,
      %mul3A_119 = arith.constant 128 : i32
      %mul3A_120 = arith.muli %scan3A_63, %mul3A_119 : i32
      %add3A_121 = arith.constant 48 : i32
      %add3A_122 = arith.addi %mul3A_120, %add3A_121 : i32
      %get3A_123 = arith.index_cast %add3A_122 : i32 to index
      %get3A_124 = tpu.vector_load %arg10[%get3A_123] {strides = array<i32>} : memref<2048xf32, #tpu.memory_space<vmem>>, vector<16xf32>,
      %swap3A_125 = arith.constant 48 : index
      %swap3A_126 = tpu.vector_load %arg13[%swap3A_125] {strides = array<i32>} : memref<128xf32, #tpu.memory_space<vmem>>, vector<16xf32>,
      tpu.vector_store %arg13[%swap3A_125], %get3A_124 {strides = array<i32>} : memref<128xf32, #tpu.memory_space<vmem>>, vector<16xf32>,
      %mul3A_127 = arith.constant 128 : i32
      %mul3A_128 = arith.muli %scan3A_63, %mul3A_127 : i32
      %add3A_129 = arith.constant 64 : i32
      %add3A_130 = arith.addi %mul3A_128, %add3A_129 : i32
      %get3A_131 = arith.index_cast %add3A_130 : i32 to index
      %get3A_132 = tpu.vector_load %arg9[%get3A_131] {strides = array<i32>} : memref<2048xi32, #tpu.memory_space<vmem>>, vector<16xi32>,
      %swap3A_133 = arith.constant 64 : index
      %swap3A_134 = tpu.vector_load %arg12[%swap3A_133] {strides = array<i32>} : memref<128xi32, #tpu.memory_space<vmem>>, vector<16xi32>,
      tpu.vector_store %arg12[%swap3A_133], %get3A_132 {strides = array<i32>} : memref<128xi32, #tpu.memory_space<vmem>>, vector<16xi32>,
      %mul3A_135 = arith.constant 128 : i32
      %mul3A_136 = arith.muli %scan3A_63, %mul3A_135 : i32
      %add3A_137 = arith.constant 64 : i32
      %add3A_138 = arith.addi %mul3A_136, %add3A_137 : i32
      %get3A_139 = arith.index_cast %add3A_138 : i32 to index
      %get3A_140 = tpu.vector_load %arg10[%get3A_139] {strides = array<i32>} : memref<2048xf32, #tpu.memory_space<vmem>>, vector<16xf32>,
      %swap3A_141 = arith.constant 64 : index
      %swap3A_142 = tpu.vector_load %arg13[%swap3A_141] {strides = array<i32>} : memref<128xf32, #tpu.memory_space<vmem>>, vector<16xf32>,
      tpu.vector_store %arg13[%swap3A_141], %get3A_140 {strides = array<i32>} : memref<128xf32, #tpu.memory_space<vmem>>, vector<16xf32>,
      %mul3A_143 = arith.constant 128 : i32
      %mul3A_144 = arith.muli %scan3A_63, %mul3A_143 : i32
      %add3A_145 = arith.constant 80 : i32
      %add3A_146 = arith.addi %mul3A_144, %add3A_145 : i32
      %get3A_147 = arith.index_cast %add3A_146 : i32 to index
      %get3A_148 = tpu.vector_load %arg9[%get3A_147] {strides = array<i32>} : memref<2048xi32, #tpu.memory_space<vmem>>, vector<16xi32>,
      %swap3A_149 = arith.constant 80 : index
      %swap3A_150 = tpu.vector_load %arg12[%swap3A_149] {strides = array<i32>} : memref<128xi32, #tpu.memory_space<vmem>>, vector<16xi32>,
      tpu.vector_store %arg12[%swap3A_149], %get3A_148 {strides = array<i32>} : memref<128xi32, #tpu.memory_space<vmem>>, vector<16xi32>,
      %mul3A_151 = arith.constant 128 : i32
      %mul3A_152 = arith.muli %scan3A_63, %mul3A_151 : i32
      %add3A_153 = arith.constant 80 : i32
      %add3A_154 = arith.addi %mul3A_152, %add3A_153 : i32
      %get3A_155 = arith.index_cast %add3A_154 : i32 to index
      %get3A_156 = tpu.vector_load %arg10[%get3A_155] {strides = array<i32>} : memref<2048xf32, #tpu.memory_space<vmem>>, vector<16xf32>,
      %swap3A_157 = arith.constant 80 : index
      %swap3A_158 = tpu.vector_load %arg13[%swap3A_157] {strides = array<i32>} : memref<128xf32, #tpu.memory_space<vmem>>, vector<16xf32>,
      tpu.vector_store %arg13[%swap3A_157], %get3A_156 {strides = array<i32>} : memref<128xf32, #tpu.memory_space<vmem>>, vector<16xf32>,
      %mul3A_159 = arith.constant 128 : i32
      %mul3A_160 = arith.muli %scan3A_63, %mul3A_159 : i32
      %add3A_161 = arith.constant 96 : i32
      %add3A_162 = arith.addi %mul3A_160, %add3A_161 : i32
      %get3A_163 = arith.index_cast %add3A_162 : i32 to index
      %get3A_164 = tpu.vector_load %arg9[%get3A_163] {strides = array<i32>} : memref<2048xi32, #tpu.memory_space<vmem>>, vector<16xi32>,
      %swap3A_165 = arith.constant 96 : index
      %swap3A_166 = tpu.vector_load %arg12[%swap3A_165] {strides = array<i32>} : memref<128xi32, #tpu.memory_space<vmem>>, vector<16xi32>,
      tpu.vector_store %arg12[%swap3A_165], %get3A_164 {strides = array<i32>} : memref<128xi32, #tpu.memory_space<vmem>>, vector<16xi32>,
      %mul3A_167 = arith.constant 128 : i32
      %mul3A_168 = arith.muli %scan3A_63, %mul3A_167 : i32
      %add3A_169 = arith.constant 96 : i32
      %add3A_170 = arith.addi %mul3A_168, %add3A_169 : i32
      %get3A_171 = arith.index_cast %add3A_170 : i32 to index
      %get3A_172 = tpu.vector_load %arg10[%get3A_171] {strides = array<i32>} : memref<2048xf32, #tpu.memory_space<vmem>>, vector<16xf32>,
      %swap3A_173 = arith.constant 96 : index
      %swap3A_174 = tpu.vector_load %arg13[%swap3A_173] {strides = array<i32>} : memref<128xf32, #tpu.memory_space<vmem>>, vector<16xf32>,
      tpu.vector_store %arg13[%swap3A_173], %get3A_172 {strides = array<i32>} : memref<128xf32, #tpu.memory_space<vmem>>, vector<16xf32>,
      %mul3A_175 = arith.constant 128 : i32
      %mul3A_176 = arith.muli %scan3A_63, %mul3A_175 : i32
      %add3A_177 = arith.constant 112 : i32
      %add3A_178 = arith.addi %mul3A_176, %add3A_177 : i32
      %get3A_179 = arith.index_cast %add3A_178 : i32 to index
      %get3A_180 = tpu.vector_load %arg9[%get3A_179] {strides = array<i32>} : memref<2048xi32, #tpu.memory_space<vmem>>, vector<16xi32>,
      %swap3A_181 = arith.constant 112 : index
      %swap3A_182 = tpu.vector_load %arg12[%swap3A_181] {strides = array<i32>} : memref<128xi32, #tpu.memory_space<vmem>>, vector<16xi32>,
      tpu.vector_store %arg12[%swap3A_181], %get3A_180 {strides = array<i32>} : memref<128xi32, #tpu.memory_space<vmem>>, vector<16xi32>,
      %mul3A_183 = arith.constant 128 : i32
      %mul3A_184 = arith.muli %scan3A_63, %mul3A_183 : i32
      %add3A_185 = arith.constant 112 : i32
      %add3A_186 = arith.addi %mul3A_184, %add3A_185 : i32
      %get3A_187 = arith.index_cast %add3A_186 : i32 to index
      %get3A_188 = tpu.vector_load %arg10[%get3A_187] {strides = array<i32>} : memref<2048xf32, #tpu.memory_space<vmem>>, vector<16xf32>,
      %swap3A_189 = arith.constant 112 : index
      %swap3A_190 = tpu.vector_load %arg13[%swap3A_189] {strides = array<i32>} : memref<128xf32, #tpu.memory_space<vmem>>, vector<16xf32>,
      tpu.vector_store %arg13[%swap3A_189], %get3A_188 {strides = array<i32>} : memref<128xf32, #tpu.memory_space<vmem>>, vector<16xf32>,
      "tpu.region"() ({
        %run_scoped3A_192 = tpu.sem_alloc : memref<!tpu.dma_semaphore, #tpu.memory_space<semaphore_mem>>
        %dma_start3A = arith.constant 0 : i32
        %dma_start3A_193 = tpu.memref_slice %arg16[%dma_start3A] : memref<4096xf32, #tpu.memory_space<vmem_shared>> -> memref<4096xf32, #tpu.memory_space<vmem_shared>>
        tpu.enqueue_indirect_dma source(%arg13 : memref<128xf32, #tpu.memory_space<vmem>>) target(%dma_start3A_193 : memref<4096xf32, #tpu.memory_space<vmem_shared>>) offsets(%arg12 : memref<128xi32, #tpu.memory_space<vmem>>) semaphore(%run_scoped3A_192 : memref<!tpu.dma_semaphore, #tpu.memory_space<semaphore_mem>>) {add = true}
        %dma_wait3A = arith.constant 0 : i32
        %dma_wait3A_194 = tpu.memref_slice %arg16[%dma_wait3A] : memref<4096xf32, #tpu.memory_space<vmem_shared>> -> memref<4096xf32, #tpu.memory_space<vmem_shared>>
        tpu.wait_indirect_dma semaphore(%run_scoped3A_192 : memref<!tpu.dma_semaphore, #tpu.memory_space<semaphore_mem>>) src(%arg13 : memref<128xf32, #tpu.memory_space<vmem>>) dst(%dma_wait3A_194 : memref<4096xf32, #tpu.memory_space<vmem_shared>>)
        tpu.yield
      }) : () -> ()
      %scan3A_191 = arith.constant 0 : i32
      scf.yield %scan3A_191 : i32
    }
    %scan3A_40 = arith.constant 16 : i32
    %barrier3A_41 = arith.constant 0 : index
    tpu.barrier barrier_id(%barrier3A_41)
    "tpu.region"() ({
      %run_scoped3A_63 = tpu.sem_alloc : memref<!tpu.dma_semaphore, #tpu.memory_space<semaphore_mem>>
      tpu.enqueue_dma source(%arg16 : memref<4096xf32, #tpu.memory_space<vmem_shared>>) target(%arg7 : memref<4096xf32, #tpu.memory_space<vmem>>) target_semaphore(%run_scoped3A_63 : memref<!tpu.dma_semaphore, #tpu.memory_space<semaphore_mem>>)
      tpu.wait_dma2 semaphore(%run_scoped3A_63 : memref<!tpu.dma_semaphore, #tpu.memory_space<semaphore_mem>>) src(%arg16 : memref<4096xf32, #tpu.memory_space<vmem_shared>>) dst(%arg7 : memref<4096xf32, #tpu.memory_space<vmem>>)
      tpu.yield
    }) : () -> ()
    %mul3A_42 = arith.constant 16 : i32
    %mul3A_43 = arith.muli %arg0, %mul3A_42 : i32
    %add3A_44 = arith.addi %mul3A_43, %arg1 : i32
    %mul3A_45 = arith.constant 1024 : i32
    %mul3A_46 = arith.muli %add3A_44, %mul3A_45 : i32
    %scan3A_47 = arith.constant 0 : i32
    %scan3A_48 = arith.constant 0 : i32
    %scan3A_49 = arith.constant 8 : i32
    %scan3A_50 = arith.addi %scan3A_48, %scan3A_49 : i32
    %scan3A_51 = arith.constant 1 : i32
    %scan3A_52 = scf.for %scan3A_63 = %scan3A_48 to %scan3A_50 step %scan3A_51 iter_args(%scan3A_64 = %scan3A_47) -> (i32)  : i32 {
      %mul3A_65 = arith.constant 128 : i32
      %mul3A_66 = arith.muli %scan3A_63, %mul3A_65 : i32
      %add3A_67 = arith.addi %mul3A_46, %mul3A_66 : i32
      %run_scoped3A_68 = arith.constant 0 : i32
      "tpu.region"() ({
        %run_scoped3A_89 = tpu.sem_alloc : memref<!tpu.dma_semaphore, #tpu.memory_space<semaphore_mem>>
        %dma_start3A_90 = tpu.memref_slice %arg2[%run_scoped3A_68, %add3A_67] : memref<2x32768xi32, #tpu.memory_space<hbm>> -> memref<1x128xi32, #tpu.memory_space<hbm>>
        %dma_start3A_91 = tpu.memref_squeeze %dma_start3A_90 : memref<1x128xi32, #tpu.memory_space<hbm>> -> memref<128xi32, #tpu.memory_space<hbm>>
        %dma_start3A_92 = tpu.memref_slice %arg2[%run_scoped3A_68, %add3A_67] : memref<2x32768xi32, #tpu.memory_space<hbm>> -> memref<1x128xi32, #tpu.memory_space<hbm>>
        %dma_start3A_93 = tpu.memref_squeeze %dma_start3A_92 : memref<1x128xi32, #tpu.memory_space<hbm>> -> memref<128xi32, #tpu.memory_space<hbm>>
        tpu.enqueue_dma source(%dma_start3A_93 : memref<128xi32, #tpu.memory_space<hbm>>) target(%arg11 : memref<128xi32, #tpu.memory_space<vmem>>) target_semaphore(%run_scoped3A_89 : memref<!tpu.dma_semaphore, #tpu.memory_space<semaphore_mem>>)
        %dma_wait3A_94 = tpu.memref_slice %arg2[%run_scoped3A_68, %add3A_67] : memref<2x32768xi32, #tpu.memory_space<hbm>> -> memref<1x128xi32, #tpu.memory_space<hbm>>
        %dma_wait3A_95 = tpu.memref_squeeze %dma_wait3A_94 : memref<1x128xi32, #tpu.memory_space<hbm>> -> memref<128xi32, #tpu.memory_space<hbm>>
        %dma_wait3A_96 = tpu.memref_slice %arg2[%run_scoped3A_68, %add3A_67] : memref<2x32768xi32, #tpu.memory_space<hbm>> -> memref<1x128xi32, #tpu.memory_space<hbm>>
        %dma_wait3A_97 = tpu.memref_squeeze %dma_wait3A_96 : memref<1x128xi32, #tpu.memory_space<hbm>> -> memref<128xi32, #tpu.memory_space<hbm>>
        tpu.wait_dma2 semaphore(%run_scoped3A_89 : memref<!tpu.dma_semaphore, #tpu.memory_space<semaphore_mem>>) src(%dma_wait3A_97 : memref<128xi32, #tpu.memory_space<hbm>>) dst(%arg11 : memref<128xi32, #tpu.memory_space<vmem>>)
        tpu.yield
      }) : () -> ()
      %run_scoped3A_69 = arith.constant 1 : i32
      "tpu.region"() ({
        %run_scoped3A_89 = tpu.sem_alloc : memref<!tpu.dma_semaphore, #tpu.memory_space<semaphore_mem>>
        %dma_start3A_90 = tpu.memref_slice %arg2[%run_scoped3A_69, %add3A_67] : memref<2x32768xi32, #tpu.memory_space<hbm>> -> memref<1x128xi32, #tpu.memory_space<hbm>>
        %dma_start3A_91 = tpu.memref_squeeze %dma_start3A_90 : memref<1x128xi32, #tpu.memory_space<hbm>> -> memref<128xi32, #tpu.memory_space<hbm>>
        %dma_start3A_92 = tpu.memref_slice %arg2[%run_scoped3A_69, %add3A_67] : memref<2x32768xi32, #tpu.memory_space<hbm>> -> memref<1x128xi32, #tpu.memory_space<hbm>>
        %dma_start3A_93 = tpu.memref_squeeze %dma_start3A_92 : memref<1x128xi32, #tpu.memory_space<hbm>> -> memref<128xi32, #tpu.memory_space<hbm>>
        tpu.enqueue_dma source(%dma_start3A_93 : memref<128xi32, #tpu.memory_space<hbm>>) target(%arg12 : memref<128xi32, #tpu.memory_space<vmem>>) target_semaphore(%run_scoped3A_89 : memref<!tpu.dma_semaphore, #tpu.memory_space<semaphore_mem>>)
        %dma_wait3A_94 = tpu.memref_slice %arg2[%run_scoped3A_69, %add3A_67] : memref<2x32768xi32, #tpu.memory_space<hbm>> -> memref<1x128xi32, #tpu.memory_space<hbm>>
        %dma_wait3A_95 = tpu.memref_squeeze %dma_wait3A_94 : memref<1x128xi32, #tpu.memory_space<hbm>> -> memref<128xi32, #tpu.memory_space<hbm>>
        %dma_wait3A_96 = tpu.memref_slice %arg2[%run_scoped3A_69, %add3A_67] : memref<2x32768xi32, #tpu.memory_space<hbm>> -> memref<1x128xi32, #tpu.memory_space<hbm>>
        %dma_wait3A_97 = tpu.memref_squeeze %dma_wait3A_96 : memref<1x128xi32, #tpu.memory_space<hbm>> -> memref<128xi32, #tpu.memory_space<hbm>>
        tpu.wait_dma2 semaphore(%run_scoped3A_89 : memref<!tpu.dma_semaphore, #tpu.memory_space<semaphore_mem>>) src(%dma_wait3A_97 : memref<128xi32, #tpu.memory_space<hbm>>) dst(%arg12 : memref<128xi32, #tpu.memory_space<vmem>>)
        tpu.yield
      }) : () -> ()
      "tpu.region"() ({
        %run_scoped3A_89 = tpu.sem_alloc : memref<!tpu.dma_semaphore, #tpu.memory_space<semaphore_mem>>
        %dma_start3A_90 = tpu.memref_slice %arg17[%add3A_67] : memref<32768xf32, #tpu.memory_space<vmem_shared>> -> memref<128xf32, #tpu.memory_space<vmem_shared>>
        %dma_start3A_91 = tpu.memref_slice %arg17[%add3A_67] : memref<32768xf32, #tpu.memory_space<vmem_shared>> -> memref<128xf32, #tpu.memory_space<vmem_shared>>
        tpu.enqueue_dma source(%dma_start3A_91 : memref<128xf32, #tpu.memory_space<vmem_shared>>) target(%arg13 : memref<128xf32, #tpu.memory_space<vmem>>) target_semaphore(%run_scoped3A_89 : memref<!tpu.dma_semaphore, #tpu.memory_space<semaphore_mem>>)
        %dma_wait3A_92 = tpu.memref_slice %arg17[%add3A_67] : memref<32768xf32, #tpu.memory_space<vmem_shared>> -> memref<128xf32, #tpu.memory_space<vmem_shared>>
        %dma_wait3A_93 = tpu.memref_slice %arg17[%add3A_67] : memref<32768xf32, #tpu.memory_space<vmem_shared>> -> memref<128xf32, #tpu.memory_space<vmem_shared>>
        tpu.wait_dma2 semaphore(%run_scoped3A_89 : memref<!tpu.dma_semaphore, #tpu.memory_space<semaphore_mem>>) src(%dma_wait3A_93 : memref<128xf32, #tpu.memory_space<vmem_shared>>) dst(%arg13 : memref<128xf32, #tpu.memory_space<vmem>>)
        tpu.yield
      }) : () -> ()
      %dma_start3A = arith.constant 0 : i32
      %dma_start3A_70 = arith.constant 0 : i32
      %dma_start3A_71 = tpu.memref_slice %arg4[%dma_start3A, %dma_start3A_70] : memref<4096x128xf32, #tpu.memory_space<hbm>> -> memref<4096x128xf32, #tpu.memory_space<hbm>>
      tpu.enqueue_indirect_dma source(%dma_start3A_71 : memref<4096x128xf32, #tpu.memory_space<hbm>>) target(%arg15 : memref<128x128xf32, #tpu.memory_space<vmem>>) offsets(%arg11 : memref<128xi32, #tpu.memory_space<vmem>>) semaphore(%arg19 : memref<!tpu.dma_semaphore, #tpu.memory_space<semaphore_mem>>)
      %dma_wait3A = arith.constant 0 : i32
      %dma_wait3A_72 = arith.constant 0 : i32
      %dma_wait3A_73 = tpu.memref_slice %arg4[%dma_wait3A, %dma_wait3A_72] : memref<4096x128xf32, #tpu.memory_space<hbm>> -> memref<4096x128xf32, #tpu.memory_space<hbm>>
      tpu.wait_indirect_dma semaphore(%arg19 : memref<!tpu.dma_semaphore, #tpu.memory_space<semaphore_mem>>) src(%dma_wait3A_73 : memref<4096x128xf32, #tpu.memory_space<hbm>>) dst(%arg15 : memref<128x128xf32, #tpu.memory_space<vmem>>)
      %scan3A_74 = arith.constant 0 : i32
      %scan3A_75 = arith.constant 0 : i32
      %scan3A_76 = arith.constant 8 : i32
      %scan3A_77 = arith.addi %scan3A_75, %scan3A_76 : i32
      %scan3A_78 = arith.constant 1 : i32
      %scan3A_79 = scf.for %scan3A_89 = %scan3A_75 to %scan3A_77 step %scan3A_78 iter_args(%scan3A_90 = %scan3A_74) -> (i32)  : i32 {
        %mul3A_91 = arith.constant 16 : i32
        %mul3A_92 = arith.muli %scan3A_89, %mul3A_91 : i32
        %get3A = arith.index_cast %mul3A_92 : i32 to index
        %get3A_93 = tpu.vector_load %arg12[%get3A] {strides = array<i32>} : memref<128xi32, #tpu.memory_space<vmem>>, vector<16xi32>,
        %gather3A = tpu.vector_load_idx %arg7[%get3A_93] : memref<4096xf32, #tpu.memory_space<vmem>>[vector<16xi32>], vector<16xf32>,
        %get3A_94 = arith.index_cast %mul3A_92 : i32 to index
        %get3A_95 = tpu.vector_load %arg13[%get3A_94] {strides = array<i32>} : memref<128xf32, #tpu.memory_space<vmem>>, vector<16xf32>,
        %div3A = arith.divf %get3A_95, %gather3A : vector<16xf32>
        %swap3A = arith.index_cast %mul3A_92 : i32 to index
        %swap3A_96 = tpu.vector_load %arg14[%swap3A] {strides = array<i32>} : memref<128xf32, #tpu.memory_space<vmem>>, vector<16xf32>,
        tpu.vector_store %arg14[%swap3A], %div3A {strides = array<i32>} : memref<128xf32, #tpu.memory_space<vmem>>, vector<16xf32>,
        %scan3A_97 = arith.constant 0 : i32
        scf.yield %scan3A_97 : i32
      }
      %scan3A_80 = arith.constant 8 : i32
      %scan3A_81 = arith.constant 0 : i32
      %scan3A_82 = arith.constant 0 : i32
      %scan3A_83 = arith.constant 128 : i32
      %scan3A_84 = arith.addi %scan3A_82, %scan3A_83 : i32
      %scan3A_85 = arith.constant 1 : i32
      %scan3A_86 = scf.for %scan3A_89 = %scan3A_82 to %scan3A_84 step %scan3A_85 iter_args(%scan3A_90 = %scan3A_81) -> (i32)  : i32 {
        %broadcast_in_dim3A_91 = vector.broadcast %scan3A_89 : i32 to vector<16xi32>
        %gather3A = tpu.vector_load_idx %arg14[%broadcast_in_dim3A_91] : memref<128xf32, #tpu.memory_space<vmem>>[vector<16xi32>], vector<16xf32>,
        %get3A = arith.index_cast %scan3A_89 : i32 to index
        %get3A_92 = arith.constant 0 : index
        %get3A_93 = tpu.vector_load %arg15[%get3A, %get3A_92] {strides = array<i32>} : memref<128x128xf32, #tpu.memory_space<vmem>>, vector<16xf32>,
        %mul3A_94 = arith.mulf %get3A_93, %gather3A : vector<16xf32>
        %swap3A = arith.index_cast %scan3A_89 : i32 to index
        %swap3A_95 = arith.constant 0 : index
        %swap3A_96 = tpu.vector_load %arg15[%swap3A, %swap3A_95] {strides = array<i32>} : memref<128x128xf32, #tpu.memory_space<vmem>>, vector<16xf32>,
        tpu.vector_store %arg15[%swap3A, %swap3A_95], %mul3A_94 {strides = array<i32>} : memref<128x128xf32, #tpu.memory_space<vmem>>, vector<16xf32>,
        %get3A_97 = arith.index_cast %scan3A_89 : i32 to index
        %get3A_98 = arith.constant 16 : index
        %get3A_99 = tpu.vector_load %arg15[%get3A_97, %get3A_98] {strides = array<i32>} : memref<128x128xf32, #tpu.memory_space<vmem>>, vector<16xf32>,
        %mul3A_100 = arith.mulf %get3A_99, %gather3A : vector<16xf32>
        %swap3A_101 = arith.index_cast %scan3A_89 : i32 to index
        %swap3A_102 = arith.constant 16 : index
        %swap3A_103 = tpu.vector_load %arg15[%swap3A_101, %swap3A_102] {strides = array<i32>} : memref<128x128xf32, #tpu.memory_space<vmem>>, vector<16xf32>,
        tpu.vector_store %arg15[%swap3A_101, %swap3A_102], %mul3A_100 {strides = array<i32>} : memref<128x128xf32, #tpu.memory_space<vmem>>, vector<16xf32>,
        %get3A_104 = arith.index_cast %scan3A_89 : i32 to index
        %get3A_105 = arith.constant 32 : index
        %get3A_106 = tpu.vector_load %arg15[%get3A_104, %get3A_105] {strides = array<i32>} : memref<128x128xf32, #tpu.memory_space<vmem>>, vector<16xf32>,
        %mul3A_107 = arith.mulf %get3A_106, %gather3A : vector<16xf32>
        %swap3A_108 = arith.index_cast %scan3A_89 : i32 to index
        %swap3A_109 = arith.constant 32 : index
        %swap3A_110 = tpu.vector_load %arg15[%swap3A_108, %swap3A_109] {strides = array<i32>} : memref<128x128xf32, #tpu.memory_space<vmem>>, vector<16xf32>,
        tpu.vector_store %arg15[%swap3A_108, %swap3A_109], %mul3A_107 {strides = array<i32>} : memref<128x128xf32, #tpu.memory_space<vmem>>, vector<16xf32>,
        %get3A_111 = arith.index_cast %scan3A_89 : i32 to index
        %get3A_112 = arith.constant 48 : index
        %get3A_113 = tpu.vector_load %arg15[%get3A_111, %get3A_112] {strides = array<i32>} : memref<128x128xf32, #tpu.memory_space<vmem>>, vector<16xf32>,
        %mul3A_114 = arith.mulf %get3A_113, %gather3A : vector<16xf32>
        %swap3A_115 = arith.index_cast %scan3A_89 : i32 to index
        %swap3A_116 = arith.constant 48 : index
        %swap3A_117 = tpu.vector_load %arg15[%swap3A_115, %swap3A_116] {strides = array<i32>} : memref<128x128xf32, #tpu.memory_space<vmem>>, vector<16xf32>,
        tpu.vector_store %arg15[%swap3A_115, %swap3A_116], %mul3A_114 {strides = array<i32>} : memref<128x128xf32, #tpu.memory_space<vmem>>, vector<16xf32>,
        %get3A_118 = arith.index_cast %scan3A_89 : i32 to index
        %get3A_119 = arith.constant 64 : index
        %get3A_120 = tpu.vector_load %arg15[%get3A_118, %get3A_119] {strides = array<i32>} : memref<128x128xf32, #tpu.memory_space<vmem>>, vector<16xf32>,
        %mul3A_121 = arith.mulf %get3A_120, %gather3A : vector<16xf32>
        %swap3A_122 = arith.index_cast %scan3A_89 : i32 to index
        %swap3A_123 = arith.constant 64 : index
        %swap3A_124 = tpu.vector_load %arg15[%swap3A_122, %swap3A_123] {strides = array<i32>} : memref<128x128xf32, #tpu.memory_space<vmem>>, vector<16xf32>,
        tpu.vector_store %arg15[%swap3A_122, %swap3A_123], %mul3A_121 {strides = array<i32>} : memref<128x128xf32, #tpu.memory_space<vmem>>, vector<16xf32>,
        %get3A_125 = arith.index_cast %scan3A_89 : i32 to index
        %get3A_126 = arith.constant 80 : index
        %get3A_127 = tpu.vector_load %arg15[%get3A_125, %get3A_126] {strides = array<i32>} : memref<128x128xf32, #tpu.memory_space<vmem>>, vector<16xf32>,
        %mul3A_128 = arith.mulf %get3A_127, %gather3A : vector<16xf32>
        %swap3A_129 = arith.index_cast %scan3A_89 : i32 to index
        %swap3A_130 = arith.constant 80 : index
        %swap3A_131 = tpu.vector_load %arg15[%swap3A_129, %swap3A_130] {strides = array<i32>} : memref<128x128xf32, #tpu.memory_space<vmem>>, vector<16xf32>,
        tpu.vector_store %arg15[%swap3A_129, %swap3A_130], %mul3A_128 {strides = array<i32>} : memref<128x128xf32, #tpu.memory_space<vmem>>, vector<16xf32>,
        %get3A_132 = arith.index_cast %scan3A_89 : i32 to index
        %get3A_133 = arith.constant 96 : index
        %get3A_134 = tpu.vector_load %arg15[%get3A_132, %get3A_133] {strides = array<i32>} : memref<128x128xf32, #tpu.memory_space<vmem>>, vector<16xf32>,
        %mul3A_135 = arith.mulf %get3A_134, %gather3A : vector<16xf32>
        %swap3A_136 = arith.index_cast %scan3A_89 : i32 to index
        %swap3A_137 = arith.constant 96 : index
        %swap3A_138 = tpu.vector_load %arg15[%swap3A_136, %swap3A_137] {strides = array<i32>} : memref<128x128xf32, #tpu.memory_space<vmem>>, vector<16xf32>,
        tpu.vector_store %arg15[%swap3A_136, %swap3A_137], %mul3A_135 {strides = array<i32>} : memref<128x128xf32, #tpu.memory_space<vmem>>, vector<16xf32>,
        %get3A_139 = arith.index_cast %scan3A_89 : i32 to index
        %get3A_140 = arith.constant 112 : index
        %get3A_141 = tpu.vector_load %arg15[%get3A_139, %get3A_140] {strides = array<i32>} : memref<128x128xf32, #tpu.memory_space<vmem>>, vector<16xf32>,
        %mul3A_142 = arith.mulf %get3A_141, %gather3A : vector<16xf32>
        %swap3A_143 = arith.index_cast %scan3A_89 : i32 to index
        %swap3A_144 = arith.constant 112 : index
        %swap3A_145 = tpu.vector_load %arg15[%swap3A_143, %swap3A_144] {strides = array<i32>} : memref<128x128xf32, #tpu.memory_space<vmem>>, vector<16xf32>,
        tpu.vector_store %arg15[%swap3A_143, %swap3A_144], %mul3A_142 {strides = array<i32>} : memref<128x128xf32, #tpu.memory_space<vmem>>, vector<16xf32>,
        %scan3A_146 = arith.constant 0 : i32
        scf.yield %scan3A_146 : i32
      }
      %scan3A_87 = arith.constant 128 : i32
      "tpu.region"() ({
        %run_scoped3A_89 = tpu.sem_alloc : memref<!tpu.dma_semaphore, #tpu.memory_space<semaphore_mem>>
        %dma_start3A_90 = arith.constant 0 : i32
        %dma_start3A_91 = arith.constant 0 : i32
        %dma_start3A_92 = tpu.memref_slice %arg18[%dma_start3A_90, %dma_start3A_91] : memref<4096x128xf32, #tpu.memory_space<vmem_shared>> -> memref<4096x128xf32, #tpu.memory_space<vmem_shared>>
        tpu.enqueue_indirect_dma source(%arg15 : memref<128x128xf32, #tpu.memory_space<vmem>>) target(%dma_start3A_92 : memref<4096x128xf32, #tpu.memory_space<vmem_shared>>) offsets(%arg12 : memref<128xi32, #tpu.memory_space<vmem>>) semaphore(%run_scoped3A_89 : memref<!tpu.dma_semaphore, #tpu.memory_space<semaphore_mem>>) {add = true}
        %dma_wait3A_93 = arith.constant 0 : i32
        %dma_wait3A_94 = arith.constant 0 : i32
        %dma_wait3A_95 = tpu.memref_slice %arg18[%dma_wait3A_93, %dma_wait3A_94] : memref<4096x128xf32, #tpu.memory_space<vmem_shared>> -> memref<4096x128xf32, #tpu.memory_space<vmem_shared>>
        tpu.wait_indirect_dma semaphore(%run_scoped3A_89 : memref<!tpu.dma_semaphore, #tpu.memory_space<semaphore_mem>>) src(%arg15 : memref<128x128xf32, #tpu.memory_space<vmem>>) dst(%dma_wait3A_95 : memref<4096x128xf32, #tpu.memory_space<vmem_shared>>)
        tpu.yield
      }) : () -> ()
      %scan3A_88 = arith.constant 0 : i32
      scf.yield %scan3A_88 : i32
    }
    %scan3A_53 = arith.constant 8 : i32
    %barrier3A_54 = arith.constant 0 : index
    tpu.barrier barrier_id(%barrier3A_54)
    %mul3A_55 = arith.constant 256 : i32
    %mul3A_56 = arith.muli %arg1, %mul3A_55 : i32
    %add3A_57 = arith.constant 0 : i32
    %add3A_58 = arith.addi %mul3A_56, %add3A_57 : i32
    "tpu.region"() ({
      %run_scoped3A_63 = tpu.sem_alloc : memref<!tpu.dma_semaphore, #tpu.memory_space<semaphore_mem>>
      %dma_start3A = arith.constant 0 : i32
      %dma_start3A_64 = tpu.memref_slice %arg5[%arg0, %add3A_58, %dma_start3A] : memref<2x4096x128xf32, #tpu.memory_space<hbm>> -> memref<1x128x128xf32, #tpu.memory_space<hbm>>
      %dma_start3A_65 = tpu.memref_squeeze %dma_start3A_64 : memref<1x128x128xf32, #tpu.memory_space<hbm>> -> memref<128x128xf32, #tpu.memory_space<hbm>>
      %dma_start3A_66 = arith.constant 0 : i32
      %dma_start3A_67 = tpu.memref_slice %arg18[%add3A_58, %dma_start3A_66] : memref<4096x128xf32, #tpu.memory_space<vmem_shared>> -> memref<128x128xf32, #tpu.memory_space<vmem_shared>>
      tpu.enqueue_dma source(%dma_start3A_67 : memref<128x128xf32, #tpu.memory_space<vmem_shared>>) target(%dma_start3A_65 : memref<128x128xf32, #tpu.memory_space<hbm>>) target_semaphore(%run_scoped3A_63 : memref<!tpu.dma_semaphore, #tpu.memory_space<semaphore_mem>>)
      %dma_wait3A = arith.constant 0 : i32
      %dma_wait3A_68 = tpu.memref_slice %arg5[%arg0, %add3A_58, %dma_wait3A] : memref<2x4096x128xf32, #tpu.memory_space<hbm>> -> memref<1x128x128xf32, #tpu.memory_space<hbm>>
      %dma_wait3A_69 = tpu.memref_squeeze %dma_wait3A_68 : memref<1x128x128xf32, #tpu.memory_space<hbm>> -> memref<128x128xf32, #tpu.memory_space<hbm>>
      %dma_wait3A_70 = arith.constant 0 : i32
      %dma_wait3A_71 = tpu.memref_slice %arg18[%add3A_58, %dma_wait3A_70] : memref<4096x128xf32, #tpu.memory_space<vmem_shared>> -> memref<128x128xf32, #tpu.memory_space<vmem_shared>>
      tpu.wait_dma2 semaphore(%run_scoped3A_63 : memref<!tpu.dma_semaphore, #tpu.memory_space<semaphore_mem>>) src(%dma_wait3A_71 : memref<128x128xf32, #tpu.memory_space<vmem_shared>>) dst(%dma_wait3A_69 : memref<128x128xf32, #tpu.memory_space<hbm>>)
      tpu.yield
    }) : () -> ()
    %mul3A_59 = arith.constant 256 : i32
    %mul3A_60 = arith.muli %arg1, %mul3A_59 : i32
    %add3A_61 = arith.constant 128 : i32
    %add3A_62 = arith.addi %mul3A_60, %add3A_61 : i32
    "tpu.region"() ({
      %run_scoped3A_63 = tpu.sem_alloc : memref<!tpu.dma_semaphore, #tpu.memory_space<semaphore_mem>>
      %dma_start3A = arith.constant 0 : i32
      %dma_start3A_64 = tpu.memref_slice %arg5[%arg0, %add3A_62, %dma_start3A] : memref<2x4096x128xf32, #tpu.memory_space<hbm>> -> memref<1x128x128xf32, #tpu.memory_space<hbm>>
      %dma_start3A_65 = tpu.memref_squeeze %dma_start3A_64 : memref<1x128x128xf32, #tpu.memory_space<hbm>> -> memref<128x128xf32, #tpu.memory_space<hbm>>
      %dma_start3A_66 = arith.constant 0 : i32
      %dma_start3A_67 = tpu.memref_slice %arg18[%add3A_62, %dma_start3A_66] : memref<4096x128xf32, #tpu.memory_space<vmem_shared>> -> memref<128x128xf32, #tpu.memory_space<vmem_shared>>
      tpu.enqueue_dma source(%dma_start3A_67 : memref<128x128xf32, #tpu.memory_space<vmem_shared>>) target(%dma_start3A_65 : memref<128x128xf32, #tpu.memory_space<hbm>>) target_semaphore(%run_scoped3A_63 : memref<!tpu.dma_semaphore, #tpu.memory_space<semaphore_mem>>)
      %dma_wait3A = arith.constant 0 : i32
      %dma_wait3A_68 = tpu.memref_slice %arg5[%arg0, %add3A_62, %dma_wait3A] : memref<2x4096x128xf32, #tpu.memory_space<hbm>> -> memref<1x128x128xf32, #tpu.memory_space<hbm>>
      %dma_wait3A_69 = tpu.memref_squeeze %dma_wait3A_68 : memref<1x128x128xf32, #tpu.memory_space<hbm>> -> memref<128x128xf32, #tpu.memory_space<hbm>>
      %dma_wait3A_70 = arith.constant 0 : i32
      %dma_wait3A_71 = tpu.memref_slice %arg18[%add3A_62, %dma_wait3A_70] : memref<4096x128xf32, #tpu.memory_space<vmem_shared>> -> memref<128x128xf32, #tpu.memory_space<vmem_shared>>
      tpu.wait_dma2 semaphore(%run_scoped3A_63 : memref<!tpu.dma_semaphore, #tpu.memory_space<semaphore_mem>>) src(%dma_wait3A_71 : memref<128x128xf32, #tpu.memory_space<vmem_shared>>) dst(%dma_wait3A_69 : memref<128x128xf32, #tpu.memory_space<hbm>>)
      tpu.yield
    }) : () -> ()
    return
  }
}

#map = affine_map<(d0, d1) -> (0, 0)>
#map1 = affine_map<(d0, d1) -> (0)>
#map2 = affine_map<(d0, d1) -> (0, 0, 0)>
module attributes {stable_mosaic.version = 14 : i64} {
  func.func @_sc_gat_body(%arg0: i32, %arg1: i32, %arg2: memref<2x32768xi32, #tpu.memory_space<hbm>>, %arg3: memref<8192xf32, #tpu.memory_space<hbm>>, %arg4: memref<4096x128xf32, #tpu.memory_space<hbm>>, %arg5: memref<2x4096x128xf32, #tpu.memory_space<hbm>>, %arg6: memref<8192xf32, #tpu.memory_space<vmem>>, %arg7: memref<4096xf32, #tpu.memory_space<vmem>>, %arg8: memref<2048xi32, #tpu.memory_space<vmem>>, %arg9: memref<2048xi32, #tpu.memory_space<vmem>>, %arg10: memref<2048xf32, #tpu.memory_space<vmem>>, %arg11: memref<128xi32, #tpu.memory_space<vmem>>, %arg12: memref<128xi32, #tpu.memory_space<vmem>>, %arg13: memref<128xf32, #tpu.memory_space<vmem>>, %arg14: memref<128xf32, #tpu.memory_space<vmem>>, %arg15: memref<128x128xf32, #tpu.memory_space<vmem>>, %arg16: memref<4096xf32, #tpu.memory_space<vmem_shared>>, %arg17: memref<32768xf32, #tpu.memory_space<vmem_shared>>, %arg18: memref<4096x128xf32, #tpu.memory_space<vmem_shared>>, %arg19: memref<!tpu.dma_semaphore, #tpu.memory_space<semaphore_mem>>) attributes {dimension_semantics = [#tpu.dimension_semantics<core_parallel>, #tpu.dimension_semantics<subcore_parallel>], iteration_bounds = array<i64: 2, 16>, scalar_prefetch = 0 : i64, scratch_operands = 14 : i64, tpu.core_type = #tpu.core_type<sc_vector_subcore>, window_params = [{transform_indices = #map}, {transform_indices = #map1}, {transform_indices = #map}, {transform_indices = #map2}]} {
    %broadcast_in_dim3A = arith.constant 0.000000e+00 : f32
    %broadcast_in_dim3A_0 = vector.broadcast %broadcast_in_dim3A : f32 to vector<16xf32>
    %broadcast_in_dim3A_1 = arith.constant 1 : i32
    %broadcast_in_dim3A_2 = vector.broadcast %broadcast_in_dim3A_1 : i32 to vector<16xi32>
    "tpu.region"() ({
      %run_scoped3A_63 = tpu.sem_alloc : memref<!tpu.dma_semaphore, #tpu.memory_space<semaphore_mem>>
      tpu.enqueue_dma source(%arg3 : memref<8192xf32, #tpu.memory_space<hbm>>) target(%arg6 : memref<8192xf32, #tpu.memory_space<vmem>>) target_semaphore(%run_scoped3A_63 : memref<!tpu.dma_semaphore, #tpu.memory_space<semaphore_mem>>)
      tpu.wait_dma2 semaphore(%run_scoped3A_63 : memref<!tpu.dma_semaphore, #tpu.memory_space<semaphore_mem>>) src(%arg3 : memref<8192xf32, #tpu.memory_space<hbm>>) dst(%arg6 : memref<8192xf32, #tpu.memory_space<vmem>>)
      tpu.yield
    }) : () -> ()
    %mul3A = arith.constant 2048 : i32
    %mul3A_3 = arith.muli %arg1, %mul3A : i32
    %run_scoped3A = arith.constant 0 : i32
    "tpu.region"() ({
      %run_scoped3A_63 = tpu.sem_alloc : memref<!tpu.dma_semaphore, #tpu.memory_space<semaphore_mem>>
      %dma_start3A = tpu.memref_slice %arg2[%run_scoped3A, %mul3A_3] : memref<2x32768xi32, #tpu.memory_space<hbm>> -> memref<1x2048xi32, #tpu.memory_space<hbm>>
      %dma_start3A_64 = tpu.memref_squeeze %dma_start3A : memref<1x2048xi32, #tpu.memory_space<hbm>> -> memref<2048xi32, #tpu.memory_space<hbm>>
      %dma_start3A_65 = tpu.memref_slice %arg2[%run_scoped3A, %mul3A_3] : memref<2x32768xi32, #tpu.memory_space<hbm>> -> memref<1x2048xi32, #tpu.memory_space<hbm>>
      %dma_start3A_66 = tpu.memref_squeeze %dma_start3A_65 : memref<1x2048xi32, #tpu.memory_space<hbm>> -> memref<2048xi32, #tpu.memory_space<hbm>>
      tpu.enqueue_dma source(%dma_start3A_66 : memref<2048xi32, #tpu.memory_space<hbm>>) target(%arg8 : memref<2048xi32, #tpu.memory_space<vmem>>) target_semaphore(%run_scoped3A_63 : memref<!tpu.dma_semaphore, #tpu.memory_space<semaphore_mem>>)
      %dma_wait3A = tpu.memref_slice %arg2[%run_scoped3A, %mul3A_3] : memref<2x32768xi32, #tpu.memory_space<hbm>> -> memref<1x2048xi32, #tpu.memory_space<hbm>>
      %dma_wait3A_67 = tpu.memref_squeeze %dma_wait3A : memref<1x2048xi32, #tpu.memory_space<hbm>> -> memref<2048xi32, #tpu.memory_space<hbm>>
      %dma_wait3A_68 = tpu.memref_slice %arg2[%run_scoped3A, %mul3A_3] : memref<2x32768xi32, #tpu.memory_space<hbm>> -> memref<1x2048xi32, #tpu.memory_space<hbm>>
      %dma_wait3A_69 = tpu.memref_squeeze %dma_wait3A_68 : memref<1x2048xi32, #tpu.memory_space<hbm>> -> memref<2048xi32, #tpu.memory_space<hbm>>
      tpu.wait_dma2 semaphore(%run_scoped3A_63 : memref<!tpu.dma_semaphore, #tpu.memory_space<semaphore_mem>>) src(%dma_wait3A_69 : memref<2048xi32, #tpu.memory_space<hbm>>) dst(%arg8 : memref<2048xi32, #tpu.memory_space<vmem>>)
      tpu.yield
    }) : () -> ()
    %run_scoped3A_4 = arith.constant 1 : i32
    "tpu.region"() ({
      %run_scoped3A_63 = tpu.sem_alloc : memref<!tpu.dma_semaphore, #tpu.memory_space<semaphore_mem>>
      %dma_start3A = tpu.memref_slice %arg2[%run_scoped3A_4, %mul3A_3] : memref<2x32768xi32, #tpu.memory_space<hbm>> -> memref<1x2048xi32, #tpu.memory_space<hbm>>
      %dma_start3A_64 = tpu.memref_squeeze %dma_start3A : memref<1x2048xi32, #tpu.memory_space<hbm>> -> memref<2048xi32, #tpu.memory_space<hbm>>
      %dma_start3A_65 = tpu.memref_slice %arg2[%run_scoped3A_4, %mul3A_3] : memref<2x32768xi32, #tpu.memory_space<hbm>> -> memref<1x2048xi32, #tpu.memory_space<hbm>>
      %dma_start3A_66 = tpu.memref_squeeze %dma_start3A_65 : memref<1x2048xi32, #tpu.memory_space<hbm>> -> memref<2048xi32, #tpu.memory_space<hbm>>
      tpu.enqueue_dma source(%dma_start3A_66 : memref<2048xi32, #tpu.memory_space<hbm>>) target(%arg9 : memref<2048xi32, #tpu.memory_space<vmem>>) target_semaphore(%run_scoped3A_63 : memref<!tpu.dma_semaphore, #tpu.memory_space<semaphore_mem>>)
      %dma_wait3A = tpu.memref_slice %arg2[%run_scoped3A_4, %mul3A_3] : memref<2x32768xi32, #tpu.memory_space<hbm>> -> memref<1x2048xi32, #tpu.memory_space<hbm>>
      %dma_wait3A_67 = tpu.memref_squeeze %dma_wait3A : memref<1x2048xi32, #tpu.memory_space<hbm>> -> memref<2048xi32, #tpu.memory_space<hbm>>
      %dma_wait3A_68 = tpu.memref_slice %arg2[%run_scoped3A_4, %mul3A_3] : memref<2x32768xi32, #tpu.memory_space<hbm>> -> memref<1x2048xi32, #tpu.memory_space<hbm>>
      %dma_wait3A_69 = tpu.memref_squeeze %dma_wait3A_68 : memref<1x2048xi32, #tpu.memory_space<hbm>> -> memref<2048xi32, #tpu.memory_space<hbm>>
      tpu.wait_dma2 semaphore(%run_scoped3A_63 : memref<!tpu.dma_semaphore, #tpu.memory_space<semaphore_mem>>) src(%dma_wait3A_69 : memref<2048xi32, #tpu.memory_space<hbm>>) dst(%arg9 : memref<2048xi32, #tpu.memory_space<vmem>>)
      tpu.yield
    }) : () -> ()
    %scan3A = arith.constant 0 : i32
    %scan3A_5 = arith.constant 0 : i32
    %scan3A_6 = arith.constant 128 : i32
    %scan3A_7 = arith.addi %scan3A_5, %scan3A_6 : i32
    %scan3A_8 = arith.constant 1 : i32
    %scan3A_9 = scf.for %scan3A_63 = %scan3A_5 to %scan3A_7 step %scan3A_8 iter_args(%scan3A_64 = %scan3A) -> (i32)  : i32 {
      %swap3A = arith.index_cast %scan3A_63 : i32 to index
      %swap3A_65 = arith.constant 0 : index
      %swap3A_66 = tpu.vector_load %arg15[%swap3A, %swap3A_65] {strides = array<i32>} : memref<128x128xf32, #tpu.memory_space<vmem>>, vector<16xf32>,
      tpu.vector_store %arg15[%swap3A, %swap3A_65], %broadcast_in_dim3A_0 {strides = array<i32>} : memref<128x128xf32, #tpu.memory_space<vmem>>, vector<16xf32>,
      %swap3A_67 = arith.index_cast %scan3A_63 : i32 to index
      %swap3A_68 = arith.constant 16 : index
      %swap3A_69 = tpu.vector_load %arg15[%swap3A_67, %swap3A_68] {strides = array<i32>} : memref<128x128xf32, #tpu.memory_space<vmem>>, vector<16xf32>,
      tpu.vector_store %arg15[%swap3A_67, %swap3A_68], %broadcast_in_dim3A_0 {strides = array<i32>} : memref<128x128xf32, #tpu.memory_space<vmem>>, vector<16xf32>,
      %swap3A_70 = arith.index_cast %scan3A_63 : i32 to index
      %swap3A_71 = arith.constant 32 : index
      %swap3A_72 = tpu.vector_load %arg15[%swap3A_70, %swap3A_71] {strides = array<i32>} : memref<128x128xf32, #tpu.memory_space<vmem>>, vector<16xf32>,
      tpu.vector_store %arg15[%swap3A_70, %swap3A_71], %broadcast_in_dim3A_0 {strides = array<i32>} : memref<128x128xf32, #tpu.memory_space<vmem>>, vector<16xf32>,
      %swap3A_73 = arith.index_cast %scan3A_63 : i32 to index
      %swap3A_74 = arith.constant 48 : index
      %swap3A_75 = tpu.vector_load %arg15[%swap3A_73, %swap3A_74] {strides = array<i32>} : memref<128x128xf32, #tpu.memory_space<vmem>>, vector<16xf32>,
      tpu.vector_store %arg15[%swap3A_73, %swap3A_74], %broadcast_in_dim3A_0 {strides = array<i32>} : memref<128x128xf32, #tpu.memory_space<vmem>>, vector<16xf32>,
      %swap3A_76 = arith.index_cast %scan3A_63 : i32 to index
      %swap3A_77 = arith.constant 64 : index
      %swap3A_78 = tpu.vector_load %arg15[%swap3A_76, %swap3A_77] {strides = array<i32>} : memref<128x128xf32, #tpu.memory_space<vmem>>, vector<16xf32>,
      tpu.vector_store %arg15[%swap3A_76, %swap3A_77], %broadcast_in_dim3A_0 {strides = array<i32>} : memref<128x128xf32, #tpu.memory_space<vmem>>, vector<16xf32>,
      %swap3A_79 = arith.index_cast %scan3A_63 : i32 to index
      %swap3A_80 = arith.constant 80 : index
      %swap3A_81 = tpu.vector_load %arg15[%swap3A_79, %swap3A_80] {strides = array<i32>} : memref<128x128xf32, #tpu.memory_space<vmem>>, vector<16xf32>,
      tpu.vector_store %arg15[%swap3A_79, %swap3A_80], %broadcast_in_dim3A_0 {strides = array<i32>} : memref<128x128xf32, #tpu.memory_space<vmem>>, vector<16xf32>,
      %swap3A_82 = arith.index_cast %scan3A_63 : i32 to index
      %swap3A_83 = arith.constant 96 : index
      %swap3A_84 = tpu.vector_load %arg15[%swap3A_82, %swap3A_83] {strides = array<i32>} : memref<128x128xf32, #tpu.memory_space<vmem>>, vector<16xf32>,
      tpu.vector_store %arg15[%swap3A_82, %swap3A_83], %broadcast_in_dim3A_0 {strides = array<i32>} : memref<128x128xf32, #tpu.memory_space<vmem>>, vector<16xf32>,
      %swap3A_85 = arith.index_cast %scan3A_63 : i32 to index
      %swap3A_86 = arith.constant 112 : index
      %swap3A_87 = tpu.vector_load %arg15[%swap3A_85, %swap3A_86] {strides = array<i32>} : memref<128x128xf32, #tpu.memory_space<vmem>>, vector<16xf32>,
      tpu.vector_store %arg15[%swap3A_85, %swap3A_86], %broadcast_in_dim3A_0 {strides = array<i32>} : memref<128x128xf32, #tpu.memory_space<vmem>>, vector<16xf32>,
      %scan3A_88 = arith.constant 0 : i32
      scf.yield %scan3A_88 : i32
    }
    %scan3A_10 = arith.constant 128 : i32
    %scan3A_11 = arith.constant 0 : i32
    %scan3A_12 = arith.constant 0 : i32
    %scan3A_13 = arith.constant 256 : i32
    %scan3A_14 = arith.addi %scan3A_12, %scan3A_13 : i32
    %scan3A_15 = arith.constant 1 : i32
    %scan3A_16 = scf.for %scan3A_63 = %scan3A_12 to %scan3A_14 step %scan3A_15 iter_args(%scan3A_64 = %scan3A_11) -> (i32)  : i32 {
      %mul3A_65 = arith.constant 16 : i32
      %mul3A_66 = arith.muli %scan3A_63, %mul3A_65 : i32
      %swap3A = arith.index_cast %mul3A_66 : i32 to index
      %swap3A_67 = tpu.vector_load %arg7[%swap3A] {strides = array<i32>} : memref<4096xf32, #tpu.memory_space<vmem>>, vector<16xf32>,
      tpu.vector_store %arg7[%swap3A], %broadcast_in_dim3A_0 {strides = array<i32>} : memref<4096xf32, #tpu.memory_space<vmem>>, vector<16xf32>,
      %scan3A_68 = arith.constant 0 : i32
      scf.yield %scan3A_68 : i32
    }
    %scan3A_17 = arith.constant 256 : i32
    %mul3A_18 = arith.constant 256 : i32
    %mul3A_19 = arith.muli %arg1, %mul3A_18 : i32
    %add3A = arith.constant 0 : i32
    %add3A_20 = arith.addi %mul3A_19, %add3A : i32
    "tpu.region"() ({
      %run_scoped3A_63 = tpu.sem_alloc : memref<!tpu.dma_semaphore, #tpu.memory_space<semaphore_mem>>
      %dma_start3A = arith.constant 0 : i32
      %dma_start3A_64 = tpu.memref_slice %arg18[%add3A_20, %dma_start3A] : memref<4096x128xf32, #tpu.memory_space<vmem_shared>> -> memref<128x128xf32, #tpu.memory_space<vmem_shared>>
      %dma_start3A_65 = arith.constant 0 : i32
      %dma_start3A_66 = tpu.memref_slice %arg18[%add3A_20, %dma_start3A_65] : memref<4096x128xf32, #tpu.memory_space<vmem_shared>> -> memref<128x128xf32, #tpu.memory_space<vmem_shared>>
      tpu.enqueue_dma source(%arg15 : memref<128x128xf32, #tpu.memory_space<vmem>>) target(%dma_start3A_66 : memref<128x128xf32, #tpu.memory_space<vmem_shared>>) target_semaphore(%run_scoped3A_63 : memref<!tpu.dma_semaphore, #tpu.memory_space<semaphore_mem>>)
      %dma_wait3A = arith.constant 0 : i32
      %dma_wait3A_67 = tpu.memref_slice %arg18[%add3A_20, %dma_wait3A] : memref<4096x128xf32, #tpu.memory_space<vmem_shared>> -> memref<128x128xf32, #tpu.memory_space<vmem_shared>>
      %dma_wait3A_68 = arith.constant 0 : i32
      %dma_wait3A_69 = tpu.memref_slice %arg18[%add3A_20, %dma_wait3A_68] : memref<4096x128xf32, #tpu.memory_space<vmem_shared>> -> memref<128x128xf32, #tpu.memory_space<vmem_shared>>
      tpu.wait_dma2 semaphore(%run_scoped3A_63 : memref<!tpu.dma_semaphore, #tpu.memory_space<semaphore_mem>>) src(%arg15 : memref<128x128xf32, #tpu.memory_space<vmem>>) dst(%dma_wait3A_69 : memref<128x128xf32, #tpu.memory_space<vmem_shared>>)
      tpu.yield
    }) : () -> ()
    %mul3A_21 = arith.constant 256 : i32
    %mul3A_22 = arith.muli %arg1, %mul3A_21 : i32
    %add3A_23 = arith.constant 128 : i32
    %add3A_24 = arith.addi %mul3A_22, %add3A_23 : i32
    "tpu.region"() ({
      %run_scoped3A_63 = tpu.sem_alloc : memref<!tpu.dma_semaphore, #tpu.memory_space<semaphore_mem>>
      %dma_start3A = arith.constant 0 : i32
      %dma_start3A_64 = tpu.memref_slice %arg18[%add3A_24, %dma_start3A] : memref<4096x128xf32, #tpu.memory_space<vmem_shared>> -> memref<128x128xf32, #tpu.memory_space<vmem_shared>>
      %dma_start3A_65 = arith.constant 0 : i32
      %dma_start3A_66 = tpu.memref_slice %arg18[%add3A_24, %dma_start3A_65] : memref<4096x128xf32, #tpu.memory_space<vmem_shared>> -> memref<128x128xf32, #tpu.memory_space<vmem_shared>>
      tpu.enqueue_dma source(%arg15 : memref<128x128xf32, #tpu.memory_space<vmem>>) target(%dma_start3A_66 : memref<128x128xf32, #tpu.memory_space<vmem_shared>>) target_semaphore(%run_scoped3A_63 : memref<!tpu.dma_semaphore, #tpu.memory_space<semaphore_mem>>)
      %dma_wait3A = arith.constant 0 : i32
      %dma_wait3A_67 = tpu.memref_slice %arg18[%add3A_24, %dma_wait3A] : memref<4096x128xf32, #tpu.memory_space<vmem_shared>> -> memref<128x128xf32, #tpu.memory_space<vmem_shared>>
      %dma_wait3A_68 = arith.constant 0 : i32
      %dma_wait3A_69 = tpu.memref_slice %arg18[%add3A_24, %dma_wait3A_68] : memref<4096x128xf32, #tpu.memory_space<vmem_shared>> -> memref<128x128xf32, #tpu.memory_space<vmem_shared>>
      tpu.wait_dma2 semaphore(%run_scoped3A_63 : memref<!tpu.dma_semaphore, #tpu.memory_space<semaphore_mem>>) src(%arg15 : memref<128x128xf32, #tpu.memory_space<vmem>>) dst(%dma_wait3A_69 : memref<128x128xf32, #tpu.memory_space<vmem_shared>>)
      tpu.yield
    }) : () -> ()
    %eq3A = arith.constant 0 : i32
    %eq3A_25 = arith.cmpi eq, %arg1, %eq3A : i32
    %convert_element_type3A = arith.extui %eq3A_25 : i1 to i32
    %cond3A = arith.constant 0 : i32
    %cond3A_26 = arith.cmpi ne, %convert_element_type3A, %cond3A : i32
    scf.if %cond3A_26 {
      "tpu.region"() ({
        %run_scoped3A_63 = tpu.sem_alloc : memref<!tpu.dma_semaphore, #tpu.memory_space<semaphore_mem>>
        tpu.enqueue_dma source(%arg7 : memref<4096xf32, #tpu.memory_space<vmem>>) target(%arg16 : memref<4096xf32, #tpu.memory_space<vmem_shared>>) target_semaphore(%run_scoped3A_63 : memref<!tpu.dma_semaphore, #tpu.memory_space<semaphore_mem>>)
        tpu.wait_dma2 semaphore(%run_scoped3A_63 : memref<!tpu.dma_semaphore, #tpu.memory_space<semaphore_mem>>) src(%arg7 : memref<4096xf32, #tpu.memory_space<vmem>>) dst(%arg16 : memref<4096xf32, #tpu.memory_space<vmem_shared>>)
        tpu.yield
      }) : () -> ()
    } else {
    }
    %barrier3A = arith.constant 0 : index
    tpu.barrier barrier_id(%barrier3A)
    %scan3A_27 = arith.constant 0 : i32
    %scan3A_28 = arith.constant 0 : i32
    %scan3A_29 = arith.constant 128 : i32
    %scan3A_30 = arith.addi %scan3A_28, %scan3A_29 : i32
    %scan3A_31 = arith.constant 1 : i32
    %scan3A_32 = scf.for %scan3A_63 = %scan3A_28 to %scan3A_30 step %scan3A_31 iter_args(%scan3A_64 = %scan3A_27) -> (i32)  : i32 {
      %mul3A_65 = arith.constant 16 : i32
      %mul3A_66 = arith.muli %scan3A_63, %mul3A_65 : i32
      %get3A = arith.index_cast %mul3A_66 : i32 to index
      %get3A_67 = tpu.vector_load %arg8[%get3A] {strides = array<i32>} : memref<2048xi32, #tpu.memory_space<vmem>>, vector<16xi32>,
      %get3A_68 = arith.index_cast %mul3A_66 : i32 to index
      %get3A_69 = tpu.vector_load %arg9[%get3A_68] {strides = array<i32>} : memref<2048xi32, #tpu.memory_space<vmem>>, vector<16xi32>,
      %mul3A_70 = arith.constant 2 : i32
      %mul3A_71 = vector.broadcast %mul3A_70 : i32 to vector<16xi32>
      %mul3A_72 = arith.muli %get3A_67, %mul3A_71 : vector<16xi32>
      %gather3A = tpu.vector_load_idx %arg6[%mul3A_72] : memref<8192xf32, #tpu.memory_space<vmem>>[vector<16xi32>], vector<16xf32>,
      %mul3A_73 = arith.constant 2 : i32
      %mul3A_74 = vector.broadcast %mul3A_73 : i32 to vector<16xi32>
      %mul3A_75 = arith.muli %get3A_69, %mul3A_74 : vector<16xi32>
      %add3A_76 = arith.addi %mul3A_75, %broadcast_in_dim3A_2 : vector<16xi32>
      %gather3A_77 = tpu.vector_load_idx %arg6[%add3A_76] : memref<8192xf32, #tpu.memory_space<vmem>>[vector<16xi32>], vector<16xf32>,
      %add3A_78 = arith.addf %gather3A, %gather3A_77 : vector<16xf32>
      %mul3A_79 = arith.constant 2.000000e-01 : f32
      %mul3A_80 = vector.broadcast %mul3A_79 : f32 to vector<16xf32>
      %mul3A_81 = arith.mulf %mul3A_80, %add3A_78 : vector<16xf32>
      %max3A = arith.maximumf %add3A_78, %mul3A_81 : vector<16xf32>
      %exp3A = math.exp %max3A : vector<16xf32>
      %swap3A = arith.index_cast %mul3A_66 : i32 to index
      %swap3A_82 = tpu.vector_load %arg10[%swap3A] {strides = array<i32>} : memref<2048xf32, #tpu.memory_space<vmem>>, vector<16xf32>,
      tpu.vector_store %arg10[%swap3A], %exp3A {strides = array<i32>} : memref<2048xf32, #tpu.memory_space<vmem>>, vector<16xf32>,
      %scan3A_83 = arith.constant 0 : i32
      scf.yield %scan3A_83 : i32
    }
    %scan3A_33 = arith.constant 128 : i32
    "tpu.region"() ({
      %run_scoped3A_63 = tpu.sem_alloc : memref<!tpu.dma_semaphore, #tpu.memory_space<semaphore_mem>>
      %dma_start3A = tpu.memref_slice %arg17[%mul3A_3] : memref<32768xf32, #tpu.memory_space<vmem_shared>> -> memref<2048xf32, #tpu.memory_space<vmem_shared>>
      %dma_start3A_64 = tpu.memref_slice %arg17[%mul3A_3] : memref<32768xf32, #tpu.memory_space<vmem_shared>> -> memref<2048xf32, #tpu.memory_space<vmem_shared>>
      tpu.enqueue_dma source(%arg10 : memref<2048xf32, #tpu.memory_space<vmem>>) target(%dma_start3A_64 : memref<2048xf32, #tpu.memory_space<vmem_shared>>) target_semaphore(%run_scoped3A_63 : memref<!tpu.dma_semaphore, #tpu.memory_space<semaphore_mem>>)
      %dma_wait3A = tpu.memref_slice %arg17[%mul3A_3] : memref<32768xf32, #tpu.memory_space<vmem_shared>> -> memref<2048xf32, #tpu.memory_space<vmem_shared>>
      %dma_wait3A_65 = tpu.memref_slice %arg17[%mul3A_3] : memref<32768xf32, #tpu.memory_space<vmem_shared>> -> memref<2048xf32, #tpu.memory_space<vmem_shared>>
      tpu.wait_dma2 semaphore(%run_scoped3A_63 : memref<!tpu.dma_semaphore, #tpu.memory_space<semaphore_mem>>) src(%arg10 : memref<2048xf32, #tpu.memory_space<vmem>>) dst(%dma_wait3A_65 : memref<2048xf32, #tpu.memory_space<vmem_shared>>)
      tpu.yield
    }) : () -> ()
    %scan3A_34 = arith.constant 0 : i32
    %scan3A_35 = arith.constant 0 : i32
    %scan3A_36 = arith.constant 16 : i32
    %scan3A_37 = arith.addi %scan3A_35, %scan3A_36 : i32
    %scan3A_38 = arith.constant 1 : i32
    %scan3A_39 = scf.for %scan3A_63 = %scan3A_35 to %scan3A_37 step %scan3A_38 iter_args(%scan3A_64 = %scan3A_34) -> (i32)  : i32 {
      %mul3A_65 = arith.constant 128 : i32
      %mul3A_66 = arith.muli %scan3A_63, %mul3A_65 : i32
      %add3A_67 = arith.constant 0 : i32
      %add3A_68 = arith.addi %mul3A_66, %add3A_67 : i32
      %get3A = arith.index_cast %add3A_68 : i32 to index
      %get3A_69 = tpu.vector_load %arg9[%get3A] {strides = array<i32>} : memref<2048xi32, #tpu.memory_space<vmem>>, vector<16xi32>,
      %swap3A = arith.constant 0 : index
      %swap3A_70 = tpu.vector_load %arg12[%swap3A] {strides = array<i32>} : memref<128xi32, #tpu.memory_space<vmem>>, vector<16xi32>,
      tpu.vector_store %arg12[%swap3A], %get3A_69 {strides = array<i32>} : memref<128xi32, #tpu.memory_space<vmem>>, vector<16xi32>,
      %mul3A_71 = arith.constant 128 : i32
      %mul3A_72 = arith.muli %scan3A_63, %mul3A_71 : i32
      %add3A_73 = arith.constant 0 : i32
      %add3A_74 = arith.addi %mul3A_72, %add3A_73 : i32
      %get3A_75 = arith.index_cast %add3A_74 : i32 to index
      %get3A_76 = tpu.vector_load %arg10[%get3A_75] {strides = array<i32>} : memref<2048xf32, #tpu.memory_space<vmem>>, vector<16xf32>,
      %swap3A_77 = arith.constant 0 : index
      %swap3A_78 = tpu.vector_load %arg13[%swap3A_77] {strides = array<i32>} : memref<128xf32, #tpu.memory_space<vmem>>, vector<16xf32>,
      tpu.vector_store %arg13[%swap3A_77], %get3A_76 {strides = array<i32>} : memref<128xf32, #tpu.memory_space<vmem>>, vector<16xf32>,
      %mul3A_79 = arith.constant 128 : i32
      %mul3A_80 = arith.muli %scan3A_63, %mul3A_79 : i32
      %add3A_81 = arith.constant 16 : i32
      %add3A_82 = arith.addi %mul3A_80, %add3A_81 : i32
      %get3A_83 = arith.index_cast %add3A_82 : i32 to index
      %get3A_84 = tpu.vector_load %arg9[%get3A_83] {strides = array<i32>} : memref<2048xi32, #tpu.memory_space<vmem>>, vector<16xi32>,
      %swap3A_85 = arith.constant 16 : index
      %swap3A_86 = tpu.vector_load %arg12[%swap3A_85] {strides = array<i32>} : memref<128xi32, #tpu.memory_space<vmem>>, vector<16xi32>,
      tpu.vector_store %arg12[%swap3A_85], %get3A_84 {strides = array<i32>} : memref<128xi32, #tpu.memory_space<vmem>>, vector<16xi32>,
      %mul3A_87 = arith.constant 128 : i32
      %mul3A_88 = arith.muli %scan3A_63, %mul3A_87 : i32
      %add3A_89 = arith.constant 16 : i32
      %add3A_90 = arith.addi %mul3A_88, %add3A_89 : i32
      %get3A_91 = arith.index_cast %add3A_90 : i32 to index
      %get3A_92 = tpu.vector_load %arg10[%get3A_91] {strides = array<i32>} : memref<2048xf32, #tpu.memory_space<vmem>>, vector<16xf32>,
      %swap3A_93 = arith.constant 16 : index
      %swap3A_94 = tpu.vector_load %arg13[%swap3A_93] {strides = array<i32>} : memref<128xf32, #tpu.memory_space<vmem>>, vector<16xf32>,
      tpu.vector_store %arg13[%swap3A_93], %get3A_92 {strides = array<i32>} : memref<128xf32, #tpu.memory_space<vmem>>, vector<16xf32>,
      %mul3A_95 = arith.constant 128 : i32
      %mul3A_96 = arith.muli %scan3A_63, %mul3A_95 : i32
      %add3A_97 = arith.constant 32 : i32
      %add3A_98 = arith.addi %mul3A_96, %add3A_97 : i32
      %get3A_99 = arith.index_cast %add3A_98 : i32 to index
      %get3A_100 = tpu.vector_load %arg9[%get3A_99] {strides = array<i32>} : memref<2048xi32, #tpu.memory_space<vmem>>, vector<16xi32>,
      %swap3A_101 = arith.constant 32 : index
      %swap3A_102 = tpu.vector_load %arg12[%swap3A_101] {strides = array<i32>} : memref<128xi32, #tpu.memory_space<vmem>>, vector<16xi32>,
      tpu.vector_store %arg12[%swap3A_101], %get3A_100 {strides = array<i32>} : memref<128xi32, #tpu.memory_space<vmem>>, vector<16xi32>,
      %mul3A_103 = arith.constant 128 : i32
      %mul3A_104 = arith.muli %scan3A_63, %mul3A_103 : i32
      %add3A_105 = arith.constant 32 : i32
      %add3A_106 = arith.addi %mul3A_104, %add3A_105 : i32
      %get3A_107 = arith.index_cast %add3A_106 : i32 to index
      %get3A_108 = tpu.vector_load %arg10[%get3A_107] {strides = array<i32>} : memref<2048xf32, #tpu.memory_space<vmem>>, vector<16xf32>,
      %swap3A_109 = arith.constant 32 : index
      %swap3A_110 = tpu.vector_load %arg13[%swap3A_109] {strides = array<i32>} : memref<128xf32, #tpu.memory_space<vmem>>, vector<16xf32>,
      tpu.vector_store %arg13[%swap3A_109], %get3A_108 {strides = array<i32>} : memref<128xf32, #tpu.memory_space<vmem>>, vector<16xf32>,
      %mul3A_111 = arith.constant 128 : i32
      %mul3A_112 = arith.muli %scan3A_63, %mul3A_111 : i32
      %add3A_113 = arith.constant 48 : i32
      %add3A_114 = arith.addi %mul3A_112, %add3A_113 : i32
      %get3A_115 = arith.index_cast %add3A_114 : i32 to index
      %get3A_116 = tpu.vector_load %arg9[%get3A_115] {strides = array<i32>} : memref<2048xi32, #tpu.memory_space<vmem>>, vector<16xi32>,
      %swap3A_117 = arith.constant 48 : index
      %swap3A_118 = tpu.vector_load %arg12[%swap3A_117] {strides = array<i32>} : memref<128xi32, #tpu.memory_space<vmem>>, vector<16xi32>,
      tpu.vector_store %arg12[%swap3A_117], %get3A_116 {strides = array<i32>} : memref<128xi32, #tpu.memory_space<vmem>>, vector<16xi32>,
      %mul3A_119 = arith.constant 128 : i32
      %mul3A_120 = arith.muli %scan3A_63, %mul3A_119 : i32
      %add3A_121 = arith.constant 48 : i32
      %add3A_122 = arith.addi %mul3A_120, %add3A_121 : i32
      %get3A_123 = arith.index_cast %add3A_122 : i32 to index
      %get3A_124 = tpu.vector_load %arg10[%get3A_123] {strides = array<i32>} : memref<2048xf32, #tpu.memory_space<vmem>>, vector<16xf32>,
      %swap3A_125 = arith.constant 48 : index
      %swap3A_126 = tpu.vector_load %arg13[%swap3A_125] {strides = array<i32>} : memref<128xf32, #tpu.memory_space<vmem>>, vector<16xf32>,
      tpu.vector_store %arg13[%swap3A_125], %get3A_124 {strides = array<i32>} : memref<128xf32, #tpu.memory_space<vmem>>, vector<16xf32>,
      %mul3A_127 = arith.constant 128 : i32
      %mul3A_128 = arith.muli %scan3A_63, %mul3A_127 : i32
      %add3A_129 = arith.constant 64 : i32
      %add3A_130 = arith.addi %mul3A_128, %add3A_129 : i32
      %get3A_131 = arith.index_cast %add3A_130 : i32 to index
      %get3A_132 = tpu.vector_load %arg9[%get3A_131] {strides = array<i32>} : memref<2048xi32, #tpu.memory_space<vmem>>, vector<16xi32>,
      %swap3A_133 = arith.constant 64 : index
      %swap3A_134 = tpu.vector_load %arg12[%swap3A_133] {strides = array<i32>} : memref<128xi32, #tpu.memory_space<vmem>>, vector<16xi32>,
      tpu.vector_store %arg12[%swap3A_133], %get3A_132 {strides = array<i32>} : memref<128xi32, #tpu.memory_space<vmem>>, vector<16xi32>,
      %mul3A_135 = arith.constant 128 : i32
      %mul3A_136 = arith.muli %scan3A_63, %mul3A_135 : i32
      %add3A_137 = arith.constant 64 : i32
      %add3A_138 = arith.addi %mul3A_136, %add3A_137 : i32
      %get3A_139 = arith.index_cast %add3A_138 : i32 to index
      %get3A_140 = tpu.vector_load %arg10[%get3A_139] {strides = array<i32>} : memref<2048xf32, #tpu.memory_space<vmem>>, vector<16xf32>,
      %swap3A_141 = arith.constant 64 : index
      %swap3A_142 = tpu.vector_load %arg13[%swap3A_141] {strides = array<i32>} : memref<128xf32, #tpu.memory_space<vmem>>, vector<16xf32>,
      tpu.vector_store %arg13[%swap3A_141], %get3A_140 {strides = array<i32>} : memref<128xf32, #tpu.memory_space<vmem>>, vector<16xf32>,
      %mul3A_143 = arith.constant 128 : i32
      %mul3A_144 = arith.muli %scan3A_63, %mul3A_143 : i32
      %add3A_145 = arith.constant 80 : i32
      %add3A_146 = arith.addi %mul3A_144, %add3A_145 : i32
      %get3A_147 = arith.index_cast %add3A_146 : i32 to index
      %get3A_148 = tpu.vector_load %arg9[%get3A_147] {strides = array<i32>} : memref<2048xi32, #tpu.memory_space<vmem>>, vector<16xi32>,
      %swap3A_149 = arith.constant 80 : index
      %swap3A_150 = tpu.vector_load %arg12[%swap3A_149] {strides = array<i32>} : memref<128xi32, #tpu.memory_space<vmem>>, vector<16xi32>,
      tpu.vector_store %arg12[%swap3A_149], %get3A_148 {strides = array<i32>} : memref<128xi32, #tpu.memory_space<vmem>>, vector<16xi32>,
      %mul3A_151 = arith.constant 128 : i32
      %mul3A_152 = arith.muli %scan3A_63, %mul3A_151 : i32
      %add3A_153 = arith.constant 80 : i32
      %add3A_154 = arith.addi %mul3A_152, %add3A_153 : i32
      %get3A_155 = arith.index_cast %add3A_154 : i32 to index
      %get3A_156 = tpu.vector_load %arg10[%get3A_155] {strides = array<i32>} : memref<2048xf32, #tpu.memory_space<vmem>>, vector<16xf32>,
      %swap3A_157 = arith.constant 80 : index
      %swap3A_158 = tpu.vector_load %arg13[%swap3A_157] {strides = array<i32>} : memref<128xf32, #tpu.memory_space<vmem>>, vector<16xf32>,
      tpu.vector_store %arg13[%swap3A_157], %get3A_156 {strides = array<i32>} : memref<128xf32, #tpu.memory_space<vmem>>, vector<16xf32>,
      %mul3A_159 = arith.constant 128 : i32
      %mul3A_160 = arith.muli %scan3A_63, %mul3A_159 : i32
      %add3A_161 = arith.constant 96 : i32
      %add3A_162 = arith.addi %mul3A_160, %add3A_161 : i32
      %get3A_163 = arith.index_cast %add3A_162 : i32 to index
      %get3A_164 = tpu.vector_load %arg9[%get3A_163] {strides = array<i32>} : memref<2048xi32, #tpu.memory_space<vmem>>, vector<16xi32>,
      %swap3A_165 = arith.constant 96 : index
      %swap3A_166 = tpu.vector_load %arg12[%swap3A_165] {strides = array<i32>} : memref<128xi32, #tpu.memory_space<vmem>>, vector<16xi32>,
      tpu.vector_store %arg12[%swap3A_165], %get3A_164 {strides = array<i32>} : memref<128xi32, #tpu.memory_space<vmem>>, vector<16xi32>,
      %mul3A_167 = arith.constant 128 : i32
      %mul3A_168 = arith.muli %scan3A_63, %mul3A_167 : i32
      %add3A_169 = arith.constant 96 : i32
      %add3A_170 = arith.addi %mul3A_168, %add3A_169 : i32
      %get3A_171 = arith.index_cast %add3A_170 : i32 to index
      %get3A_172 = tpu.vector_load %arg10[%get3A_171] {strides = array<i32>} : memref<2048xf32, #tpu.memory_space<vmem>>, vector<16xf32>,
      %swap3A_173 = arith.constant 96 : index
      %swap3A_174 = tpu.vector_load %arg13[%swap3A_173] {strides = array<i32>} : memref<128xf32, #tpu.memory_space<vmem>>, vector<16xf32>,
      tpu.vector_store %arg13[%swap3A_173], %get3A_172 {strides = array<i32>} : memref<128xf32, #tpu.memory_space<vmem>>, vector<16xf32>,
      %mul3A_175 = arith.constant 128 : i32
      %mul3A_176 = arith.muli %scan3A_63, %mul3A_175 : i32
      %add3A_177 = arith.constant 112 : i32
      %add3A_178 = arith.addi %mul3A_176, %add3A_177 : i32
      %get3A_179 = arith.index_cast %add3A_178 : i32 to index
      %get3A_180 = tpu.vector_load %arg9[%get3A_179] {strides = array<i32>} : memref<2048xi32, #tpu.memory_space<vmem>>, vector<16xi32>,
      %swap3A_181 = arith.constant 112 : index
      %swap3A_182 = tpu.vector_load %arg12[%swap3A_181] {strides = array<i32>} : memref<128xi32, #tpu.memory_space<vmem>>, vector<16xi32>,
      tpu.vector_store %arg12[%swap3A_181], %get3A_180 {strides = array<i32>} : memref<128xi32, #tpu.memory_space<vmem>>, vector<16xi32>,
      %mul3A_183 = arith.constant 128 : i32
      %mul3A_184 = arith.muli %scan3A_63, %mul3A_183 : i32
      %add3A_185 = arith.constant 112 : i32
      %add3A_186 = arith.addi %mul3A_184, %add3A_185 : i32
      %get3A_187 = arith.index_cast %add3A_186 : i32 to index
      %get3A_188 = tpu.vector_load %arg10[%get3A_187] {strides = array<i32>} : memref<2048xf32, #tpu.memory_space<vmem>>, vector<16xf32>,
      %swap3A_189 = arith.constant 112 : index
      %swap3A_190 = tpu.vector_load %arg13[%swap3A_189] {strides = array<i32>} : memref<128xf32, #tpu.memory_space<vmem>>, vector<16xf32>,
      tpu.vector_store %arg13[%swap3A_189], %get3A_188 {strides = array<i32>} : memref<128xf32, #tpu.memory_space<vmem>>, vector<16xf32>,
      "tpu.region"() ({
        %run_scoped3A_192 = tpu.sem_alloc : memref<!tpu.dma_semaphore, #tpu.memory_space<semaphore_mem>>
        %dma_start3A = arith.constant 0 : i32
        %dma_start3A_193 = tpu.memref_slice %arg16[%dma_start3A] : memref<4096xf32, #tpu.memory_space<vmem_shared>> -> memref<4096xf32, #tpu.memory_space<vmem_shared>>
        tpu.enqueue_indirect_dma source(%arg13 : memref<128xf32, #tpu.memory_space<vmem>>) target(%dma_start3A_193 : memref<4096xf32, #tpu.memory_space<vmem_shared>>) offsets(%arg12 : memref<128xi32, #tpu.memory_space<vmem>>) semaphore(%run_scoped3A_192 : memref<!tpu.dma_semaphore, #tpu.memory_space<semaphore_mem>>) {add = true}
        %dma_wait3A = arith.constant 0 : i32
        %dma_wait3A_194 = tpu.memref_slice %arg16[%dma_wait3A] : memref<4096xf32, #tpu.memory_space<vmem_shared>> -> memref<4096xf32, #tpu.memory_space<vmem_shared>>
        tpu.wait_indirect_dma semaphore(%run_scoped3A_192 : memref<!tpu.dma_semaphore, #tpu.memory_space<semaphore_mem>>) src(%arg13 : memref<128xf32, #tpu.memory_space<vmem>>) dst(%dma_wait3A_194 : memref<4096xf32, #tpu.memory_space<vmem_shared>>)
        tpu.yield
      }) : () -> ()
      %scan3A_191 = arith.constant 0 : i32
      scf.yield %scan3A_191 : i32
    }
    %scan3A_40 = arith.constant 16 : i32
    %barrier3A_41 = arith.constant 0 : index
    tpu.barrier barrier_id(%barrier3A_41)
    "tpu.region"() ({
      %run_scoped3A_63 = tpu.sem_alloc : memref<!tpu.dma_semaphore, #tpu.memory_space<semaphore_mem>>
      tpu.enqueue_dma source(%arg16 : memref<4096xf32, #tpu.memory_space<vmem_shared>>) target(%arg7 : memref<4096xf32, #tpu.memory_space<vmem>>) target_semaphore(%run_scoped3A_63 : memref<!tpu.dma_semaphore, #tpu.memory_space<semaphore_mem>>)
      tpu.wait_dma2 semaphore(%run_scoped3A_63 : memref<!tpu.dma_semaphore, #tpu.memory_space<semaphore_mem>>) src(%arg16 : memref<4096xf32, #tpu.memory_space<vmem_shared>>) dst(%arg7 : memref<4096xf32, #tpu.memory_space<vmem>>)
      tpu.yield
    }) : () -> ()
    %mul3A_42 = arith.constant 16 : i32
    %mul3A_43 = arith.muli %arg0, %mul3A_42 : i32
    %add3A_44 = arith.addi %mul3A_43, %arg1 : i32
    %mul3A_45 = arith.constant 1024 : i32
    %mul3A_46 = arith.muli %add3A_44, %mul3A_45 : i32
    %scan3A_47 = arith.constant 0 : i32
    %scan3A_48 = arith.constant 0 : i32
    %scan3A_49 = arith.constant 8 : i32
    %scan3A_50 = arith.addi %scan3A_48, %scan3A_49 : i32
    %scan3A_51 = arith.constant 1 : i32
    %scan3A_52 = scf.for %scan3A_63 = %scan3A_48 to %scan3A_50 step %scan3A_51 iter_args(%scan3A_64 = %scan3A_47) -> (i32)  : i32 {
      %mul3A_65 = arith.constant 128 : i32
      %mul3A_66 = arith.muli %scan3A_63, %mul3A_65 : i32
      %add3A_67 = arith.addi %mul3A_46, %mul3A_66 : i32
      %run_scoped3A_68 = arith.constant 0 : i32
      "tpu.region"() ({
        %run_scoped3A_89 = tpu.sem_alloc : memref<!tpu.dma_semaphore, #tpu.memory_space<semaphore_mem>>
        %dma_start3A_90 = tpu.memref_slice %arg2[%run_scoped3A_68, %add3A_67] : memref<2x32768xi32, #tpu.memory_space<hbm>> -> memref<1x128xi32, #tpu.memory_space<hbm>>
        %dma_start3A_91 = tpu.memref_squeeze %dma_start3A_90 : memref<1x128xi32, #tpu.memory_space<hbm>> -> memref<128xi32, #tpu.memory_space<hbm>>
        %dma_start3A_92 = tpu.memref_slice %arg2[%run_scoped3A_68, %add3A_67] : memref<2x32768xi32, #tpu.memory_space<hbm>> -> memref<1x128xi32, #tpu.memory_space<hbm>>
        %dma_start3A_93 = tpu.memref_squeeze %dma_start3A_92 : memref<1x128xi32, #tpu.memory_space<hbm>> -> memref<128xi32, #tpu.memory_space<hbm>>
        tpu.enqueue_dma source(%dma_start3A_93 : memref<128xi32, #tpu.memory_space<hbm>>) target(%arg11 : memref<128xi32, #tpu.memory_space<vmem>>) target_semaphore(%run_scoped3A_89 : memref<!tpu.dma_semaphore, #tpu.memory_space<semaphore_mem>>)
        %dma_wait3A_94 = tpu.memref_slice %arg2[%run_scoped3A_68, %add3A_67] : memref<2x32768xi32, #tpu.memory_space<hbm>> -> memref<1x128xi32, #tpu.memory_space<hbm>>
        %dma_wait3A_95 = tpu.memref_squeeze %dma_wait3A_94 : memref<1x128xi32, #tpu.memory_space<hbm>> -> memref<128xi32, #tpu.memory_space<hbm>>
        %dma_wait3A_96 = tpu.memref_slice %arg2[%run_scoped3A_68, %add3A_67] : memref<2x32768xi32, #tpu.memory_space<hbm>> -> memref<1x128xi32, #tpu.memory_space<hbm>>
        %dma_wait3A_97 = tpu.memref_squeeze %dma_wait3A_96 : memref<1x128xi32, #tpu.memory_space<hbm>> -> memref<128xi32, #tpu.memory_space<hbm>>
        tpu.wait_dma2 semaphore(%run_scoped3A_89 : memref<!tpu.dma_semaphore, #tpu.memory_space<semaphore_mem>>) src(%dma_wait3A_97 : memref<128xi32, #tpu.memory_space<hbm>>) dst(%arg11 : memref<128xi32, #tpu.memory_space<vmem>>)
        tpu.yield
      }) : () -> ()
      %run_scoped3A_69 = arith.constant 1 : i32
      "tpu.region"() ({
        %run_scoped3A_89 = tpu.sem_alloc : memref<!tpu.dma_semaphore, #tpu.memory_space<semaphore_mem>>
        %dma_start3A_90 = tpu.memref_slice %arg2[%run_scoped3A_69, %add3A_67] : memref<2x32768xi32, #tpu.memory_space<hbm>> -> memref<1x128xi32, #tpu.memory_space<hbm>>
        %dma_start3A_91 = tpu.memref_squeeze %dma_start3A_90 : memref<1x128xi32, #tpu.memory_space<hbm>> -> memref<128xi32, #tpu.memory_space<hbm>>
        %dma_start3A_92 = tpu.memref_slice %arg2[%run_scoped3A_69, %add3A_67] : memref<2x32768xi32, #tpu.memory_space<hbm>> -> memref<1x128xi32, #tpu.memory_space<hbm>>
        %dma_start3A_93 = tpu.memref_squeeze %dma_start3A_92 : memref<1x128xi32, #tpu.memory_space<hbm>> -> memref<128xi32, #tpu.memory_space<hbm>>
        tpu.enqueue_dma source(%dma_start3A_93 : memref<128xi32, #tpu.memory_space<hbm>>) target(%arg12 : memref<128xi32, #tpu.memory_space<vmem>>) target_semaphore(%run_scoped3A_89 : memref<!tpu.dma_semaphore, #tpu.memory_space<semaphore_mem>>)
        %dma_wait3A_94 = tpu.memref_slice %arg2[%run_scoped3A_69, %add3A_67] : memref<2x32768xi32, #tpu.memory_space<hbm>> -> memref<1x128xi32, #tpu.memory_space<hbm>>
        %dma_wait3A_95 = tpu.memref_squeeze %dma_wait3A_94 : memref<1x128xi32, #tpu.memory_space<hbm>> -> memref<128xi32, #tpu.memory_space<hbm>>
        %dma_wait3A_96 = tpu.memref_slice %arg2[%run_scoped3A_69, %add3A_67] : memref<2x32768xi32, #tpu.memory_space<hbm>> -> memref<1x128xi32, #tpu.memory_space<hbm>>
        %dma_wait3A_97 = tpu.memref_squeeze %dma_wait3A_96 : memref<1x128xi32, #tpu.memory_space<hbm>> -> memref<128xi32, #tpu.memory_space<hbm>>
        tpu.wait_dma2 semaphore(%run_scoped3A_89 : memref<!tpu.dma_semaphore, #tpu.memory_space<semaphore_mem>>) src(%dma_wait3A_97 : memref<128xi32, #tpu.memory_space<hbm>>) dst(%arg12 : memref<128xi32, #tpu.memory_space<vmem>>)
        tpu.yield
      }) : () -> ()
      "tpu.region"() ({
        %run_scoped3A_89 = tpu.sem_alloc : memref<!tpu.dma_semaphore, #tpu.memory_space<semaphore_mem>>
        %dma_start3A_90 = tpu.memref_slice %arg17[%add3A_67] : memref<32768xf32, #tpu.memory_space<vmem_shared>> -> memref<128xf32, #tpu.memory_space<vmem_shared>>
        %dma_start3A_91 = tpu.memref_slice %arg17[%add3A_67] : memref<32768xf32, #tpu.memory_space<vmem_shared>> -> memref<128xf32, #tpu.memory_space<vmem_shared>>
        tpu.enqueue_dma source(%dma_start3A_91 : memref<128xf32, #tpu.memory_space<vmem_shared>>) target(%arg13 : memref<128xf32, #tpu.memory_space<vmem>>) target_semaphore(%run_scoped3A_89 : memref<!tpu.dma_semaphore, #tpu.memory_space<semaphore_mem>>)
        %dma_wait3A_92 = tpu.memref_slice %arg17[%add3A_67] : memref<32768xf32, #tpu.memory_space<vmem_shared>> -> memref<128xf32, #tpu.memory_space<vmem_shared>>
        %dma_wait3A_93 = tpu.memref_slice %arg17[%add3A_67] : memref<32768xf32, #tpu.memory_space<vmem_shared>> -> memref<128xf32, #tpu.memory_space<vmem_shared>>
        tpu.wait_dma2 semaphore(%run_scoped3A_89 : memref<!tpu.dma_semaphore, #tpu.memory_space<semaphore_mem>>) src(%dma_wait3A_93 : memref<128xf32, #tpu.memory_space<vmem_shared>>) dst(%arg13 : memref<128xf32, #tpu.memory_space<vmem>>)
        tpu.yield
      }) : () -> ()
      %dma_start3A = arith.constant 0 : i32
      %dma_start3A_70 = arith.constant 0 : i32
      %dma_start3A_71 = tpu.memref_slice %arg4[%dma_start3A, %dma_start3A_70] : memref<4096x128xf32, #tpu.memory_space<hbm>> -> memref<4096x128xf32, #tpu.memory_space<hbm>>
      tpu.enqueue_indirect_dma source(%dma_start3A_71 : memref<4096x128xf32, #tpu.memory_space<hbm>>) target(%arg15 : memref<128x128xf32, #tpu.memory_space<vmem>>) offsets(%arg11 : memref<128xi32, #tpu.memory_space<vmem>>) semaphore(%arg19 : memref<!tpu.dma_semaphore, #tpu.memory_space<semaphore_mem>>)
      %dma_wait3A = arith.constant 0 : i32
      %dma_wait3A_72 = arith.constant 0 : i32
      %dma_wait3A_73 = tpu.memref_slice %arg4[%dma_wait3A, %dma_wait3A_72] : memref<4096x128xf32, #tpu.memory_space<hbm>> -> memref<4096x128xf32, #tpu.memory_space<hbm>>
      tpu.wait_indirect_dma semaphore(%arg19 : memref<!tpu.dma_semaphore, #tpu.memory_space<semaphore_mem>>) src(%dma_wait3A_73 : memref<4096x128xf32, #tpu.memory_space<hbm>>) dst(%arg15 : memref<128x128xf32, #tpu.memory_space<vmem>>)
      %scan3A_74 = arith.constant 0 : i32
      %scan3A_75 = arith.constant 0 : i32
      %scan3A_76 = arith.constant 8 : i32
      %scan3A_77 = arith.addi %scan3A_75, %scan3A_76 : i32
      %scan3A_78 = arith.constant 1 : i32
      %scan3A_79 = scf.for %scan3A_89 = %scan3A_75 to %scan3A_77 step %scan3A_78 iter_args(%scan3A_90 = %scan3A_74) -> (i32)  : i32 {
        %mul3A_91 = arith.constant 16 : i32
        %mul3A_92 = arith.muli %scan3A_89, %mul3A_91 : i32
        %get3A = arith.index_cast %mul3A_92 : i32 to index
        %get3A_93 = tpu.vector_load %arg12[%get3A] {strides = array<i32>} : memref<128xi32, #tpu.memory_space<vmem>>, vector<16xi32>,
        %gather3A = tpu.vector_load_idx %arg7[%get3A_93] : memref<4096xf32, #tpu.memory_space<vmem>>[vector<16xi32>], vector<16xf32>,
        %get3A_94 = arith.index_cast %mul3A_92 : i32 to index
        %get3A_95 = tpu.vector_load %arg13[%get3A_94] {strides = array<i32>} : memref<128xf32, #tpu.memory_space<vmem>>, vector<16xf32>,
        %div3A = arith.divf %get3A_95, %gather3A : vector<16xf32>
        %swap3A = arith.index_cast %mul3A_92 : i32 to index
        %swap3A_96 = tpu.vector_load %arg14[%swap3A] {strides = array<i32>} : memref<128xf32, #tpu.memory_space<vmem>>, vector<16xf32>,
        tpu.vector_store %arg14[%swap3A], %div3A {strides = array<i32>} : memref<128xf32, #tpu.memory_space<vmem>>, vector<16xf32>,
        %scan3A_97 = arith.constant 0 : i32
        scf.yield %scan3A_97 : i32
      }
      %scan3A_80 = arith.constant 8 : i32
      %scan3A_81 = arith.constant 0 : i32
      %scan3A_82 = arith.constant 0 : i32
      %scan3A_83 = arith.constant 128 : i32
      %scan3A_84 = arith.addi %scan3A_82, %scan3A_83 : i32
      %scan3A_85 = arith.constant 1 : i32
      %scan3A_86 = scf.for %scan3A_89 = %scan3A_82 to %scan3A_84 step %scan3A_85 iter_args(%scan3A_90 = %scan3A_81) -> (i32)  : i32 {
        %broadcast_in_dim3A_91 = vector.broadcast %scan3A_89 : i32 to vector<16xi32>
        %gather3A = tpu.vector_load_idx %arg14[%broadcast_in_dim3A_91] : memref<128xf32, #tpu.memory_space<vmem>>[vector<16xi32>], vector<16xf32>,
        %get3A = arith.index_cast %scan3A_89 : i32 to index
        %get3A_92 = arith.constant 0 : index
        %get3A_93 = tpu.vector_load %arg15[%get3A, %get3A_92] {strides = array<i32>} : memref<128x128xf32, #tpu.memory_space<vmem>>, vector<16xf32>,
        %mul3A_94 = arith.mulf %get3A_93, %gather3A : vector<16xf32>
        %swap3A = arith.index_cast %scan3A_89 : i32 to index
        %swap3A_95 = arith.constant 0 : index
        %swap3A_96 = tpu.vector_load %arg15[%swap3A, %swap3A_95] {strides = array<i32>} : memref<128x128xf32, #tpu.memory_space<vmem>>, vector<16xf32>,
        tpu.vector_store %arg15[%swap3A, %swap3A_95], %mul3A_94 {strides = array<i32>} : memref<128x128xf32, #tpu.memory_space<vmem>>, vector<16xf32>,
        %get3A_97 = arith.index_cast %scan3A_89 : i32 to index
        %get3A_98 = arith.constant 16 : index
        %get3A_99 = tpu.vector_load %arg15[%get3A_97, %get3A_98] {strides = array<i32>} : memref<128x128xf32, #tpu.memory_space<vmem>>, vector<16xf32>,
        %mul3A_100 = arith.mulf %get3A_99, %gather3A : vector<16xf32>
        %swap3A_101 = arith.index_cast %scan3A_89 : i32 to index
        %swap3A_102 = arith.constant 16 : index
        %swap3A_103 = tpu.vector_load %arg15[%swap3A_101, %swap3A_102] {strides = array<i32>} : memref<128x128xf32, #tpu.memory_space<vmem>>, vector<16xf32>,
        tpu.vector_store %arg15[%swap3A_101, %swap3A_102], %mul3A_100 {strides = array<i32>} : memref<128x128xf32, #tpu.memory_space<vmem>>, vector<16xf32>,
        %get3A_104 = arith.index_cast %scan3A_89 : i32 to index
        %get3A_105 = arith.constant 32 : index
        %get3A_106 = tpu.vector_load %arg15[%get3A_104, %get3A_105] {strides = array<i32>} : memref<128x128xf32, #tpu.memory_space<vmem>>, vector<16xf32>,
        %mul3A_107 = arith.mulf %get3A_106, %gather3A : vector<16xf32>
        %swap3A_108 = arith.index_cast %scan3A_89 : i32 to index
        %swap3A_109 = arith.constant 32 : index
        %swap3A_110 = tpu.vector_load %arg15[%swap3A_108, %swap3A_109] {strides = array<i32>} : memref<128x128xf32, #tpu.memory_space<vmem>>, vector<16xf32>,
        tpu.vector_store %arg15[%swap3A_108, %swap3A_109], %mul3A_107 {strides = array<i32>} : memref<128x128xf32, #tpu.memory_space<vmem>>, vector<16xf32>,
        %get3A_111 = arith.index_cast %scan3A_89 : i32 to index
        %get3A_112 = arith.constant 48 : index
        %get3A_113 = tpu.vector_load %arg15[%get3A_111, %get3A_112] {strides = array<i32>} : memref<128x128xf32, #tpu.memory_space<vmem>>, vector<16xf32>,
        %mul3A_114 = arith.mulf %get3A_113, %gather3A : vector<16xf32>
        %swap3A_115 = arith.index_cast %scan3A_89 : i32 to index
        %swap3A_116 = arith.constant 48 : index
        %swap3A_117 = tpu.vector_load %arg15[%swap3A_115, %swap3A_116] {strides = array<i32>} : memref<128x128xf32, #tpu.memory_space<vmem>>, vector<16xf32>,
        tpu.vector_store %arg15[%swap3A_115, %swap3A_116], %mul3A_114 {strides = array<i32>} : memref<128x128xf32, #tpu.memory_space<vmem>>, vector<16xf32>,
        %get3A_118 = arith.index_cast %scan3A_89 : i32 to index
        %get3A_119 = arith.constant 64 : index
        %get3A_120 = tpu.vector_load %arg15[%get3A_118, %get3A_119] {strides = array<i32>} : memref<128x128xf32, #tpu.memory_space<vmem>>, vector<16xf32>,
        %mul3A_121 = arith.mulf %get3A_120, %gather3A : vector<16xf32>
        %swap3A_122 = arith.index_cast %scan3A_89 : i32 to index
        %swap3A_123 = arith.constant 64 : index
        %swap3A_124 = tpu.vector_load %arg15[%swap3A_122, %swap3A_123] {strides = array<i32>} : memref<128x128xf32, #tpu.memory_space<vmem>>, vector<16xf32>,
        tpu.vector_store %arg15[%swap3A_122, %swap3A_123], %mul3A_121 {strides = array<i32>} : memref<128x128xf32, #tpu.memory_space<vmem>>, vector<16xf32>,
        %get3A_125 = arith.index_cast %scan3A_89 : i32 to index
        %get3A_126 = arith.constant 80 : index
        %get3A_127 = tpu.vector_load %arg15[%get3A_125, %get3A_126] {strides = array<i32>} : memref<128x128xf32, #tpu.memory_space<vmem>>, vector<16xf32>,
        %mul3A_128 = arith.mulf %get3A_127, %gather3A : vector<16xf32>
        %swap3A_129 = arith.index_cast %scan3A_89 : i32 to index
        %swap3A_130 = arith.constant 80 : index
        %swap3A_131 = tpu.vector_load %arg15[%swap3A_129, %swap3A_130] {strides = array<i32>} : memref<128x128xf32, #tpu.memory_space<vmem>>, vector<16xf32>,
        tpu.vector_store %arg15[%swap3A_129, %swap3A_130], %mul3A_128 {strides = array<i32>} : memref<128x128xf32, #tpu.memory_space<vmem>>, vector<16xf32>,
        %get3A_132 = arith.index_cast %scan3A_89 : i32 to index
        %get3A_133 = arith.constant 96 : index
        %get3A_134 = tpu.vector_load %arg15[%get3A_132, %get3A_133] {strides = array<i32>} : memref<128x128xf32, #tpu.memory_space<vmem>>, vector<16xf32>,
        %mul3A_135 = arith.mulf %get3A_134, %gather3A : vector<16xf32>
        %swap3A_136 = arith.index_cast %scan3A_89 : i32 to index
        %swap3A_137 = arith.constant 96 : index
        %swap3A_138 = tpu.vector_load %arg15[%swap3A_136, %swap3A_137] {strides = array<i32>} : memref<128x128xf32, #tpu.memory_space<vmem>>, vector<16xf32>,
        tpu.vector_store %arg15[%swap3A_136, %swap3A_137], %mul3A_135 {strides = array<i32>} : memref<128x128xf32, #tpu.memory_space<vmem>>, vector<16xf32>,
        %get3A_139 = arith.index_cast %scan3A_89 : i32 to index
        %get3A_140 = arith.constant 112 : index
        %get3A_141 = tpu.vector_load %arg15[%get3A_139, %get3A_140] {strides = array<i32>} : memref<128x128xf32, #tpu.memory_space<vmem>>, vector<16xf32>,
        %mul3A_142 = arith.mulf %get3A_141, %gather3A : vector<16xf32>
        %swap3A_143 = arith.index_cast %scan3A_89 : i32 to index
        %swap3A_144 = arith.constant 112 : index
        %swap3A_145 = tpu.vector_load %arg15[%swap3A_143, %swap3A_144] {strides = array<i32>} : memref<128x128xf32, #tpu.memory_space<vmem>>, vector<16xf32>,
        tpu.vector_store %arg15[%swap3A_143, %swap3A_144], %mul3A_142 {strides = array<i32>} : memref<128x128xf32, #tpu.memory_space<vmem>>, vector<16xf32>,
        %scan3A_146 = arith.constant 0 : i32
        scf.yield %scan3A_146 : i32
      }
      %scan3A_87 = arith.constant 128 : i32
      "tpu.region"() ({
        %run_scoped3A_89 = tpu.sem_alloc : memref<!tpu.dma_semaphore, #tpu.memory_space<semaphore_mem>>
        %dma_start3A_90 = arith.constant 0 : i32
        %dma_start3A_91 = arith.constant 0 : i32
        %dma_start3A_92 = tpu.memref_slice %arg18[%dma_start3A_90, %dma_start3A_91] : memref<4096x128xf32, #tpu.memory_space<vmem_shared>> -> memref<4096x128xf32, #tpu.memory_space<vmem_shared>>
        tpu.enqueue_indirect_dma source(%arg15 : memref<128x128xf32, #tpu.memory_space<vmem>>) target(%dma_start3A_92 : memref<4096x128xf32, #tpu.memory_space<vmem_shared>>) offsets(%arg12 : memref<128xi32, #tpu.memory_space<vmem>>) semaphore(%run_scoped3A_89 : memref<!tpu.dma_semaphore, #tpu.memory_space<semaphore_mem>>) {add = true}
        %dma_wait3A_93 = arith.constant 0 : i32
        %dma_wait3A_94 = arith.constant 0 : i32
        %dma_wait3A_95 = tpu.memref_slice %arg18[%dma_wait3A_93, %dma_wait3A_94] : memref<4096x128xf32, #tpu.memory_space<vmem_shared>> -> memref<4096x128xf32, #tpu.memory_space<vmem_shared>>
        tpu.wait_indirect_dma semaphore(%run_scoped3A_89 : memref<!tpu.dma_semaphore, #tpu.memory_space<semaphore_mem>>) src(%arg15 : memref<128x128xf32, #tpu.memory_space<vmem>>) dst(%dma_wait3A_95 : memref<4096x128xf32, #tpu.memory_space<vmem_shared>>)
        tpu.yield
      }) : () -> ()
      %scan3A_88 = arith.constant 0 : i32
      scf.yield %scan3A_88 : i32
    }
    %scan3A_53 = arith.constant 8 : i32
    %barrier3A_54 = arith.constant 0 : index
    tpu.barrier barrier_id(%barrier3A_54)
    %mul3A_55 = arith.constant 256 : i32
    %mul3A_56 = arith.muli %arg1, %mul3A_55 : i32
    %add3A_57 = arith.constant 0 : i32
    %add3A_58 = arith.addi %mul3A_56, %add3A_57 : i32
    "tpu.region"() ({
      %run_scoped3A_63 = tpu.sem_alloc : memref<!tpu.dma_semaphore, #tpu.memory_space<semaphore_mem>>
      %dma_start3A = arith.constant 0 : i32
      %dma_start3A_64 = tpu.memref_slice %arg5[%arg0, %add3A_58, %dma_start3A] : memref<2x4096x128xf32, #tpu.memory_space<hbm>> -> memref<1x128x128xf32, #tpu.memory_space<hbm>>
      %dma_start3A_65 = tpu.memref_squeeze %dma_start3A_64 : memref<1x128x128xf32, #tpu.memory_space<hbm>> -> memref<128x128xf32, #tpu.memory_space<hbm>>
      %dma_start3A_66 = arith.constant 0 : i32
      %dma_start3A_67 = tpu.memref_slice %arg18[%add3A_58, %dma_start3A_66] : memref<4096x128xf32, #tpu.memory_space<vmem_shared>> -> memref<128x128xf32, #tpu.memory_space<vmem_shared>>
      tpu.enqueue_dma source(%dma_start3A_67 : memref<128x128xf32, #tpu.memory_space<vmem_shared>>) target(%dma_start3A_65 : memref<128x128xf32, #tpu.memory_space<hbm>>) target_semaphore(%run_scoped3A_63 : memref<!tpu.dma_semaphore, #tpu.memory_space<semaphore_mem>>)
      %dma_wait3A = arith.constant 0 : i32
      %dma_wait3A_68 = tpu.memref_slice %arg5[%arg0, %add3A_58, %dma_wait3A] : memref<2x4096x128xf32, #tpu.memory_space<hbm>> -> memref<1x128x128xf32, #tpu.memory_space<hbm>>
      %dma_wait3A_69 = tpu.memref_squeeze %dma_wait3A_68 : memref<1x128x128xf32, #tpu.memory_space<hbm>> -> memref<128x128xf32, #tpu.memory_space<hbm>>
      %dma_wait3A_70 = arith.constant 0 : i32
      %dma_wait3A_71 = tpu.memref_slice %arg18[%add3A_58, %dma_wait3A_70] : memref<4096x128xf32, #tpu.memory_space<vmem_shared>> -> memref<128x128xf32, #tpu.memory_space<vmem_shared>>
      tpu.wait_dma2 semaphore(%run_scoped3A_63 : memref<!tpu.dma_semaphore, #tpu.memory_space<semaphore_mem>>) src(%dma_wait3A_71 : memref<128x128xf32, #tpu.memory_space<vmem_shared>>) dst(%dma_wait3A_69 : memref<128x128xf32, #tpu.memory_space<hbm>>)
      tpu.yield
    }) : () -> ()
    %mul3A_59 = arith.constant 256 : i32
    %mul3A_60 = arith.muli %arg1, %mul3A_59 : i32
    %add3A_61 = arith.constant 128 : i32
    %add3A_62 = arith.addi %mul3A_60, %add3A_61 : i32
    "tpu.region"() ({
      %run_scoped3A_63 = tpu.sem_alloc : memref<!tpu.dma_semaphore, #tpu.memory_space<semaphore_mem>>
      %dma_start3A = arith.constant 0 : i32
      %dma_start3A_64 = tpu.memref_slice %arg5[%arg0, %add3A_62, %dma_start3A] : memref<2x4096x128xf32, #tpu.memory_space<hbm>> -> memref<1x128x128xf32, #tpu.memory_space<hbm>>
      %dma_start3A_65 = tpu.memref_squeeze %dma_start3A_64 : memref<1x128x128xf32, #tpu.memory_space<hbm>> -> memref<128x128xf32, #tpu.memory_space<hbm>>
      %dma_start3A_66 = arith.constant 0 : i32
      %dma_start3A_67 = tpu.memref_slice %arg18[%add3A_62, %dma_start3A_66] : memref<4096x128xf32, #tpu.memory_space<vmem_shared>> -> memref<128x128xf32, #tpu.memory_space<vmem_shared>>
      tpu.enqueue_dma source(%dma_start3A_67 : memref<128x128xf32, #tpu.memory_space<vmem_shared>>) target(%dma_start3A_65 : memref<128x128xf32, #tpu.memory_space<hbm>>) target_semaphore(%run_scoped3A_63 : memref<!tpu.dma_semaphore, #tpu.memory_space<semaphore_mem>>)
      %dma_wait3A = arith.constant 0 : i32
      %dma_wait3A_68 = tpu.memref_slice %arg5[%arg0, %add3A_62, %dma_wait3A] : memref<2x4096x128xf32, #tpu.memory_space<hbm>> -> memref<1x128x128xf32, #tpu.memory_space<hbm>>
      %dma_wait3A_69 = tpu.memref_squeeze %dma_wait3A_68 : memref<1x128x128xf32, #tpu.memory_space<hbm>> -> memref<128x128xf32, #tpu.memory_space<hbm>>
      %dma_wait3A_70 = arith.constant 0 : i32
      %dma_wait3A_71 = tpu.memref_slice %arg18[%add3A_62, %dma_wait3A_70] : memref<4096x128xf32, #tpu.memory_space<vmem_shared>> -> memref<128x128xf32, #tpu.memory_space<vmem_shared>>
      tpu.wait_dma2 semaphore(%run_scoped3A_63 : memref<!tpu.dma_semaphore, #tpu.memory_space<semaphore_mem>>) src(%dma_wait3A_71 : memref<128x128xf32, #tpu.memory_space<vmem_shared>>) dst(%dma_wait3A_69 : memref<128x128xf32, #tpu.memory_space<hbm>>)
      tpu.yield
    }) : () -> ()
    return
  }
}

module attributes {stable_mosaic.version = 14 : i64} {
  func.func @_tc1_body(%arg0: memref<4096x256xf32, #tpu.memory_space<vmem>>, %arg1: memref<256x128xf32, #tpu.memory_space<vmem>>, %arg2: memref<1x128xf32, #tpu.memory_space<vmem>>, %arg3: memref<1x128xf32, #tpu.memory_space<vmem>>, %arg4: memref<1x128xf32, #tpu.memory_space<vmem>>, %arg5: memref<128x128xf32, #tpu.memory_space<vmem>>, %arg6: memref<128x2xf32, #tpu.memory_space<vmem>>, %arg7: memref<4096x128xf32, #tpu.memory_space<vmem>>, %arg8: memref<4096x128xf32, #tpu.memory_space<vmem>>, %arg9: memref<4096x2xf32, #tpu.memory_space<vmem>>) attributes {dimension_semantics = [], scalar_prefetch = 0 : i64, scratch_operands = 0 : i64, tpu.core_type = #tpu.core_type<tc>} {
    %get3A = arith.constant 0 : index
    %get3A_0 = arith.constant 0 : index
    %get3A_1 = vector.load %arg0[%get3A, %get3A_0] : memref<4096x256xf32, #tpu.memory_space<vmem>>, vector<4096x256xf32>
    %get3A_2 = arith.constant 0 : index
    %get3A_3 = arith.constant 0 : index
    %get3A_4 = vector.load %arg1[%get3A_2, %get3A_3] : memref<256x128xf32, #tpu.memory_space<vmem>>, vector<256x128xf32>
    %dot_general3A = arith.constant dense<0.000000e+00> : vector<4096x128xf32>
    %dot_general3A_5 = tpu.matmul %get3A_1, %get3A_4, %dot_general3A {dimension_numbers = #tpu.dot_dimension_numbers<[1], [0], [0], [1], [0, 0, 1, 1], [], []>, transpose_lhs_hint = false} : vector<4096x256xf32>, vector<256x128xf32>, vector<4096x128xf32> -> vector<4096x128xf32>
    %get3A_6 = arith.constant 0 : index
    %get3A_7 = arith.constant 0 : index
    %get3A_8 = vector.load %arg2[%get3A_6, %get3A_7] : memref<1x128xf32, #tpu.memory_space<vmem>>, vector<1x128xf32>
    %add3A = vector.broadcast %get3A_8 : vector<1x128xf32> to vector<4096x128xf32>
    %add3A_9 = arith.addf %dot_general3A_5, %add3A : vector<4096x128xf32>
    %get3A_10 = arith.constant 0 : index
    %get3A_11 = arith.constant 0 : index
    %get3A_12 = vector.load %arg3[%get3A_10, %get3A_11] : memref<1x128xf32, #tpu.memory_space<vmem>>, vector<1x128xf32>
    %get3A_13 = arith.constant 0 : index
    %get3A_14 = arith.constant 0 : index
    %get3A_15 = vector.load %arg4[%get3A_13, %get3A_14] : memref<1x128xf32, #tpu.memory_space<vmem>>, vector<1x128xf32>
    %reduce_sum3A = arith.constant dense<0.000000e+00> : vector<4096xf32>
    %reduce_sum3A_16 = vector.multi_reduction <add>, %add3A_9, %reduce_sum3A [1] : vector<4096x128xf32> to vector<4096xf32>
    %broadcast_in_dim3A = vector.shape_cast %reduce_sum3A_16 : vector<4096xf32> to vector<4096x1xf32>
    %div3A = arith.constant 1.280000e+02 : f32
    %div3A_17 = vector.broadcast %div3A : f32 to vector<4096x1xf32>
    %div3A_18 = arith.divf %broadcast_in_dim3A, %div3A_17 : vector<4096x1xf32>
    %sub3A = vector.broadcast %div3A_18 : vector<4096x1xf32> to vector<4096x128xf32>
    %sub3A_19 = arith.subf %add3A_9, %sub3A : vector<4096x128xf32>
    %integer_pow3A = arith.mulf %sub3A_19, %sub3A_19 : vector<4096x128xf32>
    %reduce_sum3A_20 = arith.constant dense<0.000000e+00> : vector<4096xf32>
    %reduce_sum3A_21 = vector.multi_reduction <add>, %integer_pow3A, %reduce_sum3A_20 [1] : vector<4096x128xf32> to vector<4096xf32>
    %broadcast_in_dim3A_22 = vector.shape_cast %reduce_sum3A_21 : vector<4096xf32> to vector<4096x1xf32>
    %div3A_23 = arith.constant 1.280000e+02 : f32
    %div3A_24 = vector.broadcast %div3A_23 : f32 to vector<4096x1xf32>
    %div3A_25 = arith.divf %broadcast_in_dim3A_22, %div3A_24 : vector<4096x1xf32>
    %sub3A_26 = vector.broadcast %div3A_18 : vector<4096x1xf32> to vector<4096x128xf32>
    %sub3A_27 = arith.subf %add3A_9, %sub3A_26 : vector<4096x128xf32>
    %add3A_28 = arith.constant 9.99999974E-6 : f32
    %add3A_29 = vector.broadcast %add3A_28 : f32 to vector<4096x1xf32>
    %add3A_30 = arith.addf %div3A_25, %add3A_29 : vector<4096x1xf32>
    %sqrt3A = math.sqrt %add3A_30 : vector<4096x1xf32>
    %div3A_31 = vector.broadcast %sqrt3A : vector<4096x1xf32> to vector<4096x128xf32>
    %div3A_32 = arith.divf %sub3A_27, %div3A_31 : vector<4096x128xf32>
    %mul3A = vector.broadcast %get3A_12 : vector<1x128xf32> to vector<4096x128xf32>
    %mul3A_33 = arith.mulf %div3A_32, %mul3A : vector<4096x128xf32>
    %add3A_34 = vector.broadcast %get3A_15 : vector<1x128xf32> to vector<4096x128xf32>
    %add3A_35 = arith.addf %mul3A_33, %add3A_34 : vector<4096x128xf32>
    %mul3A_36 = arith.constant 5.000000e-01 : f32
    %mul3A_37 = vector.broadcast %mul3A_36 : f32 to vector<4096x128xf32>
    %mul3A_38 = arith.mulf %mul3A_37, %add3A_35 : vector<4096x128xf32>
    %mul3A_39 = arith.constant 0.707106769 : f32
    %mul3A_40 = vector.broadcast %mul3A_39 : f32 to vector<4096x128xf32>
    %mul3A_41 = arith.mulf %add3A_35, %mul3A_40 : vector<4096x128xf32>
    %erf3A = math.erf %mul3A_41 : vector<4096x128xf32>
    %add3A_42 = arith.constant 1.000000e+00 : f32
    %add3A_43 = vector.broadcast %add3A_42 : f32 to vector<4096x128xf32>
    %add3A_44 = arith.addf %add3A_43, %erf3A : vector<4096x128xf32>
    %mul3A_45 = arith.mulf %mul3A_38, %add3A_44 : vector<4096x128xf32>
    %swap3A = arith.constant 0 : index
    %swap3A_46 = arith.constant 0 : index
    %swap3A_47 = vector.load %arg7[%swap3A, %swap3A_46] : memref<4096x128xf32, #tpu.memory_space<vmem>>, vector<4096x128xf32>
    tpu.vector_store %arg7[%swap3A, %swap3A_46], %mul3A_45 {strides = array<i32>} : memref<4096x128xf32, #tpu.memory_space<vmem>>, vector<4096x128xf32>,
    %get3A_48 = arith.constant 0 : index
    %get3A_49 = arith.constant 0 : index
    %get3A_50 = vector.load %arg5[%get3A_48, %get3A_49] : memref<128x128xf32, #tpu.memory_space<vmem>>, vector<128x128xf32>
    %dot_general3A_51 = arith.constant dense<0.000000e+00> : vector<4096x128xf32>
    %dot_general3A_52 = tpu.matmul %mul3A_45, %get3A_50, %dot_general3A_51 {dimension_numbers = #tpu.dot_dimension_numbers<[1], [0], [0], [1], [0, 0, 1, 1], [], []>, transpose_lhs_hint = false} : vector<4096x128xf32>, vector<128x128xf32>, vector<4096x128xf32> -> vector<4096x128xf32>
    %swap3A_53 = arith.constant 0 : index
    %swap3A_54 = arith.constant 0 : index
    %swap3A_55 = vector.load %arg8[%swap3A_53, %swap3A_54] : memref<4096x128xf32, #tpu.memory_space<vmem>>, vector<4096x128xf32>
    tpu.vector_store %arg8[%swap3A_53, %swap3A_54], %dot_general3A_52 {strides = array<i32>} : memref<4096x128xf32, #tpu.memory_space<vmem>>, vector<4096x128xf32>,
    %get3A_56 = arith.constant 0 : index
    %get3A_57 = arith.constant 0 : index
    %get3A_58 = vector.load %arg6[%get3A_56, %get3A_57] : memref<128x2xf32, #tpu.memory_space<vmem>>, vector<128x2xf32>
    %dot_general3A_59 = arith.constant dense<0.000000e+00> : vector<4096x2xf32>
    %dot_general3A_60 = tpu.matmul %dot_general3A_52, %get3A_58, %dot_general3A_59 {dimension_numbers = #tpu.dot_dimension_numbers<[1], [0], [0], [1], [0, 0, 1, 1], [], []>, transpose_lhs_hint = false} : vector<4096x128xf32>, vector<128x2xf32>, vector<4096x2xf32> -> vector<4096x2xf32>
    %swap3A_61 = arith.constant 0 : index
    %swap3A_62 = arith.constant 0 : index
    %swap3A_63 = vector.load %arg9[%swap3A_61, %swap3A_62] : memref<4096x2xf32, #tpu.memory_space<vmem>>, vector<4096x2xf32>
    tpu.vector_store %arg9[%swap3A_61, %swap3A_62], %dot_general3A_60 {strides = array<i32>} : memref<4096x2xf32, #tpu.memory_space<vmem>>, vector<4096x2xf32>,
    return
  }
}

module attributes {stable_mosaic.version = 14 : i64} {
  func.func @_tc2_body(%arg0: memref<4096x128xf32, #tpu.memory_space<vmem>>, %arg1: memref<2x4096x128xf32, #tpu.memory_space<vmem>>, %arg2: memref<1x128xf32, #tpu.memory_space<vmem>>, %arg3: memref<1x128xf32, #tpu.memory_space<vmem>>, %arg4: memref<128x128xf32, #tpu.memory_space<vmem>>, %arg5: memref<128x2xf32, #tpu.memory_space<vmem>>, %arg6: memref<4096x128xf32, #tpu.memory_space<vmem>>, %arg7: memref<4096x128xf32, #tpu.memory_space<vmem>>, %arg8: memref<4096x2xf32, #tpu.memory_space<vmem>>) attributes {dimension_semantics = [], scalar_prefetch = 0 : i64, scratch_operands = 0 : i64, tpu.core_type = #tpu.core_type<tc>} {
    %get3A = arith.constant 0 : index
    %get3A_0 = arith.constant 0 : index
    %get3A_1 = arith.constant 0 : index
    %get3A_2 = vector.load %arg1[%get3A, %get3A_0, %get3A_1] : memref<2x4096x128xf32, #tpu.memory_space<vmem>>, vector<1x4096x128xf32>
    %get3A_3 = vector.shape_cast %get3A_2 : vector<1x4096x128xf32> to vector<4096x128xf32>
    %get3A_4 = arith.constant 1 : index
    %get3A_5 = arith.constant 0 : index
    %get3A_6 = arith.constant 0 : index
    %get3A_7 = vector.load %arg1[%get3A_4, %get3A_5, %get3A_6] : memref<2x4096x128xf32, #tpu.memory_space<vmem>>, vector<1x4096x128xf32>
    %get3A_8 = vector.shape_cast %get3A_7 : vector<1x4096x128xf32> to vector<4096x128xf32>
    %add3A = arith.addf %get3A_3, %get3A_8 : vector<4096x128xf32>
    %get3A_9 = arith.constant 0 : index
    %get3A_10 = arith.constant 0 : index
    %get3A_11 = vector.load %arg0[%get3A_9, %get3A_10] : memref<4096x128xf32, #tpu.memory_space<vmem>>, vector<4096x128xf32>
    %gt3A = arith.constant 0.000000e+00 : f32
    %gt3A_12 = vector.broadcast %gt3A : f32 to vector<4096x128xf32>
    %gt3A_13 = arith.cmpf ogt, %add3A, %gt3A_12 : vector<4096x128xf32>
    %exp3A = math.exp %add3A : vector<4096x128xf32>
    %sub3A = arith.constant 1.000000e+00 : f32
    %sub3A_14 = vector.broadcast %sub3A : f32 to vector<4096x128xf32>
    %sub3A_15 = arith.subf %exp3A, %sub3A_14 : vector<4096x128xf32>
    %select_n3A = arith.select %gt3A_13, %add3A, %sub3A_15 : vector<4096x128xi1>, vector<4096x128xf32>
    %add3A_16 = arith.addf %get3A_11, %select_n3A : vector<4096x128xf32>
    %get3A_17 = arith.constant 0 : index
    %get3A_18 = arith.constant 0 : index
    %get3A_19 = vector.load %arg2[%get3A_17, %get3A_18] : memref<1x128xf32, #tpu.memory_space<vmem>>, vector<1x128xf32>
    %get3A_20 = arith.constant 0 : index
    %get3A_21 = arith.constant 0 : index
    %get3A_22 = vector.load %arg3[%get3A_20, %get3A_21] : memref<1x128xf32, #tpu.memory_space<vmem>>, vector<1x128xf32>
    %reduce_sum3A = arith.constant dense<0.000000e+00> : vector<4096xf32>
    %reduce_sum3A_23 = vector.multi_reduction <add>, %add3A_16, %reduce_sum3A [1] : vector<4096x128xf32> to vector<4096xf32>
    %broadcast_in_dim3A = vector.shape_cast %reduce_sum3A_23 : vector<4096xf32> to vector<4096x1xf32>
    %div3A = arith.constant 1.280000e+02 : f32
    %div3A_24 = vector.broadcast %div3A : f32 to vector<4096x1xf32>
    %div3A_25 = arith.divf %broadcast_in_dim3A, %div3A_24 : vector<4096x1xf32>
    %sub3A_26 = vector.broadcast %div3A_25 : vector<4096x1xf32> to vector<4096x128xf32>
    %sub3A_27 = arith.subf %add3A_16, %sub3A_26 : vector<4096x128xf32>
    %integer_pow3A = arith.mulf %sub3A_27, %sub3A_27 : vector<4096x128xf32>
    %reduce_sum3A_28 = arith.constant dense<0.000000e+00> : vector<4096xf32>
    %reduce_sum3A_29 = vector.multi_reduction <add>, %integer_pow3A, %reduce_sum3A_28 [1] : vector<4096x128xf32> to vector<4096xf32>
    %broadcast_in_dim3A_30 = vector.shape_cast %reduce_sum3A_29 : vector<4096xf32> to vector<4096x1xf32>
    %div3A_31 = arith.constant 1.280000e+02 : f32
    %div3A_32 = vector.broadcast %div3A_31 : f32 to vector<4096x1xf32>
    %div3A_33 = arith.divf %broadcast_in_dim3A_30, %div3A_32 : vector<4096x1xf32>
    %sub3A_34 = vector.broadcast %div3A_25 : vector<4096x1xf32> to vector<4096x128xf32>
    %sub3A_35 = arith.subf %add3A_16, %sub3A_34 : vector<4096x128xf32>
    %add3A_36 = arith.constant 9.99999974E-6 : f32
    %add3A_37 = vector.broadcast %add3A_36 : f32 to vector<4096x1xf32>
    %add3A_38 = arith.addf %div3A_33, %add3A_37 : vector<4096x1xf32>
    %sqrt3A = math.sqrt %add3A_38 : vector<4096x1xf32>
    %div3A_39 = vector.broadcast %sqrt3A : vector<4096x1xf32> to vector<4096x128xf32>
    %div3A_40 = arith.divf %sub3A_35, %div3A_39 : vector<4096x128xf32>
    %mul3A = vector.broadcast %get3A_19 : vector<1x128xf32> to vector<4096x128xf32>
    %mul3A_41 = arith.mulf %div3A_40, %mul3A : vector<4096x128xf32>
    %add3A_42 = vector.broadcast %get3A_22 : vector<1x128xf32> to vector<4096x128xf32>
    %add3A_43 = arith.addf %mul3A_41, %add3A_42 : vector<4096x128xf32>
    %swap3A = arith.constant 0 : index
    %swap3A_44 = arith.constant 0 : index
    %swap3A_45 = vector.load %arg6[%swap3A, %swap3A_44] : memref<4096x128xf32, #tpu.memory_space<vmem>>, vector<4096x128xf32>
    tpu.vector_store %arg6[%swap3A, %swap3A_44], %add3A_43 {strides = array<i32>} : memref<4096x128xf32, #tpu.memory_space<vmem>>, vector<4096x128xf32>,
    %get3A_46 = arith.constant 0 : index
    %get3A_47 = arith.constant 0 : index
    %get3A_48 = vector.load %arg4[%get3A_46, %get3A_47] : memref<128x128xf32, #tpu.memory_space<vmem>>, vector<128x128xf32>
    %dot_general3A = arith.constant dense<0.000000e+00> : vector<4096x128xf32>
    %dot_general3A_49 = tpu.matmul %add3A_43, %get3A_48, %dot_general3A {dimension_numbers = #tpu.dot_dimension_numbers<[1], [0], [0], [1], [0, 0, 1, 1], [], []>, transpose_lhs_hint = false} : vector<4096x128xf32>, vector<128x128xf32>, vector<4096x128xf32> -> vector<4096x128xf32>
    %swap3A_50 = arith.constant 0 : index
    %swap3A_51 = arith.constant 0 : index
    %swap3A_52 = vector.load %arg7[%swap3A_50, %swap3A_51] : memref<4096x128xf32, #tpu.memory_space<vmem>>, vector<4096x128xf32>
    tpu.vector_store %arg7[%swap3A_50, %swap3A_51], %dot_general3A_49 {strides = array<i32>} : memref<4096x128xf32, #tpu.memory_space<vmem>>, vector<4096x128xf32>,
    %get3A_53 = arith.constant 0 : index
    %get3A_54 = arith.constant 0 : index
    %get3A_55 = vector.load %arg5[%get3A_53, %get3A_54] : memref<128x2xf32, #tpu.memory_space<vmem>>, vector<128x2xf32>
    %dot_general3A_56 = arith.constant dense<0.000000e+00> : vector<4096x2xf32>
    %dot_general3A_57 = tpu.matmul %dot_general3A_49, %get3A_55, %dot_general3A_56 {dimension_numbers = #tpu.dot_dimension_numbers<[1], [0], [0], [1], [0, 0, 1, 1], [], []>, transpose_lhs_hint = false} : vector<4096x128xf32>, vector<128x2xf32>, vector<4096x2xf32> -> vector<4096x2xf32>
    %swap3A_58 = arith.constant 0 : index
    %swap3A_59 = arith.constant 0 : index
    %swap3A_60 = vector.load %arg8[%swap3A_58, %swap3A_59] : memref<4096x2xf32, #tpu.memory_space<vmem>>, vector<4096x2xf32>
    tpu.vector_store %arg8[%swap3A_58, %swap3A_59], %dot_general3A_57 {strides = array<i32>} : memref<4096x2xf32, #tpu.memory_space<vmem>>, vector<4096x2xf32>,
    return
  }
}

module attributes {stable_mosaic.version = 14 : i64} {
  func.func @_tc3_body(%arg0: memref<4096x128xf32, #tpu.memory_space<vmem>>, %arg1: memref<2x4096x128xf32, #tpu.memory_space<vmem>>, %arg2: memref<1x128xf32, #tpu.memory_space<vmem>>, %arg3: memref<1x128xf32, #tpu.memory_space<vmem>>, %arg4: memref<128x64xf32, #tpu.memory_space<vmem>>, %arg5: memref<1x64xf32, #tpu.memory_space<vmem>>, %arg6: memref<64x1xf32, #tpu.memory_space<vmem>>, %arg7: memref<1x1xf32, #tpu.memory_space<vmem>>, %arg8: memref<1x1xf32, #tpu.memory_space<vmem>>) attributes {dimension_semantics = [], scalar_prefetch = 0 : i64, scratch_operands = 0 : i64, tpu.core_type = #tpu.core_type<tc>} {
    %get3A = arith.constant 0 : index
    %get3A_0 = arith.constant 0 : index
    %get3A_1 = arith.constant 0 : index
    %get3A_2 = vector.load %arg1[%get3A, %get3A_0, %get3A_1] : memref<2x4096x128xf32, #tpu.memory_space<vmem>>, vector<1x4096x128xf32>
    %get3A_3 = vector.shape_cast %get3A_2 : vector<1x4096x128xf32> to vector<4096x128xf32>
    %get3A_4 = arith.constant 1 : index
    %get3A_5 = arith.constant 0 : index
    %get3A_6 = arith.constant 0 : index
    %get3A_7 = vector.load %arg1[%get3A_4, %get3A_5, %get3A_6] : memref<2x4096x128xf32, #tpu.memory_space<vmem>>, vector<1x4096x128xf32>
    %get3A_8 = vector.shape_cast %get3A_7 : vector<1x4096x128xf32> to vector<4096x128xf32>
    %add3A = arith.addf %get3A_3, %get3A_8 : vector<4096x128xf32>
    %get3A_9 = arith.constant 0 : index
    %get3A_10 = arith.constant 0 : index
    %get3A_11 = vector.load %arg0[%get3A_9, %get3A_10] : memref<4096x128xf32, #tpu.memory_space<vmem>>, vector<4096x128xf32>
    %gt3A = arith.constant 0.000000e+00 : f32
    %gt3A_12 = vector.broadcast %gt3A : f32 to vector<4096x128xf32>
    %gt3A_13 = arith.cmpf ogt, %add3A, %gt3A_12 : vector<4096x128xf32>
    %exp3A = math.exp %add3A : vector<4096x128xf32>
    %sub3A = arith.constant 1.000000e+00 : f32
    %sub3A_14 = vector.broadcast %sub3A : f32 to vector<4096x128xf32>
    %sub3A_15 = arith.subf %exp3A, %sub3A_14 : vector<4096x128xf32>
    %select_n3A = arith.select %gt3A_13, %add3A, %sub3A_15 : vector<4096x128xi1>, vector<4096x128xf32>
    %add3A_16 = arith.addf %get3A_11, %select_n3A : vector<4096x128xf32>
    %get3A_17 = arith.constant 0 : index
    %get3A_18 = arith.constant 0 : index
    %get3A_19 = vector.load %arg2[%get3A_17, %get3A_18] : memref<1x128xf32, #tpu.memory_space<vmem>>, vector<1x128xf32>
    %get3A_20 = arith.constant 0 : index
    %get3A_21 = arith.constant 0 : index
    %get3A_22 = vector.load %arg3[%get3A_20, %get3A_21] : memref<1x128xf32, #tpu.memory_space<vmem>>, vector<1x128xf32>
    %reduce_sum3A = arith.constant dense<0.000000e+00> : vector<4096xf32>
    %reduce_sum3A_23 = vector.multi_reduction <add>, %add3A_16, %reduce_sum3A [1] : vector<4096x128xf32> to vector<4096xf32>
    %broadcast_in_dim3A = vector.shape_cast %reduce_sum3A_23 : vector<4096xf32> to vector<4096x1xf32>
    %div3A = arith.constant 1.280000e+02 : f32
    %div3A_24 = vector.broadcast %div3A : f32 to vector<4096x1xf32>
    %div3A_25 = arith.divf %broadcast_in_dim3A, %div3A_24 : vector<4096x1xf32>
    %sub3A_26 = vector.broadcast %div3A_25 : vector<4096x1xf32> to vector<4096x128xf32>
    %sub3A_27 = arith.subf %add3A_16, %sub3A_26 : vector<4096x128xf32>
    %integer_pow3A = arith.mulf %sub3A_27, %sub3A_27 : vector<4096x128xf32>
    %reduce_sum3A_28 = arith.constant dense<0.000000e+00> : vector<4096xf32>
    %reduce_sum3A_29 = vector.multi_reduction <add>, %integer_pow3A, %reduce_sum3A_28 [1] : vector<4096x128xf32> to vector<4096xf32>
    %broadcast_in_dim3A_30 = vector.shape_cast %reduce_sum3A_29 : vector<4096xf32> to vector<4096x1xf32>
    %div3A_31 = arith.constant 1.280000e+02 : f32
    %div3A_32 = vector.broadcast %div3A_31 : f32 to vector<4096x1xf32>
    %div3A_33 = arith.divf %broadcast_in_dim3A_30, %div3A_32 : vector<4096x1xf32>
    %sub3A_34 = vector.broadcast %div3A_25 : vector<4096x1xf32> to vector<4096x128xf32>
    %sub3A_35 = arith.subf %add3A_16, %sub3A_34 : vector<4096x128xf32>
    %add3A_36 = arith.constant 9.99999974E-6 : f32
    %add3A_37 = vector.broadcast %add3A_36 : f32 to vector<4096x1xf32>
    %add3A_38 = arith.addf %div3A_33, %add3A_37 : vector<4096x1xf32>
    %sqrt3A = math.sqrt %add3A_38 : vector<4096x1xf32>
    %div3A_39 = vector.broadcast %sqrt3A : vector<4096x1xf32> to vector<4096x128xf32>
    %div3A_40 = arith.divf %sub3A_35, %div3A_39 : vector<4096x128xf32>
    %mul3A = vector.broadcast %get3A_19 : vector<1x128xf32> to vector<4096x128xf32>
    %mul3A_41 = arith.mulf %div3A_40, %mul3A : vector<4096x128xf32>
    %add3A_42 = vector.broadcast %get3A_22 : vector<1x128xf32> to vector<4096x128xf32>
    %add3A_43 = arith.addf %mul3A_41, %add3A_42 : vector<4096x128xf32>
    %reduce_sum3A_44 = arith.constant dense<0.000000e+00> : vector<128xf32>
    %reduce_sum3A_45 = vector.multi_reduction <add>, %add3A_43, %reduce_sum3A_44 [0] : vector<4096x128xf32> to vector<128xf32>
    %broadcast_in_dim3A_46 = vector.shape_cast %reduce_sum3A_45 : vector<128xf32> to vector<1x128xf32>
    %div3A_47 = arith.constant 4.096000e+03 : f32
    %div3A_48 = vector.broadcast %div3A_47 : f32 to vector<1x128xf32>
    %div3A_49 = arith.divf %broadcast_in_dim3A_46, %div3A_48 : vector<1x128xf32>
    %get3A_50 = arith.constant 0 : index
    %get3A_51 = arith.constant 0 : index
    %get3A_52 = vector.load %arg4[%get3A_50, %get3A_51] : memref<128x64xf32, #tpu.memory_space<vmem>>, vector<128x64xf32>
    %dot_general3A = arith.constant dense<0.000000e+00> : vector<1x64xf32>
    %dot_general3A_53 = tpu.matmul %div3A_49, %get3A_52, %dot_general3A {dimension_numbers = #tpu.dot_dimension_numbers<[1], [0], [0], [1], [0, 0, 1, 1], [], []>, transpose_lhs_hint = false} : vector<1x128xf32>, vector<128x64xf32>, vector<1x64xf32> -> vector<1x64xf32>
    %get3A_54 = arith.constant 0 : index
    %get3A_55 = arith.constant 0 : index
    %get3A_56 = vector.load %arg5[%get3A_54, %get3A_55] : memref<1x64xf32, #tpu.memory_space<vmem>>, vector<1x64xf32>
    %add3A_57 = arith.addf %dot_general3A_53, %get3A_56 : vector<1x64xf32>
    %mul3A_58 = arith.constant 5.000000e-01 : f32
    %mul3A_59 = vector.broadcast %mul3A_58 : f32 to vector<1x64xf32>
    %mul3A_60 = arith.mulf %mul3A_59, %add3A_57 : vector<1x64xf32>
    %mul3A_61 = arith.constant 0.707106769 : f32
    %mul3A_62 = vector.broadcast %mul3A_61 : f32 to vector<1x64xf32>
    %mul3A_63 = arith.mulf %add3A_57, %mul3A_62 : vector<1x64xf32>
    %erf3A = math.erf %mul3A_63 : vector<1x64xf32>
    %add3A_64 = arith.constant 1.000000e+00 : f32
    %add3A_65 = vector.broadcast %add3A_64 : f32 to vector<1x64xf32>
    %add3A_66 = arith.addf %add3A_65, %erf3A : vector<1x64xf32>
    %mul3A_67 = arith.mulf %mul3A_60, %add3A_66 : vector<1x64xf32>
    %get3A_68 = arith.constant 0 : index
    %get3A_69 = arith.constant 0 : index
    %get3A_70 = vector.load %arg6[%get3A_68, %get3A_69] : memref<64x1xf32, #tpu.memory_space<vmem>>, vector<64x1xf32>
    %dot_general3A_71 = arith.constant dense<0.000000e+00> : vector<1x1xf32>
    %dot_general3A_72 = tpu.matmul %mul3A_67, %get3A_70, %dot_general3A_71 {dimension_numbers = #tpu.dot_dimension_numbers<[1], [0], [0], [1], [0, 0, 1, 1], [], []>, transpose_lhs_hint = false} : vector<1x64xf32>, vector<64x1xf32>, vector<1x1xf32> -> vector<1x1xf32>
    %get3A_73 = arith.constant 0 : index
    %get3A_74 = arith.constant 0 : index
    %get3A_75 = vector.load %arg7[%get3A_73, %get3A_74] : memref<1x1xf32, #tpu.memory_space<vmem>>, vector<1x1xf32>
    %add3A_76 = arith.addf %dot_general3A_72, %get3A_75 : vector<1x1xf32>
    %swap3A = arith.constant 0 : index
    %swap3A_77 = arith.constant 0 : index
    %swap3A_78 = vector.load %arg8[%swap3A, %swap3A_77] : memref<1x1xf32, #tpu.memory_space<vmem>>, vector<1x1xf32>
    tpu.vector_store %arg8[%swap3A, %swap3A_77], %add3A_76 {strides = array<i32>} : memref<1x1xf32, #tpu.memory_space<vmem>>, vector<1x1xf32>,
    return
  }
}

</mosaic_0001>

<sc_bundles>
// kernel: kernel.10.cloned.1.call-start
scs
__scs_entry_jumppad:
0x0: {  	(pc) =	sbr.rel $0x88, $3  }
0x1: {  	(tag) =	ssettag $0x0;
	lr =	simm.s32 $0x1  }
0x2: {  	[smem:$0x3F8F] =	sst lr;
	_ =	strace $0xD0000000  }
0x3: {  	_ = 	snop  }
0x4: {  	_ = 	snop  }
0x5: {  	_ = 	snop  }
0x6: {  	_ = 	snop  }
0x7: {  	_ = 	snop  }
__scs_overlays_trampoline_lowered:
0x8: {  	[smem:$0x3F9E] =	sst s0  }
0x9: {  	[smem:$0x3F9F] =	sst s1  }
0xa: {  	[smem:$0x3FA0] =	sst s2  }
0xb: {  	[smem:$0x3FA1] =	sst s3  }
0xc: {  	[smem:$0x3FA2] =	sst s4  }
0xd: {  	[smem:$0x3FA3] =	sst s5  }
0xe: {  	[smem:$0x3FA4] =	sst s6  }
0xf: {  	[smem:$0x3FA5] =	sst s7  }
0x10: {  	[smem:$0x3FA6] =	sst s8  }
0x11: {  	[smem:$0x3FA7] =	sst s9;
	s0 =	simm.s32 @!p0 $0x0  }
0x12: {  	s1 =	sld [smem:$0x3F8D];
	s0 =	simm.s32 @p0 $0x1  }
0x13: {  	[smem:$0x3FA8] =	sst s0;
	s0 =	simm.s32 @!p1 $0x0  }
0x14: {  	s2 =	sld [smem:$0x3F8C];
	s0 =	simm.s32 @p1 $0x1  }
0x15: {  	[smem:$0x3FA9] =	sst s0;
	s0 =	simm.s32 @!p2 $0x0  }
0x16: {  	s3 =	sld [smem:$0x3FDB];
	s0 =	simm.s32 @p2 $0x1  }
0x17: {  	s4 =	simm.s32 $0x1BF5;
	[smem:$0x3FAB] =	sst s0  }
0x18: {  	s0 =	sld [smem:$0x3F8E];
	_ =	swait.ge [sflag:s4], $0x0  }
0x19: {  	s7 =	sld [smem:$0x3F8F]  }
0x1a: {  	s8 =	sadd.s32 $0xFFFFE003, lr  }
0x1b: {  	s9 =	sadd.s32 $0xFFFFFEF7, lr;
	s5 =	simm.s32 $0xFFFFFFFF;
	p2 =	slt.u32 s8, $0xFFFFF086  }
0x1c: {  	p1 =	slt.u32 s9, $0xF7A;
	s5 =	simm.s32 @!p2 $0x0  }
0x1d: {  	s5 =	simm.s32 @p1 $0x1;
	p0 =	seq.s32 s7, s2  }
0x1e: {  	s7 =	smul.u32 @!p0 $0xF7A, s2;
	p2 =	seq.s32 @!p0 s5, $0x0  }
0x1f: {  	s9 =	smul.u32 $0xF7A, s1;
	s8 =	simm.s32 @!p0 $0x1BF5;
	p2 =	por !p2, p0  }
0x20: {  	[sflag:s8] =	ssyncset.s32 @!p0 $0xFFFFF086;
	s6 =	sadd.s32 @!p0 s3, s7;
	s7 =	simm.s32 @!p0 $0x108  }
0x21: {  	s3 =	sadd.s32 s3, s9;
	s6 =	sadd.s32 @!p0 $0x88, s6;
	s7 =	simm.s32 @p2 $0x1082  }
0x22: {  	[simem:s7], [sflag:s8] =	dma.local @!p0 [hbm:s6], $0xF7A  }
0x23: {  	s9 =	sor.u32 $0xD0000000, s2;
	s6 =	simm.s32 $0x108;
	_ =	swait.ge @!p0 [sflag:s8], $0x0  }
0x24: {  	s3 =	sadd.s32 $0x88, s3;
	s6 =	simm.s32 @!p1 $0x1082;
	[sflag:s4] =	ssyncset.s32 $0xFFFFF086  }
0x25: {  	[simem:s6], [sflag:s4] =	dma.local [hbm:s3], $0xF7A  }
0x26: {  	[smem:$0x3F8F] =	sst s1;
	(tag) =	ssettag s2;
	_ =	strace s9  }
0x27: {  	s1 =	sld [smem:$0x3F9F]  }
0x28: {  	s2 =	sld [smem:$0x3FA0]  }
0x29: {  	s4 =	sld [smem:$0x3FA2]  }
0x2a: {  	p0 =	seq.s32 s5, $0x0;
	s5 =	sld [smem:$0x3FA3]  }
0x2b: {  	s6 =	sld [smem:$0x3FA4]  }
0x2c: {  	s7 =	sld [smem:$0x3FA5]  }
0x2d: {  	s3 =	simm.s32 $0x108;
	s8 =	sld [smem:$0x3FA6]  }
0x2e: {  	s3 =	simm.s32 @!p0 $0x1082;
	s9 =	sld [smem:$0x3FA7]  }
0x2f: {  	lr =	sadd.s32 s0, s3;
	s0 =	sld [smem:$0x3F9E]  }
0x30: {  	s3 =	sld [smem:$0x3FA1]  }
0x31: {  	[smem:$0x3FAA] =	sst s10  }
0x32: {  	s10 =	sld [smem:$0x3FA8];
	_ =	sdelay $0x3  }
0x33: {  	p0 =	seq.s32 s10, $0x1;
	s10 =	sld [smem:$0x3FAA];
	_ =	sdelay $0x3  }
0x34: {  	[smem:$0x3FAA] =	sst s10  }
0x35: {  	s10 =	sld [smem:$0x3FA9];
	_ =	sdelay $0x3  }
0x36: {  	p1 =	seq.s32 s10, $0x1;
	s10 =	sld [smem:$0x3FAA];
	_ =	sdelay $0x3  }
0x37: {  	[smem:$0x3FAA] =	sst s10  }
0x38: {  	s10 =	sld [smem:$0x3FAB]  }
0x39: {  	_ = 	snop;
	(pc) =	sbr.ind lr, $3  }
0x3a: {  	_ = 	snop  }
0x3b: {  	_ = 	snop  }
0x3c: {  	p2 =	seq.s32 s10, $0x1;
	s10 =	sld [smem:$0x3FAA]  }
0x3d: {  	_ =	shalt  }
0x3e: {  	_ =	shalt  }
0x3f: {  	_ =	shalt  }
0x40: {  	_ =	shalt  }
0x41: {  	_ =	shalt  }
0x42: {  	_ =	shalt  }
0x43: {  	_ =	shalt  }
0x44: {  	_ =	shalt  }
0x45: {  	_ =	shalt  }
0x46: {  	_ =	shalt  }
0x47: {  	_ =	shalt  }
0x48: {  	_ =	shalt  }
0x49: {  	_ =	shalt  }
0x4a: {  	_ =	shalt  }
0x4b: {  	_ =	shalt  }
0x4c: {  	_ =	shalt  }
0x4d: {  	_ =	shalt  }
0x4e: {  	_ =	shalt  }
0x4f: {  	_ =	shalt  }
0x50: {  	_ =	shalt  }
0x51: {  	_ =	shalt  }
0x52: {  	_ =	shalt  }
0x53: {  	_ =	shalt  }
0x54: {  	_ =	shalt  }
0x55: {  	_ =	shalt  }
0x56: {  	_ =	shalt  }
0x57: {  	_ =	shalt  }
0x58: {  	_ =	shalt  }
0x59: {  	_ =	shalt  }
0x5a: {  	_ =	shalt  }
0x5b: {  	_ =	shalt  }
0x5c: {  	_ =	shalt  }
0x5d: {  	_ =	shalt  }
0x5e: {  	_ =	shalt  }
0x5f: {  	_ =	shalt  }
0x60: {  	_ =	shalt  }
0x61: {  	_ =	shalt  }
0x62: {  	_ =	shalt  }
0x63: {  	_ =	shalt  }
0x64: {  	_ =	shalt  }
0x65: {  	_ =	shalt  }
0x66: {  	_ =	shalt  }
0x67: {  	_ =	shalt  }
0x68: {  	_ =	shalt  }
0x69: {  	_ =	shalt  }
0x6a: {  	_ =	shalt  }
0x6b: {  	_ =	shalt  }
0x6c: {  	_ =	shalt  }
0x6d: {  	_ =	shalt  }
0x6e: {  	_ =	shalt  }
0x6f: {  	_ =	shalt  }
0x70: {  	_ =	shalt  }
0x71: {  	_ =	shalt  }
0x72: {  	_ =	shalt  }
0x73: {  	_ =	shalt  }
0x74: {  	_ =	shalt  }
0x75: {  	_ =	shalt  }
0x76: {  	_ =	shalt  }
0x77: {  	_ =	shalt  }
0x78: {  	_ =	shalt  }
0x79: {  	_ =	shalt  }
0x7a: {  	_ =	shalt  }
0x7b: {  	_ =	shalt  }
0x7c: {  	_ =	shalt  }
0x7d: {  	_ =	shalt  }
0x7e: {  	_ =	shalt  }
0x7f: {  	_ =	shalt  }
0x80: {  	_ =	shalt  }
0x81: {  	_ =	shalt  }
0x82: {  	_ =	shalt  }
0x83: {  	_ =	shalt  }
0x84: {  	_ =	shalt  }
0x85: {  	_ =	shalt  }
0x86: {  	_ =	shalt  }
0x87: {  	_ =	shalt  }
.Lfunc_end0:
.L_simem_size_0:
called_computation.1_lowered:
.L_overlay_start_0:
0x88: {  	s2 =	sld [smem:$0x3FD9]  }
0x89: {  	s3 =	sld [smem:$0x3FFE];
	_ =	sdelay $0x1  }
0x8a: {  	s1 =	srdreg.scid  }
0x8b: {  	s0 =	sand.u32 $0x1, s1  }
0x8c: {  	s17 =	sshll.u32 s0, $0xA;
	s2 =	sadd.s32 s3, s2  }
0x8d: {  	s2 =	sadd.s32 s2, s17  }
0x8e: {  	[smem:$0x3FB6] =	sst s2  }
0x8f: {  	_ = 	snop  }
0x90: {  	s2 =	sld [smem:$0x3FC8];
	(tm) =	ssettm $0x1  }
0x91: {  	s18 =	sld [smem:$0x3FFB];
	_ =	sdelay $0x3  }
0x92: {  	_ =	strace s18  }
0x93: {  	s3 =	sld [smem:$0x3FFC];
	_ =	sdelay $0x3  }
0x94: {  	_ =	strace s3  }
0x95: {  	s3 =	sld [smem:$0x3FFD];
	_ =	sdelay $0x3  }
0x96: {  	_ =	strace s3  }
0x97: {  	_ =	strace $0x8FFFFFFF  }
0x98: {  	s19 =	sld [smem:$0x3FDB];
	_ =	sdelay $0x1  }
0x99: {  	s4 =	simm.s32 $_scs_section_size  }
0x9a: {  	s5 =	simm.s32 $_size__tile_overlayer_lowered;
	s6 =	simm.s32 $_tile_overlayer_lowered  }
0x9b: {  	s22 =	simm.s32 $0x1BFF;
	s21 =	sshll.u32 s6, $0x1;
	s3 =	sadd.s32 s4, s19  }
0x9c: {  	s7 =	simm.s32 $0x0;
	s20 =	sshll.u32 s5, $0x1;
	s5 =	sadd.s32 s21, s3  }
0x9d: {  	[timem:s7], [sflag:s22] =	dma.local [hbm:s5], s20  }
0x9e: {  	_ =	swait.ge [sflag:s22], s20  }
0x9f: {  	s4 =	ssub.s32 $0x0, s20;
	[sflag:s22] =	ssyncset.done $0x0  }
0xa0: {  	[sflag:s22] =	ssyncadd.s32 s4;
	_ =	sdelay $0x1  }
0xa1: {  	s23 =	simm.s32 $0x1B8B  }
0xa2: {  	_ =	swait.ge [sflag:s23], $0x1  }
0xa3: {  	[sflag:s23] =	ssyncset.done $0x0  }
0xa4: {  	s25 =	simm.s32 $0x1B8E;
	s24 =	sld [smem:$0x3FFE];
	[sflag:s23] =	ssyncadd.s32 $0xFFFFFFFF  }
0xa5: {  	s26 =	simm.s32 $execute0_lowered;
	[smem:$0x3FD2] =	sst s25  }
0xa6: {  	s5 =	sshll.u32 s26, $0x1;
	_ =	strace $0x80000049;
	[dreg:$0x1] =	wrdreg $0xFFFFFFFF  }
0xa7: {  	s28 =	simm.s32 $_size_execute0_lowered;
	s3 =	sadd.s32 s3, s5;
	[dreg:$0x0] =	wrdreg $0x0  }
0xa8: {  	s5 =	sshll.u32 s28, $0x1;
	[dreg:$0x2] =	wrdreg s3  }
0xa9: {  	[dreg:$0x3] =	wrdreg s5  }
0xaa: {  	[dreg:$0x4] =	wrdreg $0xC0  }
0xab: {  	_ =	task [dreg:s7], $0x5FFFF  }
0xac: {  	[dreg:$0x1] =	wrdreg $0xFFFFFFFF  }
0xad: {  	[dreg:$0x0] =	wrdreg $0x60  }
0xae: {  	[dreg:$0x2] =	wrdreg s2  }
0xaf: {  	[dreg:$0x3] =	wrdreg s24  }
0xb0: {  	[dreg:$0x4] =	wrdreg $0x93000  }
0xb1: {  	[dreg:$0x5] =	wrdreg $0x8A000  }
0xb2: {  	[dreg:$0x6] =	wrdreg $0x8B000  }
0xb3: {  	[dreg:$0x7] =	wrdreg $0x9  }
0xb4: {  	_ =	task.clear_ibuf [dreg:s7], $0x8FFFF;
	_ =	strace $0x90000049  }
0xb5: {  	s29 =	simm.s32 $0x9;
	_ =	strace $0x8000004B  }
0xb6: {  	_ =	swait.ge [sflag:s29], $0x1  }
0xb7: {  	[sflag:s29] =	ssyncadd.s32 $0xFFFFFFFF  }
0xb8: {  	_ =	strace $0x9000004B  }
0xb9: {  	_ =	sfence  }
0xba: {  	s30 =	sld [smem:$0x0];
	_ =	sdelay $0x2  }
0xbb: {  	s31 =	sshll.u32 s1, $0xD;
	s1 =	sshrl.u32 s1, $0x2  }
0xbc: {  	s3 =	sand.u32 $0x4000, s31;
	s1 =	sadd.s32 s1, s30  }
0xbd: {  	s0 =	sor.u32 s3, s0;
	s1 =	sshll.u32 s1, $0x11  }
0xbe: {  	s0 =	sor.u32 s1, s0  }
0xbf: {  	s0 =	sadd.s32 $0x8F2B, s0  }
0xc0: {  	[sflag:s0] =	ssyncadd.remote.s32 $0x1  }
0xc1: {  	_ =	sfence.sel $0xFFFF  }
0xc2: {  	[dreg:$0x0] =	wrdreg $0xFFFFFFFF;
	(pc) =	sbr.abs _section_cstart, $3  }
0xc3: {  	[dreg:$0x1] =	wrdreg $0xFFFFFFFF  }
0xc4: {  	_ =	task.clear_ibuf [dreg:s7], $0x2FFFF;
	_ =	strace $0x9FFFFFFF  }
0xc5: {  	(tm) =	ssettm $0x7FFFFFFF  }
tec
execute0_lowered:
.L_overlay_start_1:
0x0: {  	(tag) =	ssettag $0x1  }
0x1: {  	s1 =	rddreg [dreg:$0x0]  }
0x2: {  	s0 =	rddreg [dreg:$0x1]  }
0x3: {  	s2 =	rddreg [dreg:$0x2]  }
0x4: {  	s3 =	rddreg [dreg:$0x3]  }
0x5: {  	s4 =	rddreg [dreg:$0x4]  }
0x6: {  	s5 =	simm.s32 $0x0;
	s6 =	srdreg.scid;
	s11 =	stileid.u32  }
0x7: {  	s19 =	simm.s32 $0x2;
	s20 =	simm.s32 $0x80;
	s21 =	simm.s32 $0x100  }
0x8: {  	s24 =	simm.s32 $0x4A00;
	s28 =	simm.s32 $0x4900;
	s29 =	simm.s32 $0x2000  }
0x9: {  	s30 =	simm.s32 $0x4800;
	s31 =	simm.s32 $0x1;
	s22 =	simm.s32 $0x0  }
0xa: {  	[smem:$0x7FF] =	sst s5;
	s6 =	sand.u32 $0x1, s6;
	s7 =	sadd.s32 $0x13600, s0  }
0xb: {  	s10 =	sshll.u32 s11, $0x9;
	s15 =	sshll.u32 s11, $0xF;
	s14 =	sshll.u32 s11, $0xB  }
0xc: {  	s17 =	sshll.u32 s11, $0x3;
	p0 =	sne.s32 s11, $0x0;
	_ =	strace $0x8000004A  }
0xd: {  	s8 =	ssub.s32 $0x2, s6;
	[dreg:$0x6] =	wrdreg s7;
	s7 =	sadd.s32 $0x3600, s0  }
0xe: {  	s0 =	sadd.s32 $0x13A00, s0;
	s12 =	sadd.s32 s1, s10;
	s25 =	sor.u32 $0x4000, s15  }
0xf: {  	s14 =	sadd.s32 s14, s4;
	s16 =	sshll.u32 s6, $0x7;
	s6 =	sshll.u32 s6, $0x13  }
0x10: {  	s9 =	sshrl.u32 s8, $0x1;
	[dreg:$0x7] =	wrdreg s12;
	s12 =	sadd.s32 s15, s2  }
0x11: {  	s13 =	sadd.s32 s25, s2;
	s18 =	sor.u32 s15, s6;
	s6 =	sor.u32 s6, s25  }
0x12: {  	s15 =	sor.u32 s17, s16;
	s8 =	ssub.s32 s8, s9;
	s9 =	sadd.s32 $0x10, s1  }
0x13: {  	s26 =	sshrl.u32 s18, $0x3;
	s6 =	sshrl.u32 s6, $0x3;
	s10 =	sadd.s32 s10, s9  }
0x14: {  	s16 =	sadd.s32 s0, s26;
	s17 =	sadd.s32 s0, s6;
	s18 =	smax.u32 s8, $0x1  }
0x15: {  	v0 =	vimm.f32 $0.0e+00;
	s26 =	simm.s32 $0x4880;
	s0 =	simm.s32 $0x4980;
	[dreg:$0x8] =	wrdreg s10  }
.LBB2_1:
0x16: {  	s6 =	rddreg [dreg:$0x6]  }
0x17: {  	[tilespmem:s5], [sflag:$0x2] =	stream.linear.gather [hbm4b:s6+s5], $0x2000, $0x38;
	[tilespmem:$0x11300] =	vst v63  }
0x18: {  	_ =	swait.ge [sflag:s19], $0x2000  }
0x19: {  	[sflag:s19] =	ssyncset.done $0x0  }
0x1a: {  	s8 =	simm.s32 $0x3000;
	s11 =	rddreg [dreg:$0x7];
	[sflag:s19] =	ssyncadd.s32 $0xFFFFE000  }
0x1b: {  	[tilespmem:s8], [sflag:$0x2] =	stream.strided.gather [hbm4b:s11+s20], $0x800, s21, s20, $0x38;
	[tilespmem:$0x11300] =	vst v63  }
0x1c: {  	_ =	swait.ge [sflag:s19], $0x800  }
0x1d: {  	[sflag:s19] =	ssyncset.done $0x0  }
0x1e: {  	s25 =	simm.s32 $0x3800;
	s23 =	rddreg [dreg:$0x8];
	[sflag:s19] =	ssyncadd.s32 $0xFFFFF800  }
0x1f: {  	[tilespmem:s25], [sflag:$0x2] =	stream.strided.gather [hbm4b:s23+s20], $0x800, s21, s20, $0x38;
	[tilespmem:$0x11300] =	vst v63  }
0x20: {  	_ =	swait.ge [sflag:s19], $0x800  }
0x21: {  	[sflag:s19] =	ssyncset.done $0x0  }
0x22: {  	s6 =	simm.s32 $0x0;
	s8 =	simm.s32 $0x200;
	[sflag:s19] =	ssyncadd.s32 $0xFFFFF800  }
.LBB2_2:
0x23: {  	p1 =	sne.s32 s8, $0xFE00;
	[tilespmem:s6+$0x4A70] =	vst v0  }
0x24: {  	[tilespmem:s6+$0x4A00] =	vst v0  }
0x25: {  	[tilespmem:s6+$0x4A10] =	vst v0  }
.Ltmp0:
0x26: {  	[tilespmem:s6+$0x4A20] =	vst v0;
	(pc) =	sbr.rel @p1 .LBB2_2-.Ltmp0, $4  }
0x27: {  	[tilespmem:s6+$0x4A30] =	vst v0  }
0x28: {  	[tilespmem:s6+$0x4A40] =	vst v0  }
0x29: {  	[tilespmem:s6+$0x4A50] =	vst v0  }
0x2a: {  	[tilespmem:s6+$0x4A60] =	vst v0;
	s6 =	sshra.s32 s8, $0x2;
	s8 =	sadd.s32 $0x200, s8  }
0x2b: {  	[tilespmem:s6+$0x4A70] =	vst v0  }
0x2c: {  	[tilespmem:s6+$0x4A00] =	vst v0  }
0x2d: {  	[tilespmem:s6+$0x4A10] =	vst v0  }
0x2e: {  	[tilespmem:s6+$0x4A20] =	vst v0  }
0x2f: {  	[tilespmem:s6+$0x4A30] =	vst v0  }
0x30: {  	[tilespmem:s6+$0x4A40] =	vst v0  }
0x31: {  	[tilespmem:s6+$0x4A50] =	vst v0  }
0x32: {  	[tilespmem:s6+$0x4A60] =	vst v0;
	s6 =	simm.s32 $0x40;
	s8 =	simm.s32 $0x0  }
.LBB2_4:
0x33: {  	p1 =	sne.s32 s6, $0x3FC0;
	[tilespmem:s8+$0x2000] =	vst v0;
	s8 =	smov.u32 s6;
	s6 =	sadd.s32 $0x40, s6  }
.Ltmp1:
0x34: {  	(pc) =	sbr.rel @p1 .LBB2_4-.Ltmp1, $2  }
0x35: {  	_ =	sdelay $0x2  }
0x36: {  	s8 =	sshra.s32 s8, $0x2  }
0x37: {  	[tilespmem:s8+$0x2000] =	vst v0  }
0x38: {  	[spmem:s12] =	stream.linear.scatter [tilespmem:s24], [sflag:$0x2], $0x4000, $0x38;
	[tilespmem:$0x11300] =	vst v63  }
0x39: {  	_ =	swait.ge [sflag:s19], $0x4000  }
0x3a: {  	[sflag:s19] =	ssyncset.done $0x0  }
0x3b: {  	[sflag:s19] =	ssyncadd.s32 $0xFFFFC000  }
0x3c: {  	[spmem:s13] =	stream.linear.scatter [tilespmem:s24], [sflag:$0x2], $0x4000, $0x38;
	[tilespmem:$0x11300] =	vst v63  }
0x3d: {  	_ =	swait.ge [sflag:s19], $0x4000  }
0x3e: {  	[sflag:s19] =	ssyncset.done $0x0  }
0x3f: {  	s6 =	simm.s32 @!p0 $0x2000;
	[sflag:s19] =	ssyncadd.s32 $0xFFFFC000  }
0x40: {  	[spmem:s3] =	stream.linear.scatter @!p0 [tilespmem:s6], [sflag:$0x2], $0x1000, $0x38;
	[tilespmem:$0x11300] =	vst v63  }
0x41: {  	s6 =	simm.s32 @!p0 $0x2  }
0x42: {  	_ =	swait.ge @!p0 [sflag:s6], $0x1000  }
0x43: {  	[sflag:s6] =	ssyncset.done @!p0 $0x0  }
0x44: {  	[sflag:s6] =	ssyncadd.s32 @!p0 $0xFFFFF000  }
0x45: {  	s8 =	simm.s32 $0x0;
	[bflag:$0x0] =	sbarrier.arrive $0xFFFF  }
0x46: {  	v1 =	vld [tilespmem:s8+$0x3800]  }
0x47: {  	v2 =	vld [tilespmem:s8+$0x3000];
	_ =	sdelay $0x4  }
0x48: {  	v1 =	vshll.u32 v1, $0x1;
	v2 =	vshll.u32 v2, $0x1  }
0x49: {  	v1 =	vor.u32 $0x1, v1;
	_ =	sdelay $0x3  }
0x4a: {  	v2 =	vld.idx.msk [tilespmem:v2+s5+$0x0], $0xffff  }
0x4b: {  	v1 =	vld.idx.msk [tilespmem:v1+s5+$0x0], $0xffff;
	_ =	sdelay $0x4  }
0x4c: {  	v1 =	vadd.f32 v1, v2;
	_ =	sdelay $0x1  }
0x4d: {  	v2 =	vmul.f32 $2.000000030e-01, v1;
	_ =	sdelay $0x1  }
0x4e: {  	v1 =	vmax.f32 v1, v2  }
0x4f: {  	v2 =	vmul.f32 $1.442695020e+00, v1  }
0x50: {  	s10 =	simm.s32 $0x10  }
0x51: {  	s6 =	simm.s32 $0x80;
	v1 =	vld [tilespmem:s10+$0x3800];
	(erf) = vpow2.f32 v2  }
.LBB2_6:
0x52: {  	p1 =	sne.s32 s6, $0x1FC0  }
0x53: {  	v2 =	vld [tilespmem:s10+$0x3000];
	_ =	sdelay $0x2  }
0x54: {  	v1 =	vshll.u32 v1, $0x1  }
0x55: {  	v1 =	vor.u32 $0x1, v1  }
0x56: {  	v2 =	vshll.u32 v2, $0x1;
	_ =	sdelay $0x1  }
0x57: {  	v3 =	vpop (erf)  }
0x58: {  	[tilespmem:s8+$0x4000] =	vst v3;
	s8 =	smov.u32 s10  }
0x59: {  	v1 =	vld.idx.msk [tilespmem:v1+s5+$0x0], $0xffff  }
0x5a: {  	v2 =	vld.idx.msk [tilespmem:v2+s5+$0x0], $0xffff;
	_ =	sdelay $0x5  }
0x5b: {  	v1 =	vadd.f32 v1, v2;
	_ =	sdelay $0x1  }
0x5c: {  	v2 =	vmul.f32 $2.000000030e-01, v1  }
.Ltmp2:
0x5d: {  	(pc) =	sbr.rel @p1 .LBB2_6-.Ltmp2, $4  }
0x5e: {  	v1 =	vmax.f32 v1, v2  }
0x5f: {  	v2 =	vmul.f32 $1.442695020e+00, v1  }
0x60: {  	s10 =	sshra.s32 s6, $0x2  }
0x61: {  	s6 =	sadd.s32 $0x40, s6;
	v1 =	vld [tilespmem:s10+$0x3800];
	(erf) = vpow2.f32 v2  }
0x62: {  	_ = 	snop  }
0x63: {  	v2 =	vld [tilespmem:s10+$0x3000];
	_ =	sdelay $0x2  }
0x64: {  	v1 =	vshll.u32 v1, $0x1  }
0x65: {  	v1 =	vor.u32 $0x1, v1  }
0x66: {  	v2 =	vshll.u32 v2, $0x1;
	_ =	sdelay $0x1  }
0x67: {  	v3 =	vpop (erf)  }
0x68: {  	[tilespmem:s8+$0x4000] =	vst v3  }
0x69: {  	v1 =	vld.idx.msk [tilespmem:v1+s5+$0x0], $0xffff  }
0x6a: {  	v2 =	vld.idx.msk [tilespmem:v2+s5+$0x0], $0xffff;
	_ =	sdelay $0x4  }
0x6b: {  	v1 =	vadd.f32 v1, v2;
	_ =	sdelay $0x1  }
0x6c: {  	v2 =	vmul.f32 $2.000000030e-01, v1;
	_ =	sdelay $0x1  }
0x6d: {  	v1 =	vmax.f32 v1, v2  }
0x6e: {  	v1 =	vmul.f32 $1.442695020e+00, v1;
	_ =	sdelay $0x1  }
0x6f: {  	(erf) = vpow2.f32 v1;
	_ =	sdelay $0x8  }
0x70: {  	v1 =	vpop (erf)  }
0x71: {  	s6 =	simm.s32 $0x4000;
	[tilespmem:s10+$0x4000] =	vst v1  }
0x72: {  	[spmem:s14] =	stream.linear.scatter [tilespmem:s6], [sflag:$0x2], $0x800, $0x38;
	[tilespmem:$0x11300] =	vst v63  }
0x73: {  	_ =	swait.ge [sflag:s19], $0x800  }
0x74: {  	[sflag:s19] =	ssyncset.done $0x0  }
0x75: {  	s25 =	simm.s32 $0x0;
	[sflag:s19] =	ssyncadd.s32 $0xFFFFF800  }
0x76: {  	v1 =	vld [tilespmem:s25+$0x3800];
	_ =	sdelay $0x4  }
0x77: {  	[tilespmem:$0x4880] =	vst v1  }
0x78: {  	v1 =	vld [tilespmem:s25+$0x4000];
	_ =	sdelay $0x4  }
0x79: {  	[tilespmem:$0x4900] =	vst v1  }
0x7a: {  	v1 =	vld [tilespmem:s25+$0x3810];
	_ =	sdelay $0x4  }
0x7b: {  	[tilespmem:$0x4890] =	vst v1  }
0x7c: {  	v1 =	vld [tilespmem:s25+$0x4010];
	_ =	sdelay $0x4  }
0x7d: {  	[tilespmem:$0x4910] =	vst v1  }
0x7e: {  	v1 =	vld [tilespmem:s25+$0x3820];
	_ =	sdelay $0x4  }
0x7f: {  	[tilespmem:$0x48A0] =	vst v1  }
0x80: {  	v1 =	vld [tilespmem:s25+$0x4020];
	_ =	sdelay $0x4  }
0x81: {  	[tilespmem:$0x4920] =	vst v1  }
0x82: {  	v1 =	vld [tilespmem:s25+$0x3830];
	_ =	sdelay $0x4  }
0x83: {  	[tilespmem:$0x48B0] =	vst v1  }
0x84: {  	v1 =	vld [tilespmem:s25+$0x4030];
	_ =	sdelay $0x4  }
0x85: {  	[tilespmem:$0x4930] =	vst v1  }
0x86: {  	v1 =	vld [tilespmem:s25+$0x3840];
	_ =	sdelay $0x4  }
0x87: {  	[tilespmem:$0x48C0] =	vst v1  }
0x88: {  	v1 =	vld [tilespmem:s25+$0x4040];
	_ =	sdelay $0x4  }
0x89: {  	[tilespmem:$0x4940] =	vst v1  }
0x8a: {  	v1 =	vld [tilespmem:s25+$0x3850];
	_ =	sdelay $0x4  }
0x8b: {  	[tilespmem:$0x48D0] =	vst v1  }
0x8c: {  	v1 =	vld [tilespmem:s25+$0x4050];
	_ =	sdelay $0x4  }
0x8d: {  	[tilespmem:$0x4950] =	vst v1  }
0x8e: {  	v1 =	vld [tilespmem:s25+$0x3860];
	_ =	sdelay $0x4  }
0x8f: {  	[tilespmem:$0x48E0] =	vst v1  }
0x90: {  	v1 =	vld [tilespmem:s25+$0x4060];
	_ =	sdelay $0x4  }
0x91: {  	[tilespmem:$0x4960] =	vst v1  }
0x92: {  	v1 =	vld [tilespmem:s25+$0x3870];
	_ =	sdelay $0x4  }
0x93: {  	[tilespmem:$0x48F0] =	vst v1  }
0x94: {  	v1 =	vld [tilespmem:s25+$0x4070];
	_ =	sdelay $0x4  }
0x95: {  	[tilespmem:$0x4970] =	vst v1  }
0x96: {  	[spmem:s3] =	stream.indirect.scatter.add.f32 [tilespmem:s28], [sflag:$0x2], $0x1, s26, s20, $0xb8;
	[tilespmem:$0x11300] =	vst v63  }
0x97: {  	_ =	swait.ge [sflag:s19], $0x80  }
0x98: {  	s23 =	simm.s32 $0x200;
	s6 =	simm.s32 $0x400;
	[sflag:s19] =	ssyncset.done $0x0  }
.LBB2_8:
0x99: {  	s8 =	sshra.s32 s23, $0x2  }
0x9a: {  	[sflag:s19] =	ssyncadd.s32 $0xFFFFFF80;
	s23 =	smov.u32 s6;
	s25 =	sadd.s32 $0x200, s6  }
0x9b: {  	p1 =	sne.s32 s6, $0x1E00;
	v1 =	vld [tilespmem:s8+$0x3800];
	_ =	sdelay $0x4  }
0x9c: {  	[tilespmem:$0x4880] =	vst v1  }
0x9d: {  	v1 =	vld [tilespmem:s8+$0x4000];
	_ =	sdelay $0x4  }
0x9e: {  	[tilespmem:$0x4900] =	vst v1  }
0x9f: {  	v1 =	vld [tilespmem:s8+$0x3810];
	_ =	sdelay $0x4  }
0xa0: {  	[tilespmem:$0x4890] =	vst v1  }
0xa1: {  	v1 =	vld [tilespmem:s8+$0x4010];
	_ =	sdelay $0x4  }
0xa2: {  	[tilespmem:$0x4910] =	vst v1  }
0xa3: {  	v1 =	vld [tilespmem:s8+$0x3820];
	_ =	sdelay $0x4  }
0xa4: {  	[tilespmem:$0x48A0] =	vst v1  }
0xa5: {  	v1 =	vld [tilespmem:s8+$0x4020];
	_ =	sdelay $0x4  }
0xa6: {  	[tilespmem:$0x4920] =	vst v1  }
0xa7: {  	v1 =	vld [tilespmem:s8+$0x3830];
	_ =	sdelay $0x4  }
0xa8: {  	[tilespmem:$0x48B0] =	vst v1  }
0xa9: {  	v1 =	vld [tilespmem:s8+$0x4030];
	_ =	sdelay $0x4  }
0xaa: {  	[tilespmem:$0x4930] =	vst v1  }
0xab: {  	v1 =	vld [tilespmem:s8+$0x3840];
	_ =	sdelay $0x4  }
0xac: {  	[tilespmem:$0x48C0] =	vst v1  }
0xad: {  	v1 =	vld [tilespmem:s8+$0x4040];
	_ =	sdelay $0x4  }
0xae: {  	[tilespmem:$0x4940] =	vst v1  }
0xaf: {  	v1 =	vld [tilespmem:s8+$0x3850];
	_ =	sdelay $0x4  }
0xb0: {  	[tilespmem:$0x48D0] =	vst v1  }
0xb1: {  	v1 =	vld [tilespmem:s8+$0x4050];
	_ =	sdelay $0x4  }
0xb2: {  	[tilespmem:$0x4950] =	vst v1  }
0xb3: {  	v1 =	vld [tilespmem:s8+$0x3860];
	_ =	sdelay $0x4  }
0xb4: {  	[tilespmem:$0x48E0] =	vst v1  }
0xb5: {  	v1 =	vld [tilespmem:s8+$0x4060];
	_ =	sdelay $0x4  }
0xb6: {  	[tilespmem:$0x4960] =	vst v1  }
0xb7: {  	v1 =	vld [tilespmem:s8+$0x3870];
	_ =	sdelay $0x4  }
0xb8: {  	[tilespmem:$0x48F0] =	vst v1  }
0xb9: {  	v1 =	vld [tilespmem:s8+$0x4070];
	_ =	sdelay $0x3  }
.Ltmp3:
0xba: {  	(pc) =	sbr.rel @p1 .LBB2_8-.Ltmp3, $4  }
0xbb: {  	[tilespmem:$0x4970] =	vst v1  }
0xbc: {  	[spmem:s3] =	stream.indirect.scatter.add.f32 [tilespmem:s28], [sflag:$0x2], $0x1, s26, s20, $0xb8;
	[tilespmem:$0x11300] =	vst v63  }
0xbd: {  	_ =	swait.ge [sflag:s19], $0x80  }
0xbe: {  	s6 =	smov.u32 s25;
	[sflag:s19] =	ssyncset.done $0x0  }
0xbf: {  	s6 =	sshra.s32 s23, $0x2;
	[sflag:s19] =	ssyncadd.s32 $0xFFFFFF80  }
0xc0: {  	v1 =	vld [tilespmem:s6+$0x3800];
	_ =	sdelay $0x4  }
0xc1: {  	[tilespmem:$0x4880] =	vst v1  }
0xc2: {  	v1 =	vld [tilespmem:s6+$0x4000];
	_ =	sdelay $0x4  }
0xc3: {  	[tilespmem:$0x4900] =	vst v1  }
0xc4: {  	v1 =	vld [tilespmem:s6+$0x3810];
	_ =	sdelay $0x4  }
0xc5: {  	[tilespmem:$0x4890] =	vst v1  }
0xc6: {  	v1 =	vld [tilespmem:s6+$0x4010];
	_ =	sdelay $0x4  }
0xc7: {  	[tilespmem:$0x4910] =	vst v1  }
0xc8: {  	v1 =	vld [tilespmem:s6+$0x3820];
	_ =	sdelay $0x4  }
0xc9: {  	[tilespmem:$0x48A0] =	vst v1  }
0xca: {  	v1 =	vld [tilespmem:s6+$0x4020];
	_ =	sdelay $0x4  }
0xcb: {  	[tilespmem:$0x4920] =	vst v1  }
0xcc: {  	v1 =	vld [tilespmem:s6+$0x3830];
	_ =	sdelay $0x4  }
0xcd: {  	[tilespmem:$0x48B0] =	vst v1  }
0xce: {  	v1 =	vld [tilespmem:s6+$0x4030];
	_ =	sdelay $0x4  }
0xcf: {  	[tilespmem:$0x4930] =	vst v1  }
0xd0: {  	v1 =	vld [tilespmem:s6+$0x3840];
	_ =	sdelay $0x4  }
0xd1: {  	[tilespmem:$0x48C0] =	vst v1  }
0xd2: {  	v1 =	vld [tilespmem:s6+$0x4040];
	_ =	sdelay $0x4  }
0xd3: {  	[tilespmem:$0x4940] =	vst v1  }
0xd4: {  	v1 =	vld [tilespmem:s6+$0x3850];
	_ =	sdelay $0x4  }
0xd5: {  	[tilespmem:$0x48D0] =	vst v1  }
0xd6: {  	v1 =	vld [tilespmem:s6+$0x4050];
	_ =	sdelay $0x4  }
0xd7: {  	[tilespmem:$0x4950] =	vst v1  }
0xd8: {  	v1 =	vld [tilespmem:s6+$0x3860];
	_ =	sdelay $0x4  }
0xd9: {  	[tilespmem:$0x48E0] =	vst v1  }
0xda: {  	v1 =	vld [tilespmem:s6+$0x4060];
	_ =	sdelay $0x4  }
0xdb: {  	[tilespmem:$0x4960] =	vst v1  }
0xdc: {  	v1 =	vld [tilespmem:s6+$0x3870];
	_ =	sdelay $0x4  }
0xdd: {  	[tilespmem:$0x48F0] =	vst v1  }
0xde: {  	v1 =	vld [tilespmem:s6+$0x4070];
	_ =	sdelay $0x4  }
0xdf: {  	[tilespmem:$0x4970] =	vst v1  }
0xe0: {  	[spmem:s3] =	stream.indirect.scatter.add.f32 [tilespmem:s28], [sflag:$0x2], $0x1, s26, s20, $0xb8;
	[tilespmem:$0x11300] =	vst v63  }
0xe1: {  	_ =	swait.ge [sflag:s19], $0x80  }
0xe2: {  	[sflag:s19] =	ssyncset.done $0x0  }
0xe3: {  	[sflag:s19] =	ssyncadd.s32 $0xFFFFFF80  }
0xe4: {  	[bflag:$0x0] =	sbarrier.arrive $0xFFFF  }
0xe5: {  	[tilespmem:s29], [sflag:$0x2] =	stream.linear.gather [spmem:s3], $0x1000, $0x38;
	[tilespmem:$0x11300] =	vst v63  }
0xe6: {  	_ =	swait.ge [sflag:s19], $0x1000  }
0xe7: {  	[sflag:s19] =	ssyncset.done $0x0  }
0xe8: {  	s23 =	simm.s32 $0x0;
	s25 =	simm.s32 $0x0;
	[sflag:s19] =	ssyncadd.s32 $0xFFFFF000  }
.LBB2_10:
0xe9: {  	s6 =	sadd.s32 s15, s25  }
0xea: {  	s8 =	sshll.u32 s6, $0x5  }
0xeb: {  	s10 =	sadd.s32 s1, s8  }
0xec: {  	[tilespmem:s30], [sflag:$0x2] =	stream.linear.gather [hbm4b:s10+s23], $0x80, $0x38;
	[tilespmem:$0x11300] =	vst v63  }
0xed: {  	_ =	swait.ge [sflag:s19], $0x80  }
0xee: {  	[sflag:s19] =	ssyncset.done $0x0  }
0xef: {  	s8 =	sadd.s32 s8, s9;
	[sflag:s19] =	ssyncadd.s32 $0xFFFFFF80  }
0xf0: {  	[tilespmem:s26], [sflag:$0x2] =	stream.linear.gather [hbm4b:s8+s23], $0x80, $0x38;
	[tilespmem:$0x11300] =	vst v63  }
0xf1: {  	s6 =	sshll.u32 s6, $0x7;
	_ =	swait.ge [sflag:s19], $0x80  }
0xf2: {  	s6 =	sand.u32 $0x3FFFFF80, s6;
	[sflag:s19] =	ssyncset.done $0x0  }
0xf3: {  	s6 =	sadd.s32 s6, s4;
	[sflag:s19] =	ssyncadd.s32 $0xFFFFFF80  }
0xf4: {  	[tilespmem:s28], [sflag:$0x2] =	stream.linear.gather [spmem:s6], $0x80, $0x38;
	[tilespmem:$0x11300] =	vst v63  }
0xf5: {  	_ =	swait.ge [sflag:s19], $0x80  }
0xf6: {  	[sflag:s19] =	ssyncset.done $0x0  }
0xf7: {  	[sflag:s19] =	ssyncadd.s32 $0xFFFFFF80  }
0xf8: {  	[tilespmem:s24], [sflag:$0x1] =	stream.indirect.gather [hbm4b:s7+s20], $0x80, s30, s20, $0xb8;
	[tilespmem:$0x11300] =	vst v63  }
0xf9: {  	_ =	swait.ge [sflag:s31], $0x4000  }
0xfa: {  	[sflag:s31] =	ssyncset.done $0x0  }
0xfb: {  	[sflag:s31] =	ssyncadd.s32 $0xFFFFC000  }
0xfc: {  	v1 =	vld [tilespmem:$0x4880];
	_ =	sdelay $0x7  }
0xfd: {  	v1 =	vld.idx.msk [tilespmem:v1+s29+$0x0], $0xffff;
	_ =	sdelay $0x4  }
0xfe: {  	(erf) = vrcp.f32 v1;
	_ =	sdelay $0x3  }
0xff: {  	v2 =	vld [tilespmem:$0x4890]  }
0x100: {  	v1 =	vld [tilespmem:$0x4900];
	_ =	sdelay $0x3  }
0x101: {  	v3 =	vpop (erf)  }
0x102: {  	v1 =	vmul.f32 v3, v1;
	_ =	sdelay $0x1  }
0x103: {  	[tilespmem:$0x4980] =	vst v1  }
0x104: {  	v1 =	vld.idx.msk [tilespmem:v2+s29+$0x0], $0xffff;
	_ =	sdelay $0x4  }
0x105: {  	(erf) = vrcp.f32 v1;
	_ =	sdelay $0x3  }
0x106: {  	v2 =	vld [tilespmem:$0x48A0]  }
0x107: {  	v1 =	vld [tilespmem:$0x4910];
	_ =	sdelay $0x3  }
0x108: {  	v3 =	vpop (erf)  }
0x109: {  	v1 =	vmul.f32 v3, v1;
	_ =	sdelay $0x1  }
0x10a: {  	[tilespmem:$0x4990] =	vst v1  }
0x10b: {  	v1 =	vld.idx.msk [tilespmem:v2+s29+$0x0], $0xffff;
	_ =	sdelay $0x4  }
0x10c: {  	(erf) = vrcp.f32 v1;
	_ =	sdelay $0x3  }
0x10d: {  	v2 =	vld [tilespmem:$0x48B0]  }
0x10e: {  	v1 =	vld [tilespmem:$0x4920];
	_ =	sdelay $0x3  }
0x10f: {  	v3 =	vpop (erf)  }
0x110: {  	v1 =	vmul.f32 v3, v1;
	_ =	sdelay $0x1  }
0x111: {  	[tilespmem:$0x49A0] =	vst v1  }
0x112: {  	v1 =	vld.idx.msk [tilespmem:v2+s29+$0x0], $0xffff;
	_ =	sdelay $0x4  }
0x113: {  	(erf) = vrcp.f32 v1;
	_ =	sdelay $0x3  }
0x114: {  	v2 =	vld [tilespmem:$0x48C0]  }
0x115: {  	v1 =	vld [tilespmem:$0x4930];
	_ =	sdelay $0x3  }
0x116: {  	v3 =	vpop (erf)  }
0x117: {  	v1 =	vmul.f32 v3, v1;
	_ =	sdelay $0x1  }
0x118: {  	[tilespmem:$0x49B0] =	vst v1  }
0x119: {  	v1 =	vld.idx.msk [tilespmem:v2+s29+$0x0], $0xffff;
	_ =	sdelay $0x4  }
0x11a: {  	(erf) = vrcp.f32 v1;
	_ =	sdelay $0x3  }
0x11b: {  	v2 =	vld [tilespmem:$0x48D0]  }
0x11c: {  	v1 =	vld [tilespmem:$0x4940];
	_ =	sdelay $0x3  }
0x11d: {  	v3 =	vpop (erf)  }
0x11e: {  	v1 =	vmul.f32 v3, v1;
	_ =	sdelay $0x1  }
0x11f: {  	[tilespmem:$0x49C0] =	vst v1  }
0x120: {  	v1 =	vld.idx.msk [tilespmem:v2+s29+$0x0], $0xffff;
	_ =	sdelay $0x4  }
0x121: {  	(erf) = vrcp.f32 v1;
	_ =	sdelay $0x3  }
0x122: {  	v2 =	vld [tilespmem:$0x48E0]  }
0x123: {  	v1 =	vld [tilespmem:$0x4950];
	_ =	sdelay $0x3  }
0x124: {  	v3 =	vpop (erf)  }
0x125: {  	v1 =	vmul.f32 v3, v1;
	_ =	sdelay $0x1  }
0x126: {  	[tilespmem:$0x49D0] =	vst v1  }
0x127: {  	v1 =	vld.idx.msk [tilespmem:v2+s29+$0x0], $0xffff;
	_ =	sdelay $0x4  }
0x128: {  	(erf) = vrcp.f32 v1;
	_ =	sdelay $0x3  }
0x129: {  	v2 =	vld [tilespmem:$0x48F0]  }
0x12a: {  	v1 =	vld [tilespmem:$0x4960];
	_ =	sdelay $0x3  }
0x12b: {  	v3 =	vpop (erf)  }
0x12c: {  	v1 =	vmul.f32 v3, v1;
	_ =	sdelay $0x1  }
0x12d: {  	[tilespmem:$0x49E0] =	vst v1  }
0x12e: {  	v1 =	vld.idx.msk [tilespmem:v2+s29+$0x0], $0xffff;
	_ =	sdelay $0x4  }
0x12f: {  	(erf) = vrcp.f32 v1;
	_ =	sdelay $0x4  }
0x130: {  	v1 =	vld [tilespmem:$0x4970];
	_ =	sdelay $0x3  }
0x131: {  	v2 =	vpop (erf)  }
0x132: {  	v1 =	vmul.f32 v2, v1  }
0x133: {  	v2 =	vmov s23  }
0x134: {  	s8 =	simm.s32 $0x4A40;
	[tilespmem:$0x49F0] =	vst v1  }
0x135: {  	v5 =	vld [tilespmem:s8+$0x30]  }
0x136: {  	v8 =	vld [tilespmem:s8+$0x10]  }
0x137: {  	v6 =	vld [tilespmem:s8+$0xFFFFFFC0]  }
0x138: {  	v2 =	vld.idx.msk [tilespmem:v2+s0+$0x0], $0xffff  }
0x139: {  	v10 =	vld [tilespmem:s8+$0xFFFFFFE0]  }
0x13a: {  	v1 =	vld [tilespmem:s8+$0xFFFFFFF0]  }
0x13b: {  	v3 =	vld [tilespmem:s8+$0x20]  }
0x13c: {  	v4 =	vld [tilespmem:s8+$0xFFFFFFD0]  }
0x13d: {  	v9 =	vmul.f32 v5, v2;
	v5 =	vld [tilespmem:s8+$0x0]  }
0x13e: {  	v7 =	vmul.f32 v6, v2  }
0x13f: {  	s10 =	simm.s32 $0x4A40;
	s6 =	simm.s32 $0x1;
	v6 =	vmul.f32 v10, v2;
	v8 =	vmul.f32 v8, v2  }
.LBB2_11:
0x140: {  	p1 =	sne.s32 s6, $0x7F  }
0x141: {  	v4 =	vmul.f32 v4, v2;
	v3 =	vmul.f32 v3, v2;
	[tilespmem:s8+$0x30] =	vst v9;
	s10 =	sadd.s32 $0x80, s10;
	s11 =	smov.u32 s6;
	s6 =	sadd.s32 $0x1, s6  }
0x142: {  	[tilespmem:s8+$0xFFFFFFC0] =	vst v7;
	v7 =	vmul.f32 v1, v2;
	v2 =	vmul.f32 v5, v2  }
0x143: {  	[tilespmem:s8+$0x10] =	vst v8  }
0x144: {  	v5 =	vmov s11;
	[tilespmem:s8+$0xFFFFFFE0] =	vst v6  }
0x145: {  	v1 =	vld [tilespmem:s10+$0xFFFFFFF0];
	[tilespmem:s8+$0xFFFFFFF0] =	vst v7  }
0x146: {  	v6 =	vld [tilespmem:s10+$0x30];
	[tilespmem:s8+$0x0] =	vst v2  }
0x147: {  	v8 =	vld [tilespmem:s10+$0x10];
	[tilespmem:s8+$0x20] =	vst v3  }
0x148: {  	v7 =	vld [tilespmem:s10+$0xFFFFFFC0];
	[tilespmem:s8+$0xFFFFFFD0] =	vst v4;
	s8 =	smov.u32 s10  }
0x149: {  	v2 =	vld.idx.msk [tilespmem:v5+s0+$0x0], $0xffff  }
0x14a: {  	v10 =	vld [tilespmem:s10+$0xFFFFFFE0]  }
0x14b: {  	v3 =	vld [tilespmem:s10+$0x20]  }
.Ltmp4:
0x14c: {  	v4 =	vld [tilespmem:s10+$0xFFFFFFD0];
	(pc) =	sbr.rel @p1 .LBB2_11-.Ltmp4, $3  }
0x14d: {  	v5 =	vld [tilespmem:s10+$0x0];
	_ =	sdelay $0x1  }
0x14e: {  	v7 =	vmul.f32 v7, v2;
	v9 =	vmul.f32 v6, v2  }
0x14f: {  	v8 =	vmul.f32 v8, v2;
	v6 =	vmul.f32 v10, v2  }
0x150: {  	[tilespmem:s8+$0x30] =	vst v9  }
0x151: {  	[tilespmem:s8+$0xFFFFFFC0] =	vst v7  }
0x152: {  	v1 =	vmul.f32 v1, v2;
	[tilespmem:s8+$0x10] =	vst v8  }
0x153: {  	v3 =	vmul.f32 v3, v2;
	[tilespmem:s8+$0xFFFFFFE0] =	vst v6  }
0x154: {  	v5 =	vmul.f32 v5, v2;
	[tilespmem:s8+$0xFFFFFFF0] =	vst v1  }
0x155: {  	s25 =	sadd.s32 $0x1, s25;
	v1 =	vmul.f32 v4, v2;
	[tilespmem:s8+$0x20] =	vst v3  }
0x156: {  	p1 =	sne.s32 s25, $0x8;
	[tilespmem:s8+$0x0] =	vst v5  }
.Ltmp5:
0x157: {  	[tilespmem:s8+$0xFFFFFFD0] =	vst v1;
	(pc) =	sbr.rel @p1 .LBB2_10-.Ltmp5, $4  }
0x158: {  	[spmem:s2] =	stream.indirect.scatter.add.f32 [tilespmem:s24], [sflag:$0x2], $0x80, s26, s20, $0xb8;
	[tilespmem:$0x11300] =	vst v63  }
0x159: {  	_ =	swait.ge [sflag:s19], $0x4000  }
0x15a: {  	[sflag:s19] =	ssyncset.done $0x0  }
0x15b: {  	[sflag:s19] =	ssyncadd.s32 $0xFFFFC000  }
0x15c: {  	s6 =	stileid.u32  }
0x15d: {  	s6 =	sshll.u32 s6, $0x6  }
0x15e: {  	[bflag:$0x0] =	sbarrier.arrive $0xFFFF;
	s8 =	sshrl.u32 s12, $0x3;
	s6 =	sor.u32 $0x1C02, s6  }
0x15f: {  	[hbm:s16], [sflag:s6] =	dma.local [spmem:s8], $0x800  }
0x160: {  	s22 =	sadd.s32 $0x1, s22;
	_ =	swait.ge [sflag:s19], $0x800  }
0x161: {  	p1 =	sne.s32 s22, s18;
	[sflag:s19] =	ssyncset.done $0x0  }
.Ltmp6:
0x162: {  	s25 =	sshrl.u32 s13, $0x3;
	[sflag:s19] =	ssyncadd.s32 $0xFFFFF800;
	(pc) =	sbr.rel @p1 .LBB2_1-.Ltmp6, $4  }
0x163: {  	[hbm:s17], [sflag:s6] =	dma.local [spmem:s25], $0x800  }
0x164: {  	_ =	swait.ge [sflag:s19], $0x800  }
0x165: {  	[sflag:s19] =	ssyncset.done $0x0  }
0x166: {  	[sflag:s19] =	ssyncadd.s32 $0xFFFFF800  }
0x167: {  	_ =	sfence.sel $0x180000  }
0x168: {  	[bflag:$0x0] =	sbarrier.arrive $0xFFFF  }
0x169: {  	_ =	strace $0x9000004A  }
0x16a: {  	[bflag:$0x2] =	sbarrier.arrive $0xFFFF  }
0x16b: {  	s0 =	rddreg [dreg:$0x5]  }
0x16c: {  	s0 =	sadd.s32 @!p0 $0x100000, s0  }
0x16d: {  	[sflag:s0] =	ssyncadd.tile.s32 @!p0 $0x1;
	_ =	shalt  }
.Lfunc_end2:
_tile_overlayer_lowered:
.L_overlay_start_2:
0x16e: {  	(tag) =	ssettag $0x2  }
0x16f: {  	s0 =	rddreg [dreg:$0x0];
	s2 =	stileid.u32  }
0x170: {  	s1 =	rddreg [dreg:$0x1];
	p0 =	sne.s32 s2, $0x0  }
0x171: {  	s3 =	rddreg [dreg:$0x2];
	[bflag:$0x3] =	sbarrier.arrive $0xFFFF;
	s2 =	simm.s32 @!p0 $0x1C02  }
0x172: {  	[timem:s3], [sflag:s2] =	dma.local @!p0 [hbm:s0], s1  }
0x173: {  	s0 =	simm.s32 @!p0 $0x2  }
0x174: {  	_ =	swait.ge @!p0 [sflag:s0], s1  }
0x175: {  	s1 =	ssub.s32 @!p0 $0x0, s1;
	[sflag:s0] =	ssyncset.done @!p0 $0x0  }
0x176: {  	[sflag:s0] =	ssyncadd.s32 @!p0 s1  }
0x177: {  	[bflag:$0x3] =	sbarrier.arrive $0xFFFF  }
0x178: {  	_ =	shalt  }

// kernel: kernel.7.cloned.1.call-start
scs
__scs_entry_jumppad:
0x0: {  	(pc) =	sbr.rel $0x88, $3  }
0x1: {  	(tag) =	ssettag $0x0;
	lr =	simm.s32 $0x1  }
0x2: {  	[smem:$0x3F8F] =	sst lr;
	_ =	strace $0xD0000000  }
0x3: {  	_ = 	snop  }
0x4: {  	_ = 	snop  }
0x5: {  	_ = 	snop  }
0x6: {  	_ = 	snop  }
0x7: {  	_ = 	snop  }
__scs_overlays_trampoline_lowered:
0x8: {  	[smem:$0x3F9E] =	sst s0  }
0x9: {  	[smem:$0x3F9F] =	sst s1  }
0xa: {  	[smem:$0x3FA0] =	sst s2  }
0xb: {  	[smem:$0x3FA1] =	sst s3  }
0xc: {  	[smem:$0x3FA2] =	sst s4  }
0xd: {  	[smem:$0x3FA3] =	sst s5  }
0xe: {  	[smem:$0x3FA4] =	sst s6  }
0xf: {  	[smem:$0x3FA5] =	sst s7  }
0x10: {  	[smem:$0x3FA6] =	sst s8  }
0x11: {  	[smem:$0x3FA7] =	sst s9;
	s0 =	simm.s32 @!p0 $0x0  }
0x12: {  	s1 =	sld [smem:$0x3F8D];
	s0 =	simm.s32 @p0 $0x1  }
0x13: {  	[smem:$0x3FA8] =	sst s0;
	s0 =	simm.s32 @!p1 $0x0  }
0x14: {  	s2 =	sld [smem:$0x3F8C];
	s0 =	simm.s32 @p1 $0x1  }
0x15: {  	[smem:$0x3FA9] =	sst s0;
	s0 =	simm.s32 @!p2 $0x0  }
0x16: {  	s3 =	sld [smem:$0x3FDB];
	s0 =	simm.s32 @p2 $0x1  }
0x17: {  	s4 =	simm.s32 $0x1BF5;
	[smem:$0x3FAB] =	sst s0  }
0x18: {  	s0 =	sld [smem:$0x3F8E];
	_ =	swait.ge [sflag:s4], $0x0  }
0x19: {  	s7 =	sld [smem:$0x3F8F]  }
0x1a: {  	s8 =	sadd.s32 $0xFFFFE003, lr  }
0x1b: {  	s9 =	sadd.s32 $0xFFFFFEF7, lr;
	s5 =	simm.s32 $0xFFFFFFFF;
	p2 =	slt.u32 s8, $0xFFFFF086  }
0x1c: {  	p1 =	slt.u32 s9, $0xF7A;
	s5 =	simm.s32 @!p2 $0x0  }
0x1d: {  	s5 =	simm.s32 @p1 $0x1;
	p0 =	seq.s32 s7, s2  }
0x1e: {  	s7 =	smul.u32 @!p0 $0xF7A, s2;
	p2 =	seq.s32 @!p0 s5, $0x0  }
0x1f: {  	s9 =	smul.u32 $0xF7A, s1;
	s8 =	simm.s32 @!p0 $0x1BF5;
	p2 =	por !p2, p0  }
0x20: {  	[sflag:s8] =	ssyncset.s32 @!p0 $0xFFFFF086;
	s6 =	sadd.s32 @!p0 s3, s7;
	s7 =	simm.s32 @!p0 $0x108  }
0x21: {  	s3 =	sadd.s32 s3, s9;
	s6 =	sadd.s32 @!p0 $0x88, s6;
	s7 =	simm.s32 @p2 $0x1082  }
0x22: {  	[simem:s7], [sflag:s8] =	dma.local @!p0 [hbm:s6], $0xF7A  }
0x23: {  	s9 =	sor.u32 $0xD0000000, s2;
	s6 =	simm.s32 $0x108;
	_ =	swait.ge @!p0 [sflag:s8], $0x0  }
0x24: {  	s3 =	sadd.s32 $0x88, s3;
	s6 =	simm.s32 @!p1 $0x1082;
	[sflag:s4] =	ssyncset.s32 $0xFFFFF086  }
0x25: {  	[simem:s6], [sflag:s4] =	dma.local [hbm:s3], $0xF7A  }
0x26: {  	[smem:$0x3F8F] =	sst s1;
	(tag) =	ssettag s2;
	_ =	strace s9  }
0x27: {  	s1 =	sld [smem:$0x3F9F]  }
0x28: {  	s2 =	sld [smem:$0x3FA0]  }
0x29: {  	s4 =	sld [smem:$0x3FA2]  }
0x2a: {  	p0 =	seq.s32 s5, $0x0;
	s5 =	sld [smem:$0x3FA3]  }
0x2b: {  	s6 =	sld [smem:$0x3FA4]  }
0x2c: {  	s7 =	sld [smem:$0x3FA5]  }
0x2d: {  	s3 =	simm.s32 $0x108;
	s8 =	sld [smem:$0x3FA6]  }
0x2e: {  	s3 =	simm.s32 @!p0 $0x1082;
	s9 =	sld [smem:$0x3FA7]  }
0x2f: {  	lr =	sadd.s32 s0, s3;
	s0 =	sld [smem:$0x3F9E]  }
0x30: {  	s3 =	sld [smem:$0x3FA1]  }
0x31: {  	[smem:$0x3FAA] =	sst s10  }
0x32: {  	s10 =	sld [smem:$0x3FA8];
	_ =	sdelay $0x3  }
0x33: {  	p0 =	seq.s32 s10, $0x1;
	s10 =	sld [smem:$0x3FAA];
	_ =	sdelay $0x3  }
0x34: {  	[smem:$0x3FAA] =	sst s10  }
0x35: {  	s10 =	sld [smem:$0x3FA9];
	_ =	sdelay $0x3  }
0x36: {  	p1 =	seq.s32 s10, $0x1;
	s10 =	sld [smem:$0x3FAA];
	_ =	sdelay $0x3  }
0x37: {  	[smem:$0x3FAA] =	sst s10  }
0x38: {  	s10 =	sld [smem:$0x3FAB]  }
0x39: {  	_ = 	snop;
	(pc) =	sbr.ind lr, $3  }
0x3a: {  	_ = 	snop  }
0x3b: {  	_ = 	snop  }
0x3c: {  	p2 =	seq.s32 s10, $0x1;
	s10 =	sld [smem:$0x3FAA]  }
0x3d: {  	_ =	shalt  }
0x3e: {  	_ =	shalt  }
0x3f: {  	_ =	shalt  }
0x40: {  	_ =	shalt  }
0x41: {  	_ =	shalt  }
0x42: {  	_ =	shalt  }
0x43: {  	_ =	shalt  }
0x44: {  	_ =	shalt  }
0x45: {  	_ =	shalt  }
0x46: {  	_ =	shalt  }
0x47: {  	_ =	shalt  }
0x48: {  	_ =	shalt  }
0x49: {  	_ =	shalt  }
0x4a: {  	_ =	shalt  }
0x4b: {  	_ =	shalt  }
0x4c: {  	_ =	shalt  }
0x4d: {  	_ =	shalt  }
0x4e: {  	_ =	shalt  }
0x4f: {  	_ =	shalt  }
0x50: {  	_ =	shalt  }
0x51: {  	_ =	shalt  }
0x52: {  	_ =	shalt  }
0x53: {  	_ =	shalt  }
0x54: {  	_ =	shalt  }
0x55: {  	_ =	shalt  }
0x56: {  	_ =	shalt  }
0x57: {  	_ =	shalt  }
0x58: {  	_ =	shalt  }
0x59: {  	_ =	shalt  }
0x5a: {  	_ =	shalt  }
0x5b: {  	_ =	shalt  }
0x5c: {  	_ =	shalt  }
0x5d: {  	_ =	shalt  }
0x5e: {  	_ =	shalt  }
0x5f: {  	_ =	shalt  }
0x60: {  	_ =	shalt  }
0x61: {  	_ =	shalt  }
0x62: {  	_ =	shalt  }
0x63: {  	_ =	shalt  }
0x64: {  	_ =	shalt  }
0x65: {  	_ =	shalt  }
0x66: {  	_ =	shalt  }
0x67: {  	_ =	shalt  }
0x68: {  	_ =	shalt  }
0x69: {  	_ =	shalt  }
0x6a: {  	_ =	shalt  }
0x6b: {  	_ =	shalt  }
0x6c: {  	_ =	shalt  }
0x6d: {  	_ =	shalt  }
0x6e: {  	_ =	shalt  }
0x6f: {  	_ =	shalt  }
0x70: {  	_ =	shalt  }
0x71: {  	_ =	shalt  }
0x72: {  	_ =	shalt  }
0x73: {  	_ =	shalt  }
0x74: {  	_ =	shalt  }
0x75: {  	_ =	shalt  }
0x76: {  	_ =	shalt  }
0x77: {  	_ =	shalt  }
0x78: {  	_ =	shalt  }
0x79: {  	_ =	shalt  }
0x7a: {  	_ =	shalt  }
0x7b: {  	_ =	shalt  }
0x7c: {  	_ =	shalt  }
0x7d: {  	_ =	shalt  }
0x7e: {  	_ =	shalt  }
0x7f: {  	_ =	shalt  }
0x80: {  	_ =	shalt  }
0x81: {  	_ =	shalt  }
0x82: {  	_ =	shalt  }
0x83: {  	_ =	shalt  }
0x84: {  	_ =	shalt  }
0x85: {  	_ =	shalt  }
0x86: {  	_ =	shalt  }
0x87: {  	_ =	shalt  }
.Lfunc_end0:
.L_simem_size_0:
called_computation_lowered:
.L_overlay_start_0:
0x88: {  	s2 =	sld [smem:$0x3FD9]  }
0x89: {  	s3 =	sld [smem:$0x3FFE];
	_ =	sdelay $0x1  }
0x8a: {  	s1 =	srdreg.scid  }
0x8b: {  	s0 =	sand.u32 $0x1, s1  }
0x8c: {  	s17 =	sshll.u32 s0, $0xA;
	s2 =	sadd.s32 s3, s2  }
0x8d: {  	s2 =	sadd.s32 s2, s17  }
0x8e: {  	[smem:$0x3FB6] =	sst s2  }
0x8f: {  	_ = 	snop  }
0x90: {  	s2 =	sld [smem:$0x3FC8];
	(tm) =	ssettm $0x1  }
0x91: {  	s18 =	sld [smem:$0x3FFB];
	_ =	sdelay $0x3  }
0x92: {  	_ =	strace s18  }
0x93: {  	s3 =	sld [smem:$0x3FFC];
	_ =	sdelay $0x3  }
0x94: {  	_ =	strace s3  }
0x95: {  	s3 =	sld [smem:$0x3FFD];
	_ =	sdelay $0x3  }
0x96: {  	_ =	strace s3  }
0x97: {  	_ =	strace $0x8FFFFFFF  }
0x98: {  	s19 =	sld [smem:$0x3FDB];
	_ =	sdelay $0x1  }
0x99: {  	s4 =	simm.s32 $_scs_section_size  }
0x9a: {  	s5 =	simm.s32 $_size__tile_overlayer_lowered;
	s6 =	simm.s32 $_tile_overlayer_lowered  }
0x9b: {  	s22 =	simm.s32 $0x1BFF;
	s21 =	sshll.u32 s6, $0x1;
	s3 =	sadd.s32 s4, s19  }
0x9c: {  	s7 =	simm.s32 $0x0;
	s20 =	sshll.u32 s5, $0x1;
	s5 =	sadd.s32 s21, s3  }
0x9d: {  	[timem:s7], [sflag:s22] =	dma.local [hbm:s5], s20  }
0x9e: {  	_ =	swait.ge [sflag:s22], s20  }
0x9f: {  	s4 =	ssub.s32 $0x0, s20;
	[sflag:s22] =	ssyncset.done $0x0  }
0xa0: {  	[sflag:s22] =	ssyncadd.s32 s4;
	_ =	sdelay $0x1  }
0xa1: {  	s23 =	simm.s32 $0x1B8B  }
0xa2: {  	_ =	swait.ge [sflag:s23], $0x1  }
0xa3: {  	[sflag:s23] =	ssyncset.done $0x0  }
0xa4: {  	s25 =	simm.s32 $0x1B8E;
	s24 =	sld [smem:$0x3FFE];
	[sflag:s23] =	ssyncadd.s32 $0xFFFFFFFF  }
0xa5: {  	s26 =	simm.s32 $execute0_lowered;
	[smem:$0x3FD2] =	sst s25  }
0xa6: {  	s5 =	sshll.u32 s26, $0x1;
	_ =	strace $0x80000046;
	[dreg:$0x1] =	wrdreg $0xFFFFFFFF  }
0xa7: {  	s28 =	simm.s32 $_size_execute0_lowered;
	s3 =	sadd.s32 s3, s5;
	[dreg:$0x0] =	wrdreg $0x0  }
0xa8: {  	s5 =	sshll.u32 s28, $0x1;
	[dreg:$0x2] =	wrdreg s3  }
0xa9: {  	[dreg:$0x3] =	wrdreg s5  }
0xaa: {  	[dreg:$0x4] =	wrdreg $0xC0  }
0xab: {  	_ =	task [dreg:s7], $0x5FFFF  }
0xac: {  	[dreg:$0x1] =	wrdreg $0xFFFFFFFF  }
0xad: {  	[dreg:$0x0] =	wrdreg $0x60  }
0xae: {  	[dreg:$0x2] =	wrdreg s2  }
0xaf: {  	[dreg:$0x3] =	wrdreg s24  }
0xb0: {  	[dreg:$0x4] =	wrdreg $0x93000  }
0xb1: {  	[dreg:$0x5] =	wrdreg $0x8A000  }
0xb2: {  	[dreg:$0x6] =	wrdreg $0x8B000  }
0xb3: {  	[dreg:$0x7] =	wrdreg $0x9  }
0xb4: {  	_ =	task.clear_ibuf [dreg:s7], $0x8FFFF;
	_ =	strace $0x90000046  }
0xb5: {  	s29 =	simm.s32 $0x9;
	_ =	strace $0x80000048  }
0xb6: {  	_ =	swait.ge [sflag:s29], $0x1  }
0xb7: {  	[sflag:s29] =	ssyncadd.s32 $0xFFFFFFFF  }
0xb8: {  	_ =	strace $0x90000048  }
0xb9: {  	_ =	sfence  }
0xba: {  	s30 =	sld [smem:$0x0];
	_ =	sdelay $0x2  }
0xbb: {  	s31 =	sshll.u32 s1, $0xD;
	s1 =	sshrl.u32 s1, $0x2  }
0xbc: {  	s3 =	sand.u32 $0x4000, s31;
	s1 =	sadd.s32 s1, s30  }
0xbd: {  	s0 =	sor.u32 s3, s0;
	s1 =	sshll.u32 s1, $0x11  }
0xbe: {  	s0 =	sor.u32 s1, s0  }
0xbf: {  	s0 =	sadd.s32 $0x8F2B, s0  }
0xc0: {  	[sflag:s0] =	ssyncadd.remote.s32 $0x1  }
0xc1: {  	_ =	sfence.sel $0xFFFF  }
0xc2: {  	[dreg:$0x0] =	wrdreg $0xFFFFFFFF;
	(pc) =	sbr.abs _section_cstart, $3  }
0xc3: {  	[dreg:$0x1] =	wrdreg $0xFFFFFFFF  }
0xc4: {  	_ =	task.clear_ibuf [dreg:s7], $0x2FFFF;
	_ =	strace $0x9FFFFFFF  }
0xc5: {  	(tm) =	ssettm $0x7FFFFFFF  }
tec
execute0_lowered:
.L_overlay_start_1:
0x0: {  	(tag) =	ssettag $0x1  }
0x1: {  	s1 =	rddreg [dreg:$0x0]  }
0x2: {  	s0 =	rddreg [dreg:$0x1]  }
0x3: {  	s2 =	rddreg [dreg:$0x2]  }
0x4: {  	s3 =	rddreg [dreg:$0x3]  }
0x5: {  	s4 =	rddreg [dreg:$0x4]  }
0x6: {  	s5 =	simm.s32 $0x0;
	s6 =	srdreg.scid;
	s11 =	stileid.u32  }
0x7: {  	s19 =	simm.s32 $0x2;
	s20 =	simm.s32 $0x80;
	s21 =	simm.s32 $0x100  }
0x8: {  	s24 =	simm.s32 $0x4A00;
	s28 =	simm.s32 $0x4900;
	s29 =	simm.s32 $0x2000  }
0x9: {  	s30 =	simm.s32 $0x4800;
	s31 =	simm.s32 $0x1;
	s22 =	simm.s32 $0x0  }
0xa: {  	[smem:$0x7FF] =	sst s5;
	s6 =	sand.u32 $0x1, s6;
	s7 =	sadd.s32 $0x13600, s0  }
0xb: {  	s10 =	sshll.u32 s11, $0x9;
	s15 =	sshll.u32 s11, $0xF;
	s14 =	sshll.u32 s11, $0xB  }
0xc: {  	s17 =	sshll.u32 s11, $0x3;
	p0 =	sne.s32 s11, $0x0;
	_ =	strace $0x80000047  }
0xd: {  	s8 =	ssub.s32 $0x2, s6;
	[dreg:$0x6] =	wrdreg s7;
	s7 =	sadd.s32 $0x3600, s0  }
0xe: {  	s0 =	sadd.s32 $0x13A00, s0;
	s12 =	sadd.s32 s1, s10;
	s25 =	sor.u32 $0x4000, s15  }
0xf: {  	s14 =	sadd.s32 s14, s4;
	s16 =	sshll.u32 s6, $0x7;
	s6 =	sshll.u32 s6, $0x13  }
0x10: {  	s9 =	sshrl.u32 s8, $0x1;
	[dreg:$0x7] =	wrdreg s12;
	s12 =	sadd.s32 s15, s2  }
0x11: {  	s13 =	sadd.s32 s25, s2;
	s18 =	sor.u32 s15, s6;
	s6 =	sor.u32 s6, s25  }
0x12: {  	s15 =	sor.u32 s17, s16;
	s8 =	ssub.s32 s8, s9;
	s9 =	sadd.s32 $0x10, s1  }
0x13: {  	s26 =	sshrl.u32 s18, $0x3;
	s6 =	sshrl.u32 s6, $0x3;
	s10 =	sadd.s32 s10, s9  }
0x14: {  	s16 =	sadd.s32 s0, s26;
	s17 =	sadd.s32 s0, s6;
	s18 =	smax.u32 s8, $0x1  }
0x15: {  	v0 =	vimm.f32 $0.0e+00;
	s26 =	simm.s32 $0x4880;
	s0 =	simm.s32 $0x4980;
	[dreg:$0x8] =	wrdreg s10  }
.LBB2_1:
0x16: {  	s6 =	rddreg [dreg:$0x6]  }
0x17: {  	[tilespmem:s5], [sflag:$0x2] =	stream.linear.gather [hbm4b:s6+s5], $0x2000, $0x38;
	[tilespmem:$0x11300] =	vst v63  }
0x18: {  	_ =	swait.ge [sflag:s19], $0x2000  }
0x19: {  	[sflag:s19] =	ssyncset.done $0x0  }
0x1a: {  	s8 =	simm.s32 $0x3000;
	s11 =	rddreg [dreg:$0x7];
	[sflag:s19] =	ssyncadd.s32 $0xFFFFE000  }
0x1b: {  	[tilespmem:s8], [sflag:$0x2] =	stream.strided.gather [hbm4b:s11+s20], $0x800, s21, s20, $0x38;
	[tilespmem:$0x11300] =	vst v63  }
0x1c: {  	_ =	swait.ge [sflag:s19], $0x800  }
0x1d: {  	[sflag:s19] =	ssyncset.done $0x0  }
0x1e: {  	s25 =	simm.s32 $0x3800;
	s23 =	rddreg [dreg:$0x8];
	[sflag:s19] =	ssyncadd.s32 $0xFFFFF800  }
0x1f: {  	[tilespmem:s25], [sflag:$0x2] =	stream.strided.gather [hbm4b:s23+s20], $0x800, s21, s20, $0x38;
	[tilespmem:$0x11300] =	vst v63  }
0x20: {  	_ =	swait.ge [sflag:s19], $0x800  }
0x21: {  	[sflag:s19] =	ssyncset.done $0x0  }
0x22: {  	s6 =	simm.s32 $0x0;
	s8 =	simm.s32 $0x200;
	[sflag:s19] =	ssyncadd.s32 $0xFFFFF800  }
.LBB2_2:
0x23: {  	p1 =	sne.s32 s8, $0xFE00;
	[tilespmem:s6+$0x4A70] =	vst v0  }
0x24: {  	[tilespmem:s6+$0x4A00] =	vst v0  }
0x25: {  	[tilespmem:s6+$0x4A10] =	vst v0  }
.Ltmp0:
0x26: {  	[tilespmem:s6+$0x4A20] =	vst v0;
	(pc) =	sbr.rel @p1 .LBB2_2-.Ltmp0, $4  }
0x27: {  	[tilespmem:s6+$0x4A30] =	vst v0  }
0x28: {  	[tilespmem:s6+$0x4A40] =	vst v0  }
0x29: {  	[tilespmem:s6+$0x4A50] =	vst v0  }
0x2a: {  	[tilespmem:s6+$0x4A60] =	vst v0;
	s6 =	sshra.s32 s8, $0x2;
	s8 =	sadd.s32 $0x200, s8  }
0x2b: {  	[tilespmem:s6+$0x4A70] =	vst v0  }
0x2c: {  	[tilespmem:s6+$0x4A00] =	vst v0  }
0x2d: {  	[tilespmem:s6+$0x4A10] =	vst v0  }
0x2e: {  	[tilespmem:s6+$0x4A20] =	vst v0  }
0x2f: {  	[tilespmem:s6+$0x4A30] =	vst v0  }
0x30: {  	[tilespmem:s6+$0x4A40] =	vst v0  }
0x31: {  	[tilespmem:s6+$0x4A50] =	vst v0  }
0x32: {  	[tilespmem:s6+$0x4A60] =	vst v0;
	s6 =	simm.s32 $0x40;
	s8 =	simm.s32 $0x0  }
.LBB2_4:
0x33: {  	p1 =	sne.s32 s6, $0x3FC0;
	[tilespmem:s8+$0x2000] =	vst v0;
	s8 =	smov.u32 s6;
	s6 =	sadd.s32 $0x40, s6  }
.Ltmp1:
0x34: {  	(pc) =	sbr.rel @p1 .LBB2_4-.Ltmp1, $2  }
0x35: {  	_ =	sdelay $0x2  }
0x36: {  	s8 =	sshra.s32 s8, $0x2  }
0x37: {  	[tilespmem:s8+$0x2000] =	vst v0  }
0x38: {  	[spmem:s12] =	stream.linear.scatter [tilespmem:s24], [sflag:$0x2], $0x4000, $0x38;
	[tilespmem:$0x11300] =	vst v63  }
0x39: {  	_ =	swait.ge [sflag:s19], $0x4000  }
0x3a: {  	[sflag:s19] =	ssyncset.done $0x0  }
0x3b: {  	[sflag:s19] =	ssyncadd.s32 $0xFFFFC000  }
0x3c: {  	[spmem:s13] =	stream.linear.scatter [tilespmem:s24], [sflag:$0x2], $0x4000, $0x38;
	[tilespmem:$0x11300] =	vst v63  }
0x3d: {  	_ =	swait.ge [sflag:s19], $0x4000  }
0x3e: {  	[sflag:s19] =	ssyncset.done $0x0  }
0x3f: {  	s6 =	simm.s32 @!p0 $0x2000;
	[sflag:s19] =	ssyncadd.s32 $0xFFFFC000  }
0x40: {  	[spmem:s3] =	stream.linear.scatter @!p0 [tilespmem:s6], [sflag:$0x2], $0x1000, $0x38;
	[tilespmem:$0x11300] =	vst v63  }
0x41: {  	s6 =	simm.s32 @!p0 $0x2  }
0x42: {  	_ =	swait.ge @!p0 [sflag:s6], $0x1000  }
0x43: {  	[sflag:s6] =	ssyncset.done @!p0 $0x0  }
0x44: {  	[sflag:s6] =	ssyncadd.s32 @!p0 $0xFFFFF000  }
0x45: {  	s8 =	simm.s32 $0x0;
	[bflag:$0x0] =	sbarrier.arrive $0xFFFF  }
0x46: {  	v1 =	vld [tilespmem:s8+$0x3800]  }
0x47: {  	v2 =	vld [tilespmem:s8+$0x3000];
	_ =	sdelay $0x4  }
0x48: {  	v1 =	vshll.u32 v1, $0x1;
	v2 =	vshll.u32 v2, $0x1  }
0x49: {  	v1 =	vor.u32 $0x1, v1;
	_ =	sdelay $0x3  }
0x4a: {  	v2 =	vld.idx.msk [tilespmem:v2+s5+$0x0], $0xffff  }
0x4b: {  	v1 =	vld.idx.msk [tilespmem:v1+s5+$0x0], $0xffff;
	_ =	sdelay $0x4  }
0x4c: {  	v1 =	vadd.f32 v1, v2;
	_ =	sdelay $0x1  }
0x4d: {  	v2 =	vmul.f32 $2.000000030e-01, v1;
	_ =	sdelay $0x1  }
0x4e: {  	v1 =	vmax.f32 v1, v2  }
0x4f: {  	v2 =	vmul.f32 $1.442695020e+00, v1  }
0x50: {  	s10 =	simm.s32 $0x10  }
0x51: {  	s6 =	simm.s32 $0x80;
	v1 =	vld [tilespmem:s10+$0x3800];
	(erf) = vpow2.f32 v2  }
.LBB2_6:
0x52: {  	p1 =	sne.s32 s6, $0x1FC0  }
0x53: {  	v2 =	vld [tilespmem:s10+$0x3000];
	_ =	sdelay $0x2  }
0x54: {  	v1 =	vshll.u32 v1, $0x1  }
0x55: {  	v1 =	vor.u32 $0x1, v1  }
0x56: {  	v2 =	vshll.u32 v2, $0x1;
	_ =	sdelay $0x1  }
0x57: {  	v3 =	vpop (erf)  }
0x58: {  	[tilespmem:s8+$0x4000] =	vst v3;
	s8 =	smov.u32 s10  }
0x59: {  	v1 =	vld.idx.msk [tilespmem:v1+s5+$0x0], $0xffff  }
0x5a: {  	v2 =	vld.idx.msk [tilespmem:v2+s5+$0x0], $0xffff;
	_ =	sdelay $0x5  }
0x5b: {  	v1 =	vadd.f32 v1, v2;
	_ =	sdelay $0x1  }
0x5c: {  	v2 =	vmul.f32 $2.000000030e-01, v1  }
.Ltmp2:
0x5d: {  	(pc) =	sbr.rel @p1 .LBB2_6-.Ltmp2, $4  }
0x5e: {  	v1 =	vmax.f32 v1, v2  }
0x5f: {  	v2 =	vmul.f32 $1.442695020e+00, v1  }
0x60: {  	s10 =	sshra.s32 s6, $0x2  }
0x61: {  	s6 =	sadd.s32 $0x40, s6;
	v1 =	vld [tilespmem:s10+$0x3800];
	(erf) = vpow2.f32 v2  }
0x62: {  	_ = 	snop  }
0x63: {  	v2 =	vld [tilespmem:s10+$0x3000];
	_ =	sdelay $0x2  }
0x64: {  	v1 =	vshll.u32 v1, $0x1  }
0x65: {  	v1 =	vor.u32 $0x1, v1  }
0x66: {  	v2 =	vshll.u32 v2, $0x1;
	_ =	sdelay $0x1  }
0x67: {  	v3 =	vpop (erf)  }
0x68: {  	[tilespmem:s8+$0x4000] =	vst v3  }
0x69: {  	v1 =	vld.idx.msk [tilespmem:v1+s5+$0x0], $0xffff  }
0x6a: {  	v2 =	vld.idx.msk [tilespmem:v2+s5+$0x0], $0xffff;
	_ =	sdelay $0x4  }
0x6b: {  	v1 =	vadd.f32 v1, v2;
	_ =	sdelay $0x1  }
0x6c: {  	v2 =	vmul.f32 $2.000000030e-01, v1;
	_ =	sdelay $0x1  }
0x6d: {  	v1 =	vmax.f32 v1, v2  }
0x6e: {  	v1 =	vmul.f32 $1.442695020e+00, v1;
	_ =	sdelay $0x1  }
0x6f: {  	(erf) = vpow2.f32 v1;
	_ =	sdelay $0x8  }
0x70: {  	v1 =	vpop (erf)  }
0x71: {  	s6 =	simm.s32 $0x4000;
	[tilespmem:s10+$0x4000] =	vst v1  }
0x72: {  	[spmem:s14] =	stream.linear.scatter [tilespmem:s6], [sflag:$0x2], $0x800, $0x38;
	[tilespmem:$0x11300] =	vst v63  }
0x73: {  	_ =	swait.ge [sflag:s19], $0x800  }
0x74: {  	[sflag:s19] =	ssyncset.done $0x0  }
0x75: {  	s25 =	simm.s32 $0x0;
	[sflag:s19] =	ssyncadd.s32 $0xFFFFF800  }
0x76: {  	v1 =	vld [tilespmem:s25+$0x3800];
	_ =	sdelay $0x4  }
0x77: {  	[tilespmem:$0x4880] =	vst v1  }
0x78: {  	v1 =	vld [tilespmem:s25+$0x4000];
	_ =	sdelay $0x4  }
0x79: {  	[tilespmem:$0x4900] =	vst v1  }
0x7a: {  	v1 =	vld [tilespmem:s25+$0x3810];
	_ =	sdelay $0x4  }
0x7b: {  	[tilespmem:$0x4890] =	vst v1  }
0x7c: {  	v1 =	vld [tilespmem:s25+$0x4010];
	_ =	sdelay $0x4  }
0x7d: {  	[tilespmem:$0x4910] =	vst v1  }
0x7e: {  	v1 =	vld [tilespmem:s25+$0x3820];
	_ =	sdelay $0x4  }
0x7f: {  	[tilespmem:$0x48A0] =	vst v1  }
0x80: {  	v1 =	vld [tilespmem:s25+$0x4020];
	_ =	sdelay $0x4  }
0x81: {  	[tilespmem:$0x4920] =	vst v1  }
0x82: {  	v1 =	vld [tilespmem:s25+$0x3830];
	_ =	sdelay $0x4  }
0x83: {  	[tilespmem:$0x48B0] =	vst v1  }
0x84: {  	v1 =	vld [tilespmem:s25+$0x4030];
	_ =	sdelay $0x4  }
0x85: {  	[tilespmem:$0x4930] =	vst v1  }
0x86: {  	v1 =	vld [tilespmem:s25+$0x3840];
	_ =	sdelay $0x4  }
0x87: {  	[tilespmem:$0x48C0] =	vst v1  }
0x88: {  	v1 =	vld [tilespmem:s25+$0x4040];
	_ =	sdelay $0x4  }
0x89: {  	[tilespmem:$0x4940] =	vst v1  }
0x8a: {  	v1 =	vld [tilespmem:s25+$0x3850];
	_ =	sdelay $0x4  }
0x8b: {  	[tilespmem:$0x48D0] =	vst v1  }
0x8c: {  	v1 =	vld [tilespmem:s25+$0x4050];
	_ =	sdelay $0x4  }
0x8d: {  	[tilespmem:$0x4950] =	vst v1  }
0x8e: {  	v1 =	vld [tilespmem:s25+$0x3860];
	_ =	sdelay $0x4  }
0x8f: {  	[tilespmem:$0x48E0] =	vst v1  }
0x90: {  	v1 =	vld [tilespmem:s25+$0x4060];
	_ =	sdelay $0x4  }
0x91: {  	[tilespmem:$0x4960] =	vst v1  }
0x92: {  	v1 =	vld [tilespmem:s25+$0x3870];
	_ =	sdelay $0x4  }
0x93: {  	[tilespmem:$0x48F0] =	vst v1  }
0x94: {  	v1 =	vld [tilespmem:s25+$0x4070];
	_ =	sdelay $0x4  }
0x95: {  	[tilespmem:$0x4970] =	vst v1  }
0x96: {  	[spmem:s3] =	stream.indirect.scatter.add.f32 [tilespmem:s28], [sflag:$0x2], $0x1, s26, s20, $0xb8;
	[tilespmem:$0x11300] =	vst v63  }
0x97: {  	_ =	swait.ge [sflag:s19], $0x80  }
0x98: {  	s23 =	simm.s32 $0x200;
	s6 =	simm.s32 $0x400;
	[sflag:s19] =	ssyncset.done $0x0  }
.LBB2_8:
0x99: {  	s8 =	sshra.s32 s23, $0x2  }
0x9a: {  	[sflag:s19] =	ssyncadd.s32 $0xFFFFFF80;
	s23 =	smov.u32 s6;
	s25 =	sadd.s32 $0x200, s6  }
0x9b: {  	p1 =	sne.s32 s6, $0x1E00;
	v1 =	vld [tilespmem:s8+$0x3800];
	_ =	sdelay $0x4  }
0x9c: {  	[tilespmem:$0x4880] =	vst v1  }
0x9d: {  	v1 =	vld [tilespmem:s8+$0x4000];
	_ =	sdelay $0x4  }
0x9e: {  	[tilespmem:$0x4900] =	vst v1  }
0x9f: {  	v1 =	vld [tilespmem:s8+$0x3810];
	_ =	sdelay $0x4  }
0xa0: {  	[tilespmem:$0x4890] =	vst v1  }
0xa1: {  	v1 =	vld [tilespmem:s8+$0x4010];
	_ =	sdelay $0x4  }
0xa2: {  	[tilespmem:$0x4910] =	vst v1  }
0xa3: {  	v1 =	vld [tilespmem:s8+$0x3820];
	_ =	sdelay $0x4  }
0xa4: {  	[tilespmem:$0x48A0] =	vst v1  }
0xa5: {  	v1 =	vld [tilespmem:s8+$0x4020];
	_ =	sdelay $0x4  }
0xa6: {  	[tilespmem:$0x4920] =	vst v1  }
0xa7: {  	v1 =	vld [tilespmem:s8+$0x3830];
	_ =	sdelay $0x4  }
0xa8: {  	[tilespmem:$0x48B0] =	vst v1  }
0xa9: {  	v1 =	vld [tilespmem:s8+$0x4030];
	_ =	sdelay $0x4  }
0xaa: {  	[tilespmem:$0x4930] =	vst v1  }
0xab: {  	v1 =	vld [tilespmem:s8+$0x3840];
	_ =	sdelay $0x4  }
0xac: {  	[tilespmem:$0x48C0] =	vst v1  }
0xad: {  	v1 =	vld [tilespmem:s8+$0x4040];
	_ =	sdelay $0x4  }
0xae: {  	[tilespmem:$0x4940] =	vst v1  }
0xaf: {  	v1 =	vld [tilespmem:s8+$0x3850];
	_ =	sdelay $0x4  }
0xb0: {  	[tilespmem:$0x48D0] =	vst v1  }
0xb1: {  	v1 =	vld [tilespmem:s8+$0x4050];
	_ =	sdelay $0x4  }
0xb2: {  	[tilespmem:$0x4950] =	vst v1  }
0xb3: {  	v1 =	vld [tilespmem:s8+$0x3860];
	_ =	sdelay $0x4  }
0xb4: {  	[tilespmem:$0x48E0] =	vst v1  }
0xb5: {  	v1 =	vld [tilespmem:s8+$0x4060];
	_ =	sdelay $0x4  }
0xb6: {  	[tilespmem:$0x4960] =	vst v1  }
0xb7: {  	v1 =	vld [tilespmem:s8+$0x3870];
	_ =	sdelay $0x4  }
0xb8: {  	[tilespmem:$0x48F0] =	vst v1  }
0xb9: {  	v1 =	vld [tilespmem:s8+$0x4070];
	_ =	sdelay $0x3  }
.Ltmp3:
0xba: {  	(pc) =	sbr.rel @p1 .LBB2_8-.Ltmp3, $4  }
0xbb: {  	[tilespmem:$0x4970] =	vst v1  }
0xbc: {  	[spmem:s3] =	stream.indirect.scatter.add.f32 [tilespmem:s28], [sflag:$0x2], $0x1, s26, s20, $0xb8;
	[tilespmem:$0x11300] =	vst v63  }
0xbd: {  	_ =	swait.ge [sflag:s19], $0x80  }
0xbe: {  	s6 =	smov.u32 s25;
	[sflag:s19] =	ssyncset.done $0x0  }
0xbf: {  	s6 =	sshra.s32 s23, $0x2;
	[sflag:s19] =	ssyncadd.s32 $0xFFFFFF80  }
0xc0: {  	v1 =	vld [tilespmem:s6+$0x3800];
	_ =	sdelay $0x4  }
0xc1: {  	[tilespmem:$0x4880] =	vst v1  }
0xc2: {  	v1 =	vld [tilespmem:s6+$0x4000];
	_ =	sdelay $0x4  }
0xc3: {  	[tilespmem:$0x4900] =	vst v1  }
0xc4: {  	v1 =	vld [tilespmem:s6+$0x3810];
	_ =	sdelay $0x4  }
0xc5: {  	[tilespmem:$0x4890] =	vst v1  }
0xc6: {  	v1 =	vld [tilespmem:s6+$0x4010];
	_ =	sdelay $0x4  }
0xc7: {  	[tilespmem:$0x4910] =	vst v1  }
0xc8: {  	v1 =	vld [tilespmem:s6+$0x3820];
	_ =	sdelay $0x4  }
0xc9: {  	[tilespmem:$0x48A0] =	vst v1  }
0xca: {  	v1 =	vld [tilespmem:s6+$0x4020];
	_ =	sdelay $0x4  }
0xcb: {  	[tilespmem:$0x4920] =	vst v1  }
0xcc: {  	v1 =	vld [tilespmem:s6+$0x3830];
	_ =	sdelay $0x4  }
0xcd: {  	[tilespmem:$0x48B0] =	vst v1  }
0xce: {  	v1 =	vld [tilespmem:s6+$0x4030];
	_ =	sdelay $0x4  }
0xcf: {  	[tilespmem:$0x4930] =	vst v1  }
0xd0: {  	v1 =	vld [tilespmem:s6+$0x3840];
	_ =	sdelay $0x4  }
0xd1: {  	[tilespmem:$0x48C0] =	vst v1  }
0xd2: {  	v1 =	vld [tilespmem:s6+$0x4040];
	_ =	sdelay $0x4  }
0xd3: {  	[tilespmem:$0x4940] =	vst v1  }
0xd4: {  	v1 =	vld [tilespmem:s6+$0x3850];
	_ =	sdelay $0x4  }
0xd5: {  	[tilespmem:$0x48D0] =	vst v1  }
0xd6: {  	v1 =	vld [tilespmem:s6+$0x4050];
	_ =	sdelay $0x4  }
0xd7: {  	[tilespmem:$0x4950] =	vst v1  }
0xd8: {  	v1 =	vld [tilespmem:s6+$0x3860];
	_ =	sdelay $0x4  }
0xd9: {  	[tilespmem:$0x48E0] =	vst v1  }
0xda: {  	v1 =	vld [tilespmem:s6+$0x4060];
	_ =	sdelay $0x4  }
0xdb: {  	[tilespmem:$0x4960] =	vst v1  }
0xdc: {  	v1 =	vld [tilespmem:s6+$0x3870];
	_ =	sdelay $0x4  }
0xdd: {  	[tilespmem:$0x48F0] =	vst v1  }
0xde: {  	v1 =	vld [tilespmem:s6+$0x4070];
	_ =	sdelay $0x4  }
0xdf: {  	[tilespmem:$0x4970] =	vst v1  }
0xe0: {  	[spmem:s3] =	stream.indirect.scatter.add.f32 [tilespmem:s28], [sflag:$0x2], $0x1, s26, s20, $0xb8;
	[tilespmem:$0x11300] =	vst v63  }
0xe1: {  	_ =	swait.ge [sflag:s19], $0x80  }
0xe2: {  	[sflag:s19] =	ssyncset.done $0x0  }
0xe3: {  	[sflag:s19] =	ssyncadd.s32 $0xFFFFFF80  }
0xe4: {  	[bflag:$0x0] =	sbarrier.arrive $0xFFFF  }
0xe5: {  	[tilespmem:s29], [sflag:$0x2] =	stream.linear.gather [spmem:s3], $0x1000, $0x38;
	[tilespmem:$0x11300] =	vst v63  }
0xe6: {  	_ =	swait.ge [sflag:s19], $0x1000  }
0xe7: {  	[sflag:s19] =	ssyncset.done $0x0  }
0xe8: {  	s23 =	simm.s32 $0x0;
	s25 =	simm.s32 $0x0;
	[sflag:s19] =	ssyncadd.s32 $0xFFFFF000  }
.LBB2_10:
0xe9: {  	s6 =	sadd.s32 s15, s25  }
0xea: {  	s8 =	sshll.u32 s6, $0x5  }
0xeb: {  	s10 =	sadd.s32 s1, s8  }
0xec: {  	[tilespmem:s30], [sflag:$0x2] =	stream.linear.gather [hbm4b:s10+s23], $0x80, $0x38;
	[tilespmem:$0x11300] =	vst v63  }
0xed: {  	_ =	swait.ge [sflag:s19], $0x80  }
0xee: {  	[sflag:s19] =	ssyncset.done $0x0  }
0xef: {  	s8 =	sadd.s32 s8, s9;
	[sflag:s19] =	ssyncadd.s32 $0xFFFFFF80  }
0xf0: {  	[tilespmem:s26], [sflag:$0x2] =	stream.linear.gather [hbm4b:s8+s23], $0x80, $0x38;
	[tilespmem:$0x11300] =	vst v63  }
0xf1: {  	s6 =	sshll.u32 s6, $0x7;
	_ =	swait.ge [sflag:s19], $0x80  }
0xf2: {  	s6 =	sand.u32 $0x3FFFFF80, s6;
	[sflag:s19] =	ssyncset.done $0x0  }
0xf3: {  	s6 =	sadd.s32 s6, s4;
	[sflag:s19] =	ssyncadd.s32 $0xFFFFFF80  }
0xf4: {  	[tilespmem:s28], [sflag:$0x2] =	stream.linear.gather [spmem:s6], $0x80, $0x38;
	[tilespmem:$0x11300] =	vst v63  }
0xf5: {  	_ =	swait.ge [sflag:s19], $0x80  }
0xf6: {  	[sflag:s19] =	ssyncset.done $0x0  }
0xf7: {  	[sflag:s19] =	ssyncadd.s32 $0xFFFFFF80  }
0xf8: {  	[tilespmem:s24], [sflag:$0x1] =	stream.indirect.gather [hbm4b:s7+s20], $0x80, s30, s20, $0xb8;
	[tilespmem:$0x11300] =	vst v63  }
0xf9: {  	_ =	swait.ge [sflag:s31], $0x4000  }
0xfa: {  	[sflag:s31] =	ssyncset.done $0x0  }
0xfb: {  	[sflag:s31] =	ssyncadd.s32 $0xFFFFC000  }
0xfc: {  	v1 =	vld [tilespmem:$0x4880];
	_ =	sdelay $0x7  }
0xfd: {  	v1 =	vld.idx.msk [tilespmem:v1+s29+$0x0], $0xffff;
	_ =	sdelay $0x4  }
0xfe: {  	(erf) = vrcp.f32 v1;
	_ =	sdelay $0x3  }
0xff: {  	v2 =	vld [tilespmem:$0x4890]  }
0x100: {  	v1 =	vld [tilespmem:$0x4900];
	_ =	sdelay $0x3  }
0x101: {  	v3 =	vpop (erf)  }
0x102: {  	v1 =	vmul.f32 v3, v1;
	_ =	sdelay $0x1  }
0x103: {  	[tilespmem:$0x4980] =	vst v1  }
0x104: {  	v1 =	vld.idx.msk [tilespmem:v2+s29+$0x0], $0xffff;
	_ =	sdelay $0x4  }
0x105: {  	(erf) = vrcp.f32 v1;
	_ =	sdelay $0x3  }
0x106: {  	v2 =	vld [tilespmem:$0x48A0]  }
0x107: {  	v1 =	vld [tilespmem:$0x4910];
	_ =	sdelay $0x3  }
0x108: {  	v3 =	vpop (erf)  }
0x109: {  	v1 =	vmul.f32 v3, v1;
	_ =	sdelay $0x1  }
0x10a: {  	[tilespmem:$0x4990] =	vst v1  }
0x10b: {  	v1 =	vld.idx.msk [tilespmem:v2+s29+$0x0], $0xffff;
	_ =	sdelay $0x4  }
0x10c: {  	(erf) = vrcp.f32 v1;
	_ =	sdelay $0x3  }
0x10d: {  	v2 =	vld [tilespmem:$0x48B0]  }
0x10e: {  	v1 =	vld [tilespmem:$0x4920];
	_ =	sdelay $0x3  }
0x10f: {  	v3 =	vpop (erf)  }
0x110: {  	v1 =	vmul.f32 v3, v1;
	_ =	sdelay $0x1  }
0x111: {  	[tilespmem:$0x49A0] =	vst v1  }
0x112: {  	v1 =	vld.idx.msk [tilespmem:v2+s29+$0x0], $0xffff;
	_ =	sdelay $0x4  }
0x113: {  	(erf) = vrcp.f32 v1;
	_ =	sdelay $0x3  }
0x114: {  	v2 =	vld [tilespmem:$0x48C0]  }
0x115: {  	v1 =	vld [tilespmem:$0x4930];
	_ =	sdelay $0x3  }
0x116: {  	v3 =	vpop (erf)  }
0x117: {  	v1 =	vmul.f32 v3, v1;
	_ =	sdelay $0x1  }
0x118: {  	[tilespmem:$0x49B0] =	vst v1  }
0x119: {  	v1 =	vld.idx.msk [tilespmem:v2+s29+$0x0], $0xffff;
	_ =	sdelay $0x4  }
0x11a: {  	(erf) = vrcp.f32 v1;
	_ =	sdelay $0x3  }
0x11b: {  	v2 =	vld [tilespmem:$0x48D0]  }
0x11c: {  	v1 =	vld [tilespmem:$0x4940];
	_ =	sdelay $0x3  }
0x11d: {  	v3 =	vpop (erf)  }
0x11e: {  	v1 =	vmul.f32 v3, v1;
	_ =	sdelay $0x1  }
0x11f: {  	[tilespmem:$0x49C0] =	vst v1  }
0x120: {  	v1 =	vld.idx.msk [tilespmem:v2+s29+$0x0], $0xffff;
	_ =	sdelay $0x4  }
0x121: {  	(erf) = vrcp.f32 v1;
	_ =	sdelay $0x3  }
0x122: {  	v2 =	vld [tilespmem:$0x48E0]  }
0x123: {  	v1 =	vld [tilespmem:$0x4950];
	_ =	sdelay $0x3  }
0x124: {  	v3 =	vpop (erf)  }
0x125: {  	v1 =	vmul.f32 v3, v1;
	_ =	sdelay $0x1  }
0x126: {  	[tilespmem:$0x49D0] =	vst v1  }
0x127: {  	v1 =	vld.idx.msk [tilespmem:v2+s29+$0x0], $0xffff;
	_ =	sdelay $0x4  }
0x128: {  	(erf) = vrcp.f32 v1;
	_ =	sdelay $0x3  }
0x129: {  	v2 =	vld [tilespmem:$0x48F0]  }
0x12a: {  	v1 =	vld [tilespmem:$0x4960];
	_ =	sdelay $0x3  }
0x12b: {  	v3 =	vpop (erf)  }
0x12c: {  	v1 =	vmul.f32 v3, v1;
	_ =	sdelay $0x1  }
0x12d: {  	[tilespmem:$0x49E0] =	vst v1  }
0x12e: {  	v1 =	vld.idx.msk [tilespmem:v2+s29+$0x0], $0xffff;
	_ =	sdelay $0x4  }
0x12f: {  	(erf) = vrcp.f32 v1;
	_ =	sdelay $0x4  }
0x130: {  	v1 =	vld [tilespmem:$0x4970];
	_ =	sdelay $0x3  }
0x131: {  	v2 =	vpop (erf)  }
0x132: {  	v1 =	vmul.f32 v2, v1  }
0x133: {  	v2 =	vmov s23  }
0x134: {  	s8 =	simm.s32 $0x4A40;
	[tilespmem:$0x49F0] =	vst v1  }
0x135: {  	v5 =	vld [tilespmem:s8+$0x30]  }
0x136: {  	v8 =	vld [tilespmem:s8+$0x10]  }
0x137: {  	v6 =	vld [tilespmem:s8+$0xFFFFFFC0]  }
0x138: {  	v2 =	vld.idx.msk [tilespmem:v2+s0+$0x0], $0xffff  }
0x139: {  	v10 =	vld [tilespmem:s8+$0xFFFFFFE0]  }
0x13a: {  	v1 =	vld [tilespmem:s8+$0xFFFFFFF0]  }
0x13b: {  	v3 =	vld [tilespmem:s8+$0x20]  }
0x13c: {  	v4 =	vld [tilespmem:s8+$0xFFFFFFD0]  }
0x13d: {  	v9 =	vmul.f32 v5, v2;
	v5 =	vld [tilespmem:s8+$0x0]  }
0x13e: {  	v7 =	vmul.f32 v6, v2  }
0x13f: {  	s10 =	simm.s32 $0x4A40;
	s6 =	simm.s32 $0x1;
	v6 =	vmul.f32 v10, v2;
	v8 =	vmul.f32 v8, v2  }
.LBB2_11:
0x140: {  	p1 =	sne.s32 s6, $0x7F  }
0x141: {  	v4 =	vmul.f32 v4, v2;
	v3 =	vmul.f32 v3, v2;
	[tilespmem:s8+$0x30] =	vst v9;
	s10 =	sadd.s32 $0x80, s10;
	s11 =	smov.u32 s6;
	s6 =	sadd.s32 $0x1, s6  }
0x142: {  	[tilespmem:s8+$0xFFFFFFC0] =	vst v7;
	v7 =	vmul.f32 v1, v2;
	v2 =	vmul.f32 v5, v2  }
0x143: {  	[tilespmem:s8+$0x10] =	vst v8  }
0x144: {  	v5 =	vmov s11;
	[tilespmem:s8+$0xFFFFFFE0] =	vst v6  }
0x145: {  	v1 =	vld [tilespmem:s10+$0xFFFFFFF0];
	[tilespmem:s8+$0xFFFFFFF0] =	vst v7  }
0x146: {  	v6 =	vld [tilespmem:s10+$0x30];
	[tilespmem:s8+$0x0] =	vst v2  }
0x147: {  	v8 =	vld [tilespmem:s10+$0x10];
	[tilespmem:s8+$0x20] =	vst v3  }
0x148: {  	v7 =	vld [tilespmem:s10+$0xFFFFFFC0];
	[tilespmem:s8+$0xFFFFFFD0] =	vst v4;
	s8 =	smov.u32 s10  }
0x149: {  	v2 =	vld.idx.msk [tilespmem:v5+s0+$0x0], $0xffff  }
0x14a: {  	v10 =	vld [tilespmem:s10+$0xFFFFFFE0]  }
0x14b: {  	v3 =	vld [tilespmem:s10+$0x20]  }
.Ltmp4:
0x14c: {  	v4 =	vld [tilespmem:s10+$0xFFFFFFD0];
	(pc) =	sbr.rel @p1 .LBB2_11-.Ltmp4, $3  }
0x14d: {  	v5 =	vld [tilespmem:s10+$0x0];
	_ =	sdelay $0x1  }
0x14e: {  	v7 =	vmul.f32 v7, v2;
	v9 =	vmul.f32 v6, v2  }
0x14f: {  	v8 =	vmul.f32 v8, v2;
	v6 =	vmul.f32 v10, v2  }
0x150: {  	[tilespmem:s8+$0x30] =	vst v9  }
0x151: {  	[tilespmem:s8+$0xFFFFFFC0] =	vst v7  }
0x152: {  	v1 =	vmul.f32 v1, v2;
	[tilespmem:s8+$0x10] =	vst v8  }
0x153: {  	v3 =	vmul.f32 v3, v2;
	[tilespmem:s8+$0xFFFFFFE0] =	vst v6  }
0x154: {  	v5 =	vmul.f32 v5, v2;
	[tilespmem:s8+$0xFFFFFFF0] =	vst v1  }
0x155: {  	s25 =	sadd.s32 $0x1, s25;
	v1 =	vmul.f32 v4, v2;
	[tilespmem:s8+$0x20] =	vst v3  }
0x156: {  	p1 =	sne.s32 s25, $0x8;
	[tilespmem:s8+$0x0] =	vst v5  }
.Ltmp5:
0x157: {  	[tilespmem:s8+$0xFFFFFFD0] =	vst v1;
	(pc) =	sbr.rel @p1 .LBB2_10-.Ltmp5, $4  }
0x158: {  	[spmem:s2] =	stream.indirect.scatter.add.f32 [tilespmem:s24], [sflag:$0x2], $0x80, s26, s20, $0xb8;
	[tilespmem:$0x11300] =	vst v63  }
0x159: {  	_ =	swait.ge [sflag:s19], $0x4000  }
0x15a: {  	[sflag:s19] =	ssyncset.done $0x0  }
0x15b: {  	[sflag:s19] =	ssyncadd.s32 $0xFFFFC000  }
0x15c: {  	s6 =	stileid.u32  }
0x15d: {  	s6 =	sshll.u32 s6, $0x6  }
0x15e: {  	[bflag:$0x0] =	sbarrier.arrive $0xFFFF;
	s8 =	sshrl.u32 s12, $0x3;
	s6 =	sor.u32 $0x1C02, s6  }
0x15f: {  	[hbm:s16], [sflag:s6] =	dma.local [spmem:s8], $0x800  }
0x160: {  	s22 =	sadd.s32 $0x1, s22;
	_ =	swait.ge [sflag:s19], $0x800  }
0x161: {  	p1 =	sne.s32 s22, s18;
	[sflag:s19] =	ssyncset.done $0x0  }
.Ltmp6:
0x162: {  	s25 =	sshrl.u32 s13, $0x3;
	[sflag:s19] =	ssyncadd.s32 $0xFFFFF800;
	(pc) =	sbr.rel @p1 .LBB2_1-.Ltmp6, $4  }
0x163: {  	[hbm:s17], [sflag:s6] =	dma.local [spmem:s25], $0x800  }
0x164: {  	_ =	swait.ge [sflag:s19], $0x800  }
0x165: {  	[sflag:s19] =	ssyncset.done $0x0  }
0x166: {  	[sflag:s19] =	ssyncadd.s32 $0xFFFFF800  }
0x167: {  	_ =	sfence.sel $0x180000  }
0x168: {  	[bflag:$0x0] =	sbarrier.arrive $0xFFFF  }
0x169: {  	_ =	strace $0x90000047  }
0x16a: {  	[bflag:$0x2] =	sbarrier.arrive $0xFFFF  }
0x16b: {  	s0 =	rddreg [dreg:$0x5]  }
0x16c: {  	s0 =	sadd.s32 @!p0 $0x100000, s0  }
0x16d: {  	[sflag:s0] =	ssyncadd.tile.s32 @!p0 $0x1;
	_ =	shalt  }
.Lfunc_end2:
_tile_overlayer_lowered:
.L_overlay_start_2:
0x16e: {  	(tag) =	ssettag $0x2  }
0x16f: {  	s0 =	rddreg [dreg:$0x0];
	s2 =	stileid.u32  }
0x170: {  	s1 =	rddreg [dreg:$0x1];
	p0 =	sne.s32 s2, $0x0  }
0x171: {  	s3 =	rddreg [dreg:$0x2];
	[bflag:$0x3] =	sbarrier.arrive $0xFFFF;
	s2 =	simm.s32 @!p0 $0x1C02  }
0x172: {  	[timem:s3], [sflag:s2] =	dma.local @!p0 [hbm:s0], s1  }
0x173: {  	s0 =	simm.s32 @!p0 $0x2  }
0x174: {  	_ =	swait.ge @!p0 [sflag:s0], s1  }
0x175: {  	s1 =	ssub.s32 @!p0 $0x0, s1;
	[sflag:s0] =	ssyncset.done @!p0 $0x0  }
0x176: {  	[sflag:s0] =	ssyncadd.s32 @!p0 s1  }
0x177: {  	[bflag:$0x3] =	sbarrier.arrive $0xFFFF  }
0x178: {  	_ =	shalt  }

</sc_bundles>
